<compile_context>
chip_gen: v7x
topology: tpu7x:2x2x1
jax: 0.10.2.dev20260603
libtpu: 0.0.44.dev20260713+nightly
codegen_flags: <defaults>
</compile_context>

<pallas_src>
import functools

import jax
import jax.numpy as jnp
from jax import lax
from jax.experimental import pallas as pl
from jax.experimental.pallas import tpu as pltpu
from jax.experimental.pallas import tpu_sc as plsc

N_NODES = 10000
N_EDGES = 320000
NC = 2
NS = 16
NW = NC * NS
E_PER_TILE = N_EDGES // NW
CHUNK = 80
N_CHUNKS = E_PER_TILE // CHUNK
N_PAD = 10240
ROWS_PER_TILE = N_PAD // NS


def _sc_mesh():
  return plsc.VectorSubcoreMesh(
      core_axis_name="c", subcore_axis_name="s", num_cores=NC, num_subcores=NS)


_DDEPTH = 2


@functools.partial(
    pl.kernel,
    out_type=jax.ShapeDtypeStruct((2, NC, N_PAD), jnp.float32),
    mesh=_sc_mesh(),
    scratch_types=(
        [pltpu.VMEM((CHUNK,), jnp.int32)] * _DDEPTH +
        [pltpu.VMEM((CHUNK,), jnp.int32)] * _DDEPTH +
        [pltpu.VMEM((CHUNK,), jnp.float32),
         pltpu.VMEM((640,), jnp.float32),
         pltpu.VMEM_SHARED((N_PAD,), jnp.float32),
         pltpu.VMEM_SHARED((N_PAD,), jnp.float32)] +
        [pltpu.SemaphoreType.DMA] * (2 * _DDEPTH)
    ),
)
def _sc_degrees(src_hbm, dst_hbm, out_hbm, *rest):
  srcv = rest[:_DDEPTH]
  dstv = rest[_DDEPTH:2 * _DDEPTH]
  onesv, zbuf, acc_out, acc_in = rest[2 * _DDEPTH:2 * _DDEPTH + 4]
  isem = rest[2 * _DDEPTH + 4:2 * _DDEPTH + 4 + _DDEPTH]
  ssem = rest[2 * _DDEPTH + 4 + _DDEPTH:]

  c = lax.axis_index("c")
  s = lax.axis_index("s")
  wid = c * NS + s
  base = wid * E_PER_TILE

  ones16 = jnp.ones((16,), jnp.float32)
  zeros16 = jnp.zeros((16,), jnp.float32)
  for j in range(CHUNK // 16):
    onesv[pl.ds(j * 16, 16)] = ones16
  for j in range(640 // 16):
    zbuf[pl.ds(j * 16, 16)] = zeros16

  pltpu.sync_copy(zbuf, acc_out.at[pl.ds(s * 640, 640)])
  pltpu.sync_copy(zbuf, acc_in.at[pl.ds(s * 640, 640)])
  plsc.subcore_barrier()

  n_groups = N_CHUNKS // _DDEPTH

  def start_idx(g, k):
    off = base + g * CHUNK
    pltpu.async_copy(src_hbm.at[pl.ds(off, CHUNK)], srcv[k], isem[k])
    pltpu.async_copy(dst_hbm.at[pl.ds(off, CHUNK)], dstv[k], isem[k])

  def wait_idx(g, k):
    off = base + g * CHUNK
    pltpu.make_async_copy(
        src_hbm.at[pl.ds(off, CHUNK)], srcv[k], isem[k]).wait()
    pltpu.make_async_copy(
        dst_hbm.at[pl.ds(off, CHUNK)], dstv[k], isem[k]).wait()

  def start_scatter(k):
    pltpu.async_copy(onesv, acc_out.at[srcv[k]], ssem[k], add=True)
    pltpu.async_copy(onesv, acc_in.at[dstv[k]], ssem[k], add=True)

  def wait_scatter(k):
    pltpu.make_async_copy(onesv, acc_out.at[srcv[k]], ssem[k]).wait()
    pltpu.make_async_copy(onesv, acc_in.at[dstv[k]], ssem[k]).wait()

  for k in range(_DDEPTH):
    start_idx(k, k)

  def body(i, _):
    g0 = _DDEPTH * i
    for k in range(_DDEPTH):
      wait_idx(g0 + k, k)
      start_scatter(k)
    for k in range(_DDEPTH):
      wait_scatter(k)
      start_idx(g0 + _DDEPTH + k, k)
    return 0

  lax.fori_loop(0, n_groups - 1, body, 0)

  g_last = _DDEPTH * (n_groups - 1)
  for k in range(_DDEPTH):
    wait_idx(g_last + k, k)
    start_scatter(k)
  g_tail = N_CHUNKS - 1
  wait_scatter(0)
  start_idx(g_tail, 0)
  wait_idx(g_tail, 0)
  start_scatter(0)
  wait_scatter(0)
  wait_scatter(1)
  plsc.subcore_barrier()

  @pl.when(s == 0)
  def _():
    pltpu.sync_copy(acc_out, out_hbm.at[0, c])
    pltpu.sync_copy(acc_in, out_hbm.at[1, c])


_DEPTH = 4


def _make_sc_aggregate(d, dtype=jnp.float32):
  n_groups = N_CHUNKS // _DEPTH

  @functools.partial(
      pl.kernel,
      out_type=jax.ShapeDtypeStruct((NC, N_PAD, d), dtype),
      mesh=_sc_mesh(),
      scratch_types=(
          [pltpu.VMEM((CHUNK,), jnp.int32)] * _DEPTH +
          [pltpu.VMEM((CHUNK,), jnp.int32)] * _DEPTH +
          [pltpu.VMEM((CHUNK, d), dtype)] * _DEPTH +
          [pltpu.VMEM_SHARED((N_PAD, d), dtype)] +
          [pltpu.SemaphoreType.DMA] * (3 * _DEPTH)
      ),
      compiler_params=pltpu.CompilerParams(use_tc_tiling_on_sc=False),
  )
  def agg(y_hbm, src_hbm, dst_hbm, zeros_hbm, out_hbm, *rest):
    srcv = rest[:_DEPTH]
    dstv = rest[_DEPTH:2 * _DEPTH]
    rows = rest[2 * _DEPTH:3 * _DEPTH]
    acc = rest[3 * _DEPTH]
    isem = rest[3 * _DEPTH + 1:3 * _DEPTH + 1 + _DEPTH]
    gsem = rest[3 * _DEPTH + 1 + _DEPTH:3 * _DEPTH + 1 + 2 * _DEPTH]
    ssem = rest[3 * _DEPTH + 1 + 2 * _DEPTH:]

    c = lax.axis_index("c")
    s = lax.axis_index("s")
    wid = c * NS + s
    base = wid * E_PER_TILE

    pltpu.sync_copy(
        zeros_hbm.at[pl.ds(s * ROWS_PER_TILE, ROWS_PER_TILE), :],
        acc.at[pl.ds(s * ROWS_PER_TILE, ROWS_PER_TILE), :])
    plsc.subcore_barrier()

    def start_idx(g, k):
      off = base + g * CHUNK
      pltpu.async_copy(src_hbm.at[pl.ds(off, CHUNK)], srcv[k], isem[k])
      pltpu.async_copy(dst_hbm.at[pl.ds(off, CHUNK)], dstv[k], isem[k])

    def wait_idx(g, k):
      off = base + g * CHUNK
      pltpu.make_async_copy(
          src_hbm.at[pl.ds(off, CHUNK)], srcv[k], isem[k]).wait()
      pltpu.make_async_copy(
          dst_hbm.at[pl.ds(off, CHUNK)], dstv[k], isem[k]).wait()

    def start_gather(k):
      pltpu.async_copy(y_hbm.at[srcv[k]], rows[k], gsem[k])

    def wait_gather(k):
      pltpu.make_async_copy(y_hbm.at[srcv[k]], rows[k], gsem[k]).wait()

    def start_scatter(k):
      pltpu.async_copy(rows[k], acc.at[dstv[k]], ssem[k], add=True)

    def wait_scatter(k):
      pltpu.make_async_copy(rows[k], acc.at[dstv[k]], ssem[k]).wait()

    for k in range(_DEPTH):
      start_idx(k, k)
    for k in range(_DEPTH):
      wait_idx(k, k)
      start_gather(k)

    def body(i, _):
      g0 = _DEPTH * i
      for k in range(_DEPTH):
        wait_gather(k)
        start_scatter(k)
      for k in range(_DEPTH):
        wait_scatter(k)
        start_idx(g0 + _DEPTH + k, k)
      for k in range(_DEPTH):
        wait_idx(g0 + _DEPTH + k, k)
        start_gather(k)
      return 0

    lax.fori_loop(0, n_groups - 1, body, 0)

    for k in range(_DEPTH):
      wait_gather(k)
      start_scatter(k)
    g_tail = N_CHUNKS - 1
    wait_scatter(0)
    start_idx(g_tail, 0)
    wait_idx(g_tail, 0)
    start_gather(0)
    wait_gather(0)
    start_scatter(0)
    wait_scatter(0)
    for k in range(1, _DEPTH):
      wait_scatter(k)

    plsc.subcore_barrier()
    pltpu.sync_copy(
        acc.at[pl.ds(s * ROWS_PER_TILE, ROWS_PER_TILE), :],
        out_hbm.at[c, pl.ds(s * ROWS_PER_TILE, ROWS_PER_TILE), :])

  return agg


_sc_agg128 = _make_sc_aggregate(128, jnp.bfloat16)
_sc_agg64 = _make_sc_aggregate(64, jnp.bfloat16)


_BR = 2000


def _norm(deg):
  return jnp.where(deg > 0, lax.rsqrt(deg), 0.0)


def _mm1_body(x_ref, w1_ref, o_ref):
  o_ref[...] = jnp.dot(x_ref[...], w1_ref[...],
                       preferred_element_type=jnp.float32)


def _mm1(x, W1):
  n, f = x.shape
  h = W1.shape[1]
  return pl.pallas_call(
      _mm1_body,
      grid=(n // _BR,),
      in_specs=[
          pl.BlockSpec((_BR, f), lambda i: (i, 0)),
          pl.BlockSpec((f, h), lambda i: (0, 0)),
      ],
      out_specs=pl.BlockSpec((_BR, h), lambda i: (i, 0)),
      out_shape=jax.ShapeDtypeStruct((n, h), jnp.float32),
  )(x, W1)


def _scale_body(t_ref, do0_ref, do1_ref, o_ref):
  out_norm = _norm(do0_ref[...] + do1_ref[...])
  o_ref[...] = (t_ref[...] * out_norm).astype(o_ref.dtype)


def _scale(t, do0, do1):
  n, h = t.shape
  return pl.pallas_call(
      _scale_body,
      grid=(n // _BR,),
      in_specs=[
          pl.BlockSpec((_BR, h), lambda i: (i, 0)),
          pl.BlockSpec((_BR, 1), lambda i: (i, 0)),
          pl.BlockSpec((_BR, 1), lambda i: (i, 0)),
      ],
      out_specs=pl.BlockSpec((_BR, h), lambda i: (i, 0)),
      out_shape=jax.ShapeDtypeStruct((n, h), jnp.bfloat16),
  )(t, do0, do1)


def _tc2_body(a0_ref, a1_ref, di0_ref, di1_ref, do0_ref, do1_ref, b1_ref,
              w2_ref, w3_ref, o_ref):
  in_norm = _norm(di0_ref[...] + di1_ref[...])
  out_norm = _norm(do0_ref[...] + do1_ref[...])
  agg = a0_ref[0].astype(jnp.float32) + a1_ref[0].astype(jnp.float32)
  h1 = jnp.maximum(agg * in_norm + b1_ref[...], 0.0)
  w23 = jnp.dot(w2_ref[...], w3_ref[...], preferred_element_type=jnp.float32)
  o_ref[...] = jnp.dot(h1 * out_norm, w23,
                       preferred_element_type=jnp.float32).astype(o_ref.dtype)


def _tc2(a, di0, di1, do0, do1, b1, W2, W3):
  h = a.shape[2]
  o = W3.shape[1]
  return pl.pallas_call(
      _tc2_body,
      grid=(N_NODES // _BR,),
      in_specs=[
          pl.BlockSpec((1, _BR, h), lambda i: (0, i, 0)),
          pl.BlockSpec((1, _BR, h), lambda i: (1, i, 0)),
          pl.BlockSpec((_BR, 1), lambda i: (i, 0)),
          pl.BlockSpec((_BR, 1), lambda i: (i, 0)),
          pl.BlockSpec((_BR, 1), lambda i: (i, 0)),
          pl.BlockSpec((_BR, 1), lambda i: (i, 0)),
          pl.BlockSpec((1, h), lambda i: (0, 0)),
          pl.BlockSpec((h, h), lambda i: (0, 0)),
          pl.BlockSpec((h, o), lambda i: (0, 0)),
      ],
      out_specs=pl.BlockSpec((_BR, o), lambda i: (i, 0)),
      out_shape=jax.ShapeDtypeStruct((N_NODES, o), jnp.bfloat16),
  )(a, a, di0, di1, do0, do1, b1, W2, W3)


def _tc3_body(a0_ref, a1_ref, di0_ref, di1_ref, b2_ref, w3_ref, b3_ref, o_ref):
  in_norm = _norm(di0_ref[...] + di1_ref[...])
  agg = a0_ref[0].astype(jnp.float32) + a1_ref[0].astype(jnp.float32)
  b23 = jnp.dot(b2_ref[...], w3_ref[...],
                preferred_element_type=jnp.float32) + b3_ref[...]
  o_ref[...] = agg * in_norm + b23


def _tc3(a, di0, di1, b2, W3, b3):
  o = a.shape[2]
  h = W3.shape[0]
  return pl.pallas_call(
      _tc3_body,
      grid=(N_NODES // _BR,),
      in_specs=[
          pl.BlockSpec((1, _BR, o), lambda i: (0, i, 0)),
          pl.BlockSpec((1, _BR, o), lambda i: (1, i, 0)),
          pl.BlockSpec((_BR, 1), lambda i: (i, 0)),
          pl.BlockSpec((_BR, 1), lambda i: (i, 0)),
          pl.BlockSpec((1, h), lambda i: (0, 0)),
          pl.BlockSpec((h, o), lambda i: (0, 0)),
          pl.BlockSpec((1, o), lambda i: (0, 0)),
      ],
      out_specs=pl.BlockSpec((_BR, o), lambda i: (i, 0)),
      out_shape=jax.ShapeDtypeStruct((N_NODES, o), jnp.float32),
  )(a, a, di0, di1, b2, W3, b3)


def kernel(features, edge_index, W1, b1, W2, b2, W3, b3):
  src = edge_index[0].astype(jnp.int32)
  dst = edge_index[1].astype(jnp.int32)

  t1 = _mm1(features, W1)
  degs = _sc_degrees(src, dst)
  do0 = degs[0, 0, :N_NODES].reshape(N_NODES, 1)
  do1 = degs[0, 1, :N_NODES].reshape(N_NODES, 1)
  di0 = degs[1, 0, :N_NODES].reshape(N_NODES, 1)
  di1 = degs[1, 1, :N_NODES].reshape(N_NODES, 1)

  z128 = jnp.zeros((N_PAD, 128), jnp.bfloat16)
  z64 = jnp.zeros((N_PAD, 64), jnp.bfloat16)

  y1 = _scale(t1, do0, do1)
  a1 = _sc_agg128(y1, src, dst, z128)
  y2 = _tc2(a1, di0, di1, do0, do1,
            b1.reshape(1, -1), W2, W3)
  a2 = _sc_agg64(y2, src, dst, z64)
  out = _tc3(a2, di0, di1,
             b2.reshape(1, -1), W3, b3.reshape(1, -1))
  return out

# --- scband reference (transcript-rebuilt; emitter-appended) ---
"""Pipeline reference for scband-gcn-feed-forward-21328807592612 (READ-ONLY COPY).

The authoritative reference and input builder live on the scoring server;
editing this copy changes nothing except your own understanding.
"""

import jax, jax.numpy as jnp
import numpy as np

N_NODES = 10000
N_EDGES = 320000
IN_SIZE = 128
HID_SIZE = 128
OUT_SIZE = 64


def graph_conv(x, src, dst, W, b, n_nodes):
    # DGL GraphConv with norm='both':
    # h = D_in^{-1/2} * A^T * (D_out^{-1/2} * x) * W + b
    out_deg = jnp.bincount(src, length=n_nodes).astype(x.dtype)
    in_deg = jnp.bincount(dst, length=n_nodes).astype(x.dtype)
    out_norm = jnp.where(out_deg > 0, out_deg ** -0.5, 0.0)
    in_norm = jnp.where(in_deg > 0, in_deg ** -0.5, 0.0)
    h = x * out_norm[:, None]
    msg = jnp.take(h, src, axis=0)
    agg = jnp.zeros((n_nodes, h.shape[1]), dtype=h.dtype).at[dst].add(msg)
    agg = agg * in_norm[:, None]
    return agg @ W + b


def setup_inputs(seed: int = 0) -> dict:
    key = jax.random.key(seed)
    ks = jax.random.split(key, 8)
    features = jax.random.normal(ks[0], (N_NODES, IN_SIZE), dtype=jnp.float32)
    edge_index = jax.random.randint(ks[1], (2, N_EDGES), 0, N_NODES, dtype=jnp.int64)
    W1 = jax.random.normal(ks[2], (IN_SIZE, HID_SIZE), dtype=jnp.float32) * 0.05
    b1 = jnp.zeros((HID_SIZE,), dtype=jnp.float32)
    W2 = jax.random.normal(ks[3], (HID_SIZE, HID_SIZE), dtype=jnp.float32) * 0.05
    b2 = jnp.zeros((HID_SIZE,), dtype=jnp.float32)
    W3 = jax.random.normal(ks[4], (HID_SIZE, OUT_SIZE), dtype=jnp.float32) * 0.05
    b3 = jnp.zeros((OUT_SIZE,), dtype=jnp.float32)
    return {"features": features, "edge_index": edge_index,
            "W1": W1, "b1": b1, "W2": W2, "b2": b2, "W3": W3, "b3": b3}


def reference(features, edge_index, W1, b1, W2, b2, W3, b3):
    src = edge_index[0]
    dst = edge_index[1]
    # layer 0: GraphConv + relu
    h = graph_conv(features, src, dst, W1, b1, N_NODES)
    h = jax.nn.relu(h)
    # dropout is identity at inference
    # layer 1: GraphConv (no activation)
    h = graph_conv(h, src, dst, W2, b2, N_NODES)
    # layer 2: Linear
    out = h @ W3 + b3
    return out

if __name__ == "__main__":
    import jax
    _d = setup_inputs()
    print(jax.jit(kernel)(*tuple(_d.values())))

</pallas_src>

<mosaic_0001>
#map = affine_map<(d0, d1) -> (0)>
#map1 = affine_map<(d0, d1) -> (0, 0, 0)>
module attributes {stable_mosaic.version = 14 : i64} {
  func.func @_sc_degrees(%arg0: i32, %arg1: i32, %arg2: memref<320000xi32, #tpu.memory_space<hbm>>, %arg3: memref<320000xi32, #tpu.memory_space<hbm>>, %arg4: memref<2x2x10240xf32, #tpu.memory_space<hbm>>, %arg5: memref<80xi32, #tpu.memory_space<vmem>>, %arg6: memref<80xi32, #tpu.memory_space<vmem>>, %arg7: memref<80xi32, #tpu.memory_space<vmem>>, %arg8: memref<80xi32, #tpu.memory_space<vmem>>, %arg9: memref<80xf32, #tpu.memory_space<vmem>>, %arg10: memref<640xf32, #tpu.memory_space<vmem>>, %arg11: memref<10240xf32, #tpu.memory_space<vmem_shared>>, %arg12: memref<10240xf32, #tpu.memory_space<vmem_shared>>, %arg13: memref<!tpu.dma_semaphore, #tpu.memory_space<semaphore_mem>>, %arg14: memref<!tpu.dma_semaphore, #tpu.memory_space<semaphore_mem>>, %arg15: memref<!tpu.dma_semaphore, #tpu.memory_space<semaphore_mem>>, %arg16: memref<!tpu.dma_semaphore, #tpu.memory_space<semaphore_mem>>) attributes {dimension_semantics = [#tpu.dimension_semantics<core_parallel>, #tpu.dimension_semantics<subcore_parallel>], iteration_bounds = array<i64: 2, 16>, scalar_prefetch = 0 : i64, scratch_operands = 12 : i64, tpu.core_type = #tpu.core_type<sc_vector_subcore>, window_params = [{transform_indices = #map}, {transform_indices = #map}, {transform_indices = #map1}]} {
    %mul3A = arith.constant 16 : i32
    %mul3A_0 = arith.muli %arg0, %mul3A : i32
    %add3A = arith.addi %mul3A_0, %arg1 : i32
    %mul3A_1 = arith.constant 10000 : i32
    %mul3A_2 = arith.muli %add3A, %mul3A_1 : i32
    %broadcast_in_dim3A = arith.constant 1.000000e+00 : f32
    %broadcast_in_dim3A_3 = vector.broadcast %broadcast_in_dim3A : f32 to vector<16xf32>
    %broadcast_in_dim3A_4 = arith.constant 0.000000e+00 : f32
    %broadcast_in_dim3A_5 = vector.broadcast %broadcast_in_dim3A_4 : f32 to vector<16xf32>
    %swap3A = arith.constant 0 : index
    %swap3A_6 = tpu.vector_load %arg9[%swap3A] {strides = array<i32>} : memref<80xf32, #tpu.memory_space<vmem>>, vector<16xf32>,
    %swap3A_7 = vector.shape_cast %swap3A_6 : vector<16xf32> to vector<16xf32>
    %swap3A_8 = vector.shape_cast %broadcast_in_dim3A_3 : vector<16xf32> to vector<16xf32>
    tpu.vector_store %arg9[%swap3A], %swap3A_8 {strides = array<i32>} : memref<80xf32, #tpu.memory_space<vmem>>, vector<16xf32>,
    %swap3A_9 = arith.constant 16 : index
    %swap3A_10 = tpu.vector_load %arg9[%swap3A_9] {strides = array<i32>} : memref<80xf32, #tpu.memory_space<vmem>>, vector<16xf32>,
    %swap3A_11 = vector.shape_cast %swap3A_10 : vector<16xf32> to vector<16xf32>
    %swap3A_12 = vector.shape_cast %broadcast_in_dim3A_3 : vector<16xf32> to vector<16xf32>
    tpu.vector_store %arg9[%swap3A_9], %swap3A_12 {strides = array<i32>} : memref<80xf32, #tpu.memory_space<vmem>>, vector<16xf32>,
    %swap3A_13 = arith.constant 32 : index
    %swap3A_14 = tpu.vector_load %arg9[%swap3A_13] {strides = array<i32>} : memref<80xf32, #tpu.memory_space<vmem>>, vector<16xf32>,
    %swap3A_15 = vector.shape_cast %swap3A_14 : vector<16xf32> to vector<16xf32>
    %swap3A_16 = vector.shape_cast %broadcast_in_dim3A_3 : vector<16xf32> to vector<16xf32>
    tpu.vector_store %arg9[%swap3A_13], %swap3A_16 {strides = array<i32>} : memref<80xf32, #tpu.memory_space<vmem>>, vector<16xf32>,
    %swap3A_17 = arith.constant 48 : index
    %swap3A_18 = tpu.vector_load %arg9[%swap3A_17] {strides = array<i32>} : memref<80xf32, #tpu.memory_space<vmem>>, vector<16xf32>,
    %swap3A_19 = vector.shape_cast %swap3A_18 : vector<16xf32> to vector<16xf32>
    %swap3A_20 = vector.shape_cast %broadcast_in_dim3A_3 : vector<16xf32> to vector<16xf32>
    tpu.vector_store %arg9[%swap3A_17], %swap3A_20 {strides = array<i32>} : memref<80xf32, #tpu.memory_space<vmem>>, vector<16xf32>,
    %swap3A_21 = arith.constant 64 : index
    %swap3A_22 = tpu.vector_load %arg9[%swap3A_21] {strides = array<i32>} : memref<80xf32, #tpu.memory_space<vmem>>, vector<16xf32>,
    %swap3A_23 = vector.shape_cast %swap3A_22 : vector<16xf32> to vector<16xf32>
    %swap3A_24 = vector.shape_cast %broadcast_in_dim3A_3 : vector<16xf32> to vector<16xf32>
    tpu.vector_store %arg9[%swap3A_21], %swap3A_24 {strides = array<i32>} : memref<80xf32, #tpu.memory_space<vmem>>, vector<16xf32>,
    %swap3A_25 = arith.constant 0 : index
    %swap3A_26 = tpu.vector_load %arg10[%swap3A_25] {strides = array<i32>} : memref<640xf32, #tpu.memory_space<vmem>>, vector<16xf32>,
    %swap3A_27 = vector.shape_cast %swap3A_26 : vector<16xf32> to vector<16xf32>
    %swap3A_28 = vector.shape_cast %broadcast_in_dim3A_5 : vector<16xf32> to vector<16xf32>
    tpu.vector_store %arg10[%swap3A_25], %swap3A_28 {strides = array<i32>} : memref<640xf32, #tpu.memory_space<vmem>>, vector<16xf32>,
    %swap3A_29 = arith.constant 16 : index
    %swap3A_30 = tpu.vector_load %arg10[%swap3A_29] {strides = array<i32>} : memref<640xf32, #tpu.memory_space<vmem>>, vector<16xf32>,
    %swap3A_31 = vector.shape_cast %swap3A_30 : vector<16xf32> to vector<16xf32>
    %swap3A_32 = vector.shape_cast %broadcast_in_dim3A_5 : vector<16xf32> to vector<16xf32>
    tpu.vector_store %arg10[%swap3A_29], %swap3A_32 {strides = array<i32>} : memref<640xf32, #tpu.memory_space<vmem>>, vector<16xf32>,
    %swap3A_33 = arith.constant 32 : index
    %swap3A_34 = tpu.vector_load %arg10[%swap3A_33] {strides = array<i32>} : memref<640xf32, #tpu.memory_space<vmem>>, vector<16xf32>,
    %swap3A_35 = vector.shape_cast %swap3A_34 : vector<16xf32> to vector<16xf32>
    %swap3A_36 = vector.shape_cast %broadcast_in_dim3A_5 : vector<16xf32> to vector<16xf32>
    tpu.vector_store %arg10[%swap3A_33], %swap3A_36 {strides = array<i32>} : memref<640xf32, #tpu.memory_space<vmem>>, vector<16xf32>,
    %swap3A_37 = arith.constant 48 : index
    %swap3A_38 = tpu.vector_load %arg10[%swap3A_37] {strides = array<i32>} : memref<640xf32, #tpu.memory_space<vmem>>, vector<16xf32>,
    %swap3A_39 = vector.shape_cast %swap3A_38 : vector<16xf32> to vector<16xf32>
    %swap3A_40 = vector.shape_cast %broadcast_in_dim3A_5 : vector<16xf32> to vector<16xf32>
    tpu.vector_store %arg10[%swap3A_37], %swap3A_40 {strides = array<i32>} : memref<640xf32, #tpu.memory_space<vmem>>, vector<16xf32>,
    %swap3A_41 = arith.constant 64 : index
    %swap3A_42 = tpu.vector_load %arg10[%swap3A_41] {strides = array<i32>} : memref<640xf32, #tpu.memory_space<vmem>>, vector<16xf32>,
    %swap3A_43 = vector.shape_cast %swap3A_42 : vector<16xf32> to vector<16xf32>
    %swap3A_44 = vector.shape_cast %broadcast_in_dim3A_5 : vector<16xf32> to vector<16xf32>
    tpu.vector_store %arg10[%swap3A_41], %swap3A_44 {strides = array<i32>} : memref<640xf32, #tpu.memory_space<vmem>>, vector<16xf32>,
    %swap3A_45 = arith.constant 80 : index
    %swap3A_46 = tpu.vector_load %arg10[%swap3A_45] {strides = array<i32>} : memref<640xf32, #tpu.memory_space<vmem>>, vector<16xf32>,
    %swap3A_47 = vector.shape_cast %swap3A_46 : vector<16xf32> to vector<16xf32>
    %swap3A_48 = vector.shape_cast %broadcast_in_dim3A_5 : vector<16xf32> to vector<16xf32>
    tpu.vector_store %arg10[%swap3A_45], %swap3A_48 {strides = array<i32>} : memref<640xf32, #tpu.memory_space<vmem>>, vector<16xf32>,
    %swap3A_49 = arith.constant 96 : index
    %swap3A_50 = tpu.vector_load %arg10[%swap3A_49] {strides = array<i32>} : memref<640xf32, #tpu.memory_space<vmem>>, vector<16xf32>,
    %swap3A_51 = vector.shape_cast %swap3A_50 : vector<16xf32> to vector<16xf32>
    %swap3A_52 = vector.shape_cast %broadcast_in_dim3A_5 : vector<16xf32> to vector<16xf32>
    tpu.vector_store %arg10[%swap3A_49], %swap3A_52 {strides = array<i32>} : memref<640xf32, #tpu.memory_space<vmem>>, vector<16xf32>,
    %swap3A_53 = arith.constant 112 : index
    %swap3A_54 = tpu.vector_load %arg10[%swap3A_53] {strides = array<i32>} : memref<640xf32, #tpu.memory_space<vmem>>, vector<16xf32>,
    %swap3A_55 = vector.shape_cast %swap3A_54 : vector<16xf32> to vector<16xf32>
    %swap3A_56 = vector.shape_cast %broadcast_in_dim3A_5 : vector<16xf32> to vector<16xf32>
    tpu.vector_store %arg10[%swap3A_53], %swap3A_56 {strides = array<i32>} : memref<640xf32, #tpu.memory_space<vmem>>, vector<16xf32>,
    %swap3A_57 = arith.constant 128 : index
    %swap3A_58 = tpu.vector_load %arg10[%swap3A_57] {strides = array<i32>} : memref<640xf32, #tpu.memory_space<vmem>>, vector<16xf32>,
    %swap3A_59 = vector.shape_cast %swap3A_58 : vector<16xf32> to vector<16xf32>
    %swap3A_60 = vector.shape_cast %broadcast_in_dim3A_5 : vector<16xf32> to vector<16xf32>
    tpu.vector_store %arg10[%swap3A_57], %swap3A_60 {strides = array<i32>} : memref<640xf32, #tpu.memory_space<vmem>>, vector<16xf32>,
    %swap3A_61 = arith.constant 144 : index
    %swap3A_62 = tpu.vector_load %arg10[%swap3A_61] {strides = array<i32>} : memref<640xf32, #tpu.memory_space<vmem>>, vector<16xf32>,
    %swap3A_63 = vector.shape_cast %swap3A_62 : vector<16xf32> to vector<16xf32>
    %swap3A_64 = vector.shape_cast %broadcast_in_dim3A_5 : vector<16xf32> to vector<16xf32>
    tpu.vector_store %arg10[%swap3A_61], %swap3A_64 {strides = array<i32>} : memref<640xf32, #tpu.memory_space<vmem>>, vector<16xf32>,
    %swap3A_65 = arith.constant 160 : index
    %swap3A_66 = tpu.vector_load %arg10[%swap3A_65] {strides = array<i32>} : memref<640xf32, #tpu.memory_space<vmem>>, vector<16xf32>,
    %swap3A_67 = vector.shape_cast %swap3A_66 : vector<16xf32> to vector<16xf32>
    %swap3A_68 = vector.shape_cast %broadcast_in_dim3A_5 : vector<16xf32> to vector<16xf32>
    tpu.vector_store %arg10[%swap3A_65], %swap3A_68 {strides = array<i32>} : memref<640xf32, #tpu.memory_space<vmem>>, vector<16xf32>,
    %swap3A_69 = arith.constant 176 : index
    %swap3A_70 = tpu.vector_load %arg10[%swap3A_69] {strides = array<i32>} : memref<640xf32, #tpu.memory_space<vmem>>, vector<16xf32>,
    %swap3A_71 = vector.shape_cast %swap3A_70 : vector<16xf32> to vector<16xf32>
    %swap3A_72 = vector.shape_cast %broadcast_in_dim3A_5 : vector<16xf32> to vector<16xf32>
    tpu.vector_store %arg10[%swap3A_69], %swap3A_72 {strides = array<i32>} : memref<640xf32, #tpu.memory_space<vmem>>, vector<16xf32>,
    %swap3A_73 = arith.constant 192 : index
    %swap3A_74 = tpu.vector_load %arg10[%swap3A_73] {strides = array<i32>} : memref<640xf32, #tpu.memory_space<vmem>>, vector<16xf32>,
    %swap3A_75 = vector.shape_cast %swap3A_74 : vector<16xf32> to vector<16xf32>
    %swap3A_76 = vector.shape_cast %broadcast_in_dim3A_5 : vector<16xf32> to vector<16xf32>
    tpu.vector_store %arg10[%swap3A_73], %swap3A_76 {strides = array<i32>} : memref<640xf32, #tpu.memory_space<vmem>>, vector<16xf32>,
    %swap3A_77 = arith.constant 208 : index
    %swap3A_78 = tpu.vector_load %arg10[%swap3A_77] {strides = array<i32>} : memref<640xf32, #tpu.memory_space<vmem>>, vector<16xf32>,
    %swap3A_79 = vector.shape_cast %swap3A_78 : vector<16xf32> to vector<16xf32>
    %swap3A_80 = vector.shape_cast %broadcast_in_dim3A_5 : vector<16xf32> to vector<16xf32>
    tpu.vector_store %arg10[%swap3A_77], %swap3A_80 {strides = array<i32>} : memref<640xf32, #tpu.memory_space<vmem>>, vector<16xf32>,
    %swap3A_81 = arith.constant 224 : index
    %swap3A_82 = tpu.vector_load %arg10[%swap3A_81] {strides = array<i32>} : memref<640xf32, #tpu.memory_space<vmem>>, vector<16xf32>,
    %swap3A_83 = vector.shape_cast %swap3A_82 : vector<16xf32> to vector<16xf32>
    %swap3A_84 = vector.shape_cast %broadcast_in_dim3A_5 : vector<16xf32> to vector<16xf32>
    tpu.vector_store %arg10[%swap3A_81], %swap3A_84 {strides = array<i32>} : memref<640xf32, #tpu.memory_space<vmem>>, vector<16xf32>,
    %swap3A_85 = arith.constant 240 : index
    %swap3A_86 = tpu.vector_load %arg10[%swap3A_85] {strides = array<i32>} : memref<640xf32, #tpu.memory_space<vmem>>, vector<16xf32>,
    %swap3A_87 = vector.shape_cast %swap3A_86 : vector<16xf32> to vector<16xf32>
    %swap3A_88 = vector.shape_cast %broadcast_in_dim3A_5 : vector<16xf32> to vector<16xf32>
    tpu.vector_store %arg10[%swap3A_85], %swap3A_88 {strides = array<i32>} : memref<640xf32, #tpu.memory_space<vmem>>, vector<16xf32>,
    %swap3A_89 = arith.constant 256 : index
    %swap3A_90 = tpu.vector_load %arg10[%swap3A_89] {strides = array<i32>} : memref<640xf32, #tpu.memory_space<vmem>>, vector<16xf32>,
    %swap3A_91 = vector.shape_cast %swap3A_90 : vector<16xf32> to vector<16xf32>
    %swap3A_92 = vector.shape_cast %broadcast_in_dim3A_5 : vector<16xf32> to vector<16xf32>
    tpu.vector_store %arg10[%swap3A_89], %swap3A_92 {strides = array<i32>} : memref<640xf32, #tpu.memory_space<vmem>>, vector<16xf32>,
    %swap3A_93 = arith.constant 272 : index
    %swap3A_94 = tpu.vector_load %arg10[%swap3A_93] {strides = array<i32>} : memref<640xf32, #tpu.memory_space<vmem>>, vector<16xf32>,
    %swap3A_95 = vector.shape_cast %swap3A_94 : vector<16xf32> to vector<16xf32>
    %swap3A_96 = vector.shape_cast %broadcast_in_dim3A_5 : vector<16xf32> to vector<16xf32>
    tpu.vector_store %arg10[%swap3A_93], %swap3A_96 {strides = array<i32>} : memref<640xf32, #tpu.memory_space<vmem>>, vector<16xf32>,
    %swap3A_97 = arith.constant 288 : index
    %swap3A_98 = tpu.vector_load %arg10[%swap3A_97] {strides = array<i32>} : memref<640xf32, #tpu.memory_space<vmem>>, vector<16xf32>,
    %swap3A_99 = vector.shape_cast %swap3A_98 : vector<16xf32> to vector<16xf32>
    %swap3A_100 = vector.shape_cast %broadcast_in_dim3A_5 : vector<16xf32> to vector<16xf32>
    tpu.vector_store %arg10[%swap3A_97], %swap3A_100 {strides = array<i32>} : memref<640xf32, #tpu.memory_space<vmem>>, vector<16xf32>,
    %swap3A_101 = arith.constant 304 : index
    %swap3A_102 = tpu.vector_load %arg10[%swap3A_101] {strides = array<i32>} : memref<640xf32, #tpu.memory_space<vmem>>, vector<16xf32>,
    %swap3A_103 = vector.shape_cast %swap3A_102 : vector<16xf32> to vector<16xf32>
    %swap3A_104 = vector.shape_cast %broadcast_in_dim3A_5 : vector<16xf32> to vector<16xf32>
    tpu.vector_store %arg10[%swap3A_101], %swap3A_104 {strides = array<i32>} : memref<640xf32, #tpu.memory_space<vmem>>, vector<16xf32>,
    %swap3A_105 = arith.constant 320 : index
    %swap3A_106 = tpu.vector_load %arg10[%swap3A_105] {strides = array<i32>} : memref<640xf32, #tpu.memory_space<vmem>>, vector<16xf32>,
    %swap3A_107 = vector.shape_cast %swap3A_106 : vector<16xf32> to vector<16xf32>
    %swap3A_108 = vector.shape_cast %broadcast_in_dim3A_5 : vector<16xf32> to vector<16xf32>
    tpu.vector_store %arg10[%swap3A_105], %swap3A_108 {strides = array<i32>} : memref<640xf32, #tpu.memory_space<vmem>>, vector<16xf32>,
    %swap3A_109 = arith.constant 336 : index
    %swap3A_110 = tpu.vector_load %arg10[%swap3A_109] {strides = array<i32>} : memref<640xf32, #tpu.memory_space<vmem>>, vector<16xf32>,
    %swap3A_111 = vector.shape_cast %swap3A_110 : vector<16xf32> to vector<16xf32>
    %swap3A_112 = vector.shape_cast %broadcast_in_dim3A_5 : vector<16xf32> to vector<16xf32>
    tpu.vector_store %arg10[%swap3A_109], %swap3A_112 {strides = array<i32>} : memref<640xf32, #tpu.memory_space<vmem>>, vector<16xf32>,
    %swap3A_113 = arith.constant 352 : index
    %swap3A_114 = tpu.vector_load %arg10[%swap3A_113] {strides = array<i32>} : memref<640xf32, #tpu.memory_space<vmem>>, vector<16xf32>,
    %swap3A_115 = vector.shape_cast %swap3A_114 : vector<16xf32> to vector<16xf32>
    %swap3A_116 = vector.shape_cast %broadcast_in_dim3A_5 : vector<16xf32> to vector<16xf32>
    tpu.vector_store %arg10[%swap3A_113], %swap3A_116 {strides = array<i32>} : memref<640xf32, #tpu.memory_space<vmem>>, vector<16xf32>,
    %swap3A_117 = arith.constant 368 : index
    %swap3A_118 = tpu.vector_load %arg10[%swap3A_117] {strides = array<i32>} : memref<640xf32, #tpu.memory_space<vmem>>, vector<16xf32>,
    %swap3A_119 = vector.shape_cast %swap3A_118 : vector<16xf32> to vector<16xf32>
    %swap3A_120 = vector.shape_cast %broadcast_in_dim3A_5 : vector<16xf32> to vector<16xf32>
    tpu.vector_store %arg10[%swap3A_117], %swap3A_120 {strides = array<i32>} : memref<640xf32, #tpu.memory_space<vmem>>, vector<16xf32>,
    %swap3A_121 = arith.constant 384 : index
    %swap3A_122 = tpu.vector_load %arg10[%swap3A_121] {strides = array<i32>} : memref<640xf32, #tpu.memory_space<vmem>>, vector<16xf32>,
    %swap3A_123 = vector.shape_cast %swap3A_122 : vector<16xf32> to vector<16xf32>
    %swap3A_124 = vector.shape_cast %broadcast_in_dim3A_5 : vector<16xf32> to vector<16xf32>
    tpu.vector_store %arg10[%swap3A_121], %swap3A_124 {strides = array<i32>} : memref<640xf32, #tpu.memory_space<vmem>>, vector<16xf32>,
    %swap3A_125 = arith.constant 400 : index
    %swap3A_126 = tpu.vector_load %arg10[%swap3A_125] {strides = array<i32>} : memref<640xf32, #tpu.memory_space<vmem>>, vector<16xf32>,
    %swap3A_127 = vector.shape_cast %swap3A_126 : vector<16xf32> to vector<16xf32>
    %swap3A_128 = vector.shape_cast %broadcast_in_dim3A_5 : vector<16xf32> to vector<16xf32>
    tpu.vector_store %arg10[%swap3A_125], %swap3A_128 {strides = array<i32>} : memref<640xf32, #tpu.memory_space<vmem>>, vector<16xf32>,
    %swap3A_129 = arith.constant 416 : index
    %swap3A_130 = tpu.vector_load %arg10[%swap3A_129] {strides = array<i32>} : memref<640xf32, #tpu.memory_space<vmem>>, vector<16xf32>,
    %swap3A_131 = vector.shape_cast %swap3A_130 : vector<16xf32> to vector<16xf32>
    %swap3A_132 = vector.shape_cast %broadcast_in_dim3A_5 : vector<16xf32> to vector<16xf32>
    tpu.vector_store %arg10[%swap3A_129], %swap3A_132 {strides = array<i32>} : memref<640xf32, #tpu.memory_space<vmem>>, vector<16xf32>,
    %swap3A_133 = arith.constant 432 : index
    %swap3A_134 = tpu.vector_load %arg10[%swap3A_133] {strides = array<i32>} : memref<640xf32, #tpu.memory_space<vmem>>, vector<16xf32>,
    %swap3A_135 = vector.shape_cast %swap3A_134 : vector<16xf32> to vector<16xf32>
    %swap3A_136 = vector.shape_cast %broadcast_in_dim3A_5 : vector<16xf32> to vector<16xf32>
    tpu.vector_store %arg10[%swap3A_133], %swap3A_136 {strides = array<i32>} : memref<640xf32, #tpu.memory_space<vmem>>, vector<16xf32>,
    %swap3A_137 = arith.constant 448 : index
    %swap3A_138 = tpu.vector_load %arg10[%swap3A_137] {strides = array<i32>} : memref<640xf32, #tpu.memory_space<vmem>>, vector<16xf32>,
    %swap3A_139 = vector.shape_cast %swap3A_138 : vector<16xf32> to vector<16xf32>
    %swap3A_140 = vector.shape_cast %broadcast_in_dim3A_5 : vector<16xf32> to vector<16xf32>
    tpu.vector_store %arg10[%swap3A_137], %swap3A_140 {strides = array<i32>} : memref<640xf32, #tpu.memory_space<vmem>>, vector<16xf32>,
    %swap3A_141 = arith.constant 464 : index
    %swap3A_142 = tpu.vector_load %arg10[%swap3A_141] {strides = array<i32>} : memref<640xf32, #tpu.memory_space<vmem>>, vector<16xf32>,
    %swap3A_143 = vector.shape_cast %swap3A_142 : vector<16xf32> to vector<16xf32>
    %swap3A_144 = vector.shape_cast %broadcast_in_dim3A_5 : vector<16xf32> to vector<16xf32>
    tpu.vector_store %arg10[%swap3A_141], %swap3A_144 {strides = array<i32>} : memref<640xf32, #tpu.memory_space<vmem>>, vector<16xf32>,
    %swap3A_145 = arith.constant 480 : index
    %swap3A_146 = tpu.vector_load %arg10[%swap3A_145] {strides = array<i32>} : memref<640xf32, #tpu.memory_space<vmem>>, vector<16xf32>,
    %swap3A_147 = vector.shape_cast %swap3A_146 : vector<16xf32> to vector<16xf32>
    %swap3A_148 = vector.shape_cast %broadcast_in_dim3A_5 : vector<16xf32> to vector<16xf32>
    tpu.vector_store %arg10[%swap3A_145], %swap3A_148 {strides = array<i32>} : memref<640xf32, #tpu.memory_space<vmem>>, vector<16xf32>,
    %swap3A_149 = arith.constant 496 : index
    %swap3A_150 = tpu.vector_load %arg10[%swap3A_149] {strides = array<i32>} : memref<640xf32, #tpu.memory_space<vmem>>, vector<16xf32>,
    %swap3A_151 = vector.shape_cast %swap3A_150 : vector<16xf32> to vector<16xf32>
    %swap3A_152 = vector.shape_cast %broadcast_in_dim3A_5 : vector<16xf32> to vector<16xf32>
    tpu.vector_store %arg10[%swap3A_149], %swap3A_152 {strides = array<i32>} : memref<640xf32, #tpu.memory_space<vmem>>, vector<16xf32>,
    %swap3A_153 = arith.constant 512 : index
    %swap3A_154 = tpu.vector_load %arg10[%swap3A_153] {strides = array<i32>} : memref<640xf32, #tpu.memory_space<vmem>>, vector<16xf32>,
    %swap3A_155 = vector.shape_cast %swap3A_154 : vector<16xf32> to vector<16xf32>
    %swap3A_156 = vector.shape_cast %broadcast_in_dim3A_5 : vector<16xf32> to vector<16xf32>
    tpu.vector_store %arg10[%swap3A_153], %swap3A_156 {strides = array<i32>} : memref<640xf32, #tpu.memory_space<vmem>>, vector<16xf32>,
    %swap3A_157 = arith.constant 528 : index
    %swap3A_158 = tpu.vector_load %arg10[%swap3A_157] {strides = array<i32>} : memref<640xf32, #tpu.memory_space<vmem>>, vector<16xf32>,
    %swap3A_159 = vector.shape_cast %swap3A_158 : vector<16xf32> to vector<16xf32>
    %swap3A_160 = vector.shape_cast %broadcast_in_dim3A_5 : vector<16xf32> to vector<16xf32>
    tpu.vector_store %arg10[%swap3A_157], %swap3A_160 {strides = array<i32>} : memref<640xf32, #tpu.memory_space<vmem>>, vector<16xf32>,
    %swap3A_161 = arith.constant 544 : index
    %swap3A_162 = tpu.vector_load %arg10[%swap3A_161] {strides = array<i32>} : memref<640xf32, #tpu.memory_space<vmem>>, vector<16xf32>,
    %swap3A_163 = vector.shape_cast %swap3A_162 : vector<16xf32> to vector<16xf32>
    %swap3A_164 = vector.shape_cast %broadcast_in_dim3A_5 : vector<16xf32> to vector<16xf32>
    tpu.vector_store %arg10[%swap3A_161], %swap3A_164 {strides = array<i32>} : memref<640xf32, #tpu.memory_space<vmem>>, vector<16xf32>,
    %swap3A_165 = arith.constant 560 : index
    %swap3A_166 = tpu.vector_load %arg10[%swap3A_165] {strides = array<i32>} : memref<640xf32, #tpu.memory_space<vmem>>, vector<16xf32>,
    %swap3A_167 = vector.shape_cast %swap3A_166 : vector<16xf32> to vector<16xf32>
    %swap3A_168 = vector.shape_cast %broadcast_in_dim3A_5 : vector<16xf32> to vector<16xf32>
    tpu.vector_store %arg10[%swap3A_165], %swap3A_168 {strides = array<i32>} : memref<640xf32, #tpu.memory_space<vmem>>, vector<16xf32>,
    %swap3A_169 = arith.constant 576 : index
    %swap3A_170 = tpu.vector_load %arg10[%swap3A_169] {strides = array<i32>} : memref<640xf32, #tpu.memory_space<vmem>>, vector<16xf32>,
    %swap3A_171 = vector.shape_cast %swap3A_170 : vector<16xf32> to vector<16xf32>
    %swap3A_172 = vector.shape_cast %broadcast_in_dim3A_5 : vector<16xf32> to vector<16xf32>
    tpu.vector_store %arg10[%swap3A_169], %swap3A_172 {strides = array<i32>} : memref<640xf32, #tpu.memory_space<vmem>>, vector<16xf32>,
    %swap3A_173 = arith.constant 592 : index
    %swap3A_174 = tpu.vector_load %arg10[%swap3A_173] {strides = array<i32>} : memref<640xf32, #tpu.memory_space<vmem>>, vector<16xf32>,
    %swap3A_175 = vector.shape_cast %swap3A_174 : vector<16xf32> to vector<16xf32>
    %swap3A_176 = vector.shape_cast %broadcast_in_dim3A_5 : vector<16xf32> to vector<16xf32>
    tpu.vector_store %arg10[%swap3A_173], %swap3A_176 {strides = array<i32>} : memref<640xf32, #tpu.memory_space<vmem>>, vector<16xf32>,
    %swap3A_177 = arith.constant 608 : index
    %swap3A_178 = tpu.vector_load %arg10[%swap3A_177] {strides = array<i32>} : memref<640xf32, #tpu.memory_space<vmem>>, vector<16xf32>,
    %swap3A_179 = vector.shape_cast %swap3A_178 : vector<16xf32> to vector<16xf32>
    %swap3A_180 = vector.shape_cast %broadcast_in_dim3A_5 : vector<16xf32> to vector<16xf32>
    tpu.vector_store %arg10[%swap3A_177], %swap3A_180 {strides = array<i32>} : memref<640xf32, #tpu.memory_space<vmem>>, vector<16xf32>,
    %swap3A_181 = arith.constant 624 : index
    %swap3A_182 = tpu.vector_load %arg10[%swap3A_181] {strides = array<i32>} : memref<640xf32, #tpu.memory_space<vmem>>, vector<16xf32>,
    %swap3A_183 = vector.shape_cast %swap3A_182 : vector<16xf32> to vector<16xf32>
    %swap3A_184 = vector.shape_cast %broadcast_in_dim3A_5 : vector<16xf32> to vector<16xf32>
    tpu.vector_store %arg10[%swap3A_181], %swap3A_184 {strides = array<i32>} : memref<640xf32, #tpu.memory_space<vmem>>, vector<16xf32>,
    %mul3A_185 = arith.constant 640 : i32
    %mul3A_186 = arith.muli %arg1, %mul3A_185 : i32
    "tpu.region"() ({
      %run_scoped3A = tpu.sem_alloc : memref<!tpu.dma_semaphore, #tpu.memory_space<semaphore_mem>>
      %dma_start3A_256 = tpu.memref_slice %arg11[%mul3A_186] : memref<10240xf32, #tpu.memory_space<vmem_shared>> -> memref<640xf32, #tpu.memory_space<vmem_shared>>
      %dma_start3A_257 = tpu.memref_slice %arg11[%mul3A_186] : memref<10240xf32, #tpu.memory_space<vmem_shared>> -> memref<640xf32, #tpu.memory_space<vmem_shared>>
      tpu.enqueue_dma source(%arg10 : memref<640xf32, #tpu.memory_space<vmem>>) target(%dma_start3A_257 : memref<640xf32, #tpu.memory_space<vmem_shared>>) target_semaphore(%run_scoped3A : memref<!tpu.dma_semaphore, #tpu.memory_space<semaphore_mem>>)
      %dma_wait3A_258 = tpu.memref_slice %arg11[%mul3A_186] : memref<10240xf32, #tpu.memory_space<vmem_shared>> -> memref<640xf32, #tpu.memory_space<vmem_shared>>
      %dma_wait3A_259 = tpu.memref_slice %arg11[%mul3A_186] : memref<10240xf32, #tpu.memory_space<vmem_shared>> -> memref<640xf32, #tpu.memory_space<vmem_shared>>
      tpu.wait_dma2 semaphore(%run_scoped3A : memref<!tpu.dma_semaphore, #tpu.memory_space<semaphore_mem>>) src(%arg10 : memref<640xf32, #tpu.memory_space<vmem>>) dst(%dma_wait3A_259 : memref<640xf32, #tpu.memory_space<vmem_shared>>)
      tpu.yield
    }) : () -> ()
    %mul3A_187 = arith.constant 640 : i32
    %mul3A_188 = arith.muli %arg1, %mul3A_187 : i32
    "tpu.region"() ({
      %run_scoped3A = tpu.sem_alloc : memref<!tpu.dma_semaphore, #tpu.memory_space<semaphore_mem>>
      %dma_start3A_256 = tpu.memref_slice %arg12[%mul3A_188] : memref<10240xf32, #tpu.memory_space<vmem_shared>> -> memref<640xf32, #tpu.memory_space<vmem_shared>>
      %dma_start3A_257 = tpu.memref_slice %arg12[%mul3A_188] : memref<10240xf32, #tpu.memory_space<vmem_shared>> -> memref<640xf32, #tpu.memory_space<vmem_shared>>
      tpu.enqueue_dma source(%arg10 : memref<640xf32, #tpu.memory_space<vmem>>) target(%dma_start3A_257 : memref<640xf32, #tpu.memory_space<vmem_shared>>) target_semaphore(%run_scoped3A : memref<!tpu.dma_semaphore, #tpu.memory_space<semaphore_mem>>)
      %dma_wait3A_258 = tpu.memref_slice %arg12[%mul3A_188] : memref<10240xf32, #tpu.memory_space<vmem_shared>> -> memref<640xf32, #tpu.memory_space<vmem_shared>>
      %dma_wait3A_259 = tpu.memref_slice %arg12[%mul3A_188] : memref<10240xf32, #tpu.memory_space<vmem_shared>> -> memref<640xf32, #tpu.memory_space<vmem_shared>>
      tpu.wait_dma2 semaphore(%run_scoped3A : memref<!tpu.dma_semaphore, #tpu.memory_space<semaphore_mem>>) src(%arg10 : memref<640xf32, #tpu.memory_space<vmem>>) dst(%dma_wait3A_259 : memref<640xf32, #tpu.memory_space<vmem_shared>>)
      tpu.yield
    }) : () -> ()
    %barrier3A = arith.constant 0 : index
    tpu.barrier barrier_id(%barrier3A)
    %add3A_189 = arith.constant 0 : i32
    %add3A_190 = arith.addi %mul3A_2, %add3A_189 : i32
    %dma_start3A = tpu.memref_slice %arg2[%add3A_190] : memref<320000xi32, #tpu.memory_space<hbm>> -> memref<80xi32, #tpu.memory_space<hbm>>
    %dma_start3A_191 = tpu.memref_slice %arg2[%add3A_190] : memref<320000xi32, #tpu.memory_space<hbm>> -> memref<80xi32, #tpu.memory_space<hbm>>
    tpu.enqueue_dma source(%dma_start3A_191 : memref<80xi32, #tpu.memory_space<hbm>>) target(%arg5 : memref<80xi32, #tpu.memory_space<vmem>>) target_semaphore(%arg13 : memref<!tpu.dma_semaphore, #tpu.memory_space<semaphore_mem>>)
    %dma_start3A_192 = tpu.memref_slice %arg3[%add3A_190] : memref<320000xi32, #tpu.memory_space<hbm>> -> memref<80xi32, #tpu.memory_space<hbm>>
    %dma_start3A_193 = tpu.memref_slice %arg3[%add3A_190] : memref<320000xi32, #tpu.memory_space<hbm>> -> memref<80xi32, #tpu.memory_space<hbm>>
    tpu.enqueue_dma source(%dma_start3A_193 : memref<80xi32, #tpu.memory_space<hbm>>) target(%arg7 : memref<80xi32, #tpu.memory_space<vmem>>) target_semaphore(%arg13 : memref<!tpu.dma_semaphore, #tpu.memory_space<semaphore_mem>>)
    %add3A_194 = arith.constant 80 : i32
    %add3A_195 = arith.addi %mul3A_2, %add3A_194 : i32
    %dma_start3A_196 = tpu.memref_slice %arg2[%add3A_195] : memref<320000xi32, #tpu.memory_space<hbm>> -> memref<80xi32, #tpu.memory_space<hbm>>
    %dma_start3A_197 = tpu.memref_slice %arg2[%add3A_195] : memref<320000xi32, #tpu.memory_space<hbm>> -> memref<80xi32, #tpu.memory_space<hbm>>
    tpu.enqueue_dma source(%dma_start3A_197 : memref<80xi32, #tpu.memory_space<hbm>>) target(%arg6 : memref<80xi32, #tpu.memory_space<vmem>>) target_semaphore(%arg14 : memref<!tpu.dma_semaphore, #tpu.memory_space<semaphore_mem>>)
    %dma_start3A_198 = tpu.memref_slice %arg3[%add3A_195] : memref<320000xi32, #tpu.memory_space<hbm>> -> memref<80xi32, #tpu.memory_space<hbm>>
    %dma_start3A_199 = tpu.memref_slice %arg3[%add3A_195] : memref<320000xi32, #tpu.memory_space<hbm>> -> memref<80xi32, #tpu.memory_space<hbm>>
    tpu.enqueue_dma source(%dma_start3A_199 : memref<80xi32, #tpu.memory_space<hbm>>) target(%arg8 : memref<80xi32, #tpu.memory_space<vmem>>) target_semaphore(%arg14 : memref<!tpu.dma_semaphore, #tpu.memory_space<semaphore_mem>>)
    %scan3A = arith.constant 0 : i32
    %scan3A_200 = arith.constant 0 : i32
    %scan3A_201 = arith.constant 61 : i32
    %scan3A_202 = arith.addi %scan3A_200, %scan3A_201 : i32
    %scan3A_203 = arith.constant 1 : i32
    %scan3A_204 = scf.for %scan3A_256 = %scan3A_200 to %scan3A_202 step %scan3A_203 iter_args(%scan3A_257 = %scan3A) -> (i32)  : i32 {
      %mul3A_258 = arith.constant 2 : i32
      %mul3A_259 = arith.muli %mul3A_258, %scan3A_256 : i32
      %add3A_260 = arith.constant 0 : i32
      %add3A_261 = arith.addi %mul3A_259, %add3A_260 : i32
      %mul3A_262 = arith.constant 80 : i32
      %mul3A_263 = arith.muli %add3A_261, %mul3A_262 : i32
      %add3A_264 = arith.addi %mul3A_2, %mul3A_263 : i32
      %dma_wait3A_265 = tpu.memref_slice %arg2[%add3A_264] : memref<320000xi32, #tpu.memory_space<hbm>> -> memref<80xi32, #tpu.memory_space<hbm>>
      %dma_wait3A_266 = tpu.memref_slice %arg2[%add3A_264] : memref<320000xi32, #tpu.memory_space<hbm>> -> memref<80xi32, #tpu.memory_space<hbm>>
      tpu.wait_dma2 semaphore(%arg13 : memref<!tpu.dma_semaphore, #tpu.memory_space<semaphore_mem>>) src(%dma_wait3A_266 : memref<80xi32, #tpu.memory_space<hbm>>) dst(%arg5 : memref<80xi32, #tpu.memory_space<vmem>>)
      %dma_wait3A_267 = tpu.memref_slice %arg3[%add3A_264] : memref<320000xi32, #tpu.memory_space<hbm>> -> memref<80xi32, #tpu.memory_space<hbm>>
      %dma_wait3A_268 = tpu.memref_slice %arg3[%add3A_264] : memref<320000xi32, #tpu.memory_space<hbm>> -> memref<80xi32, #tpu.memory_space<hbm>>
      tpu.wait_dma2 semaphore(%arg13 : memref<!tpu.dma_semaphore, #tpu.memory_space<semaphore_mem>>) src(%dma_wait3A_268 : memref<80xi32, #tpu.memory_space<hbm>>) dst(%arg7 : memref<80xi32, #tpu.memory_space<vmem>>)
      %dma_start3A_269 = arith.constant 0 : i32
      %dma_start3A_270 = tpu.memref_slice %arg11[%dma_start3A_269] : memref<10240xf32, #tpu.memory_space<vmem_shared>> -> memref<10240xf32, #tpu.memory_space<vmem_shared>>
      tpu.enqueue_indirect_dma source(%arg9 : memref<80xf32, #tpu.memory_space<vmem>>) target(%dma_start3A_270 : memref<10240xf32, #tpu.memory_space<vmem_shared>>) offsets(%arg5 : memref<80xi32, #tpu.memory_space<vmem>>) semaphore(%arg15 : memref<!tpu.dma_semaphore, #tpu.memory_space<semaphore_mem>>) {add = true}
      %dma_start3A_271 = arith.constant 0 : i32
      %dma_start3A_272 = tpu.memref_slice %arg12[%dma_start3A_271] : memref<10240xf32, #tpu.memory_space<vmem_shared>> -> memref<10240xf32, #tpu.memory_space<vmem_shared>>
      tpu.enqueue_indirect_dma source(%arg9 : memref<80xf32, #tpu.memory_space<vmem>>) target(%dma_start3A_272 : memref<10240xf32, #tpu.memory_space<vmem_shared>>) offsets(%arg7 : memref<80xi32, #tpu.memory_space<vmem>>) semaphore(%arg15 : memref<!tpu.dma_semaphore, #tpu.memory_space<semaphore_mem>>) {add = true}
      %add3A_273 = arith.constant 1 : i32
      %add3A_274 = arith.addi %mul3A_259, %add3A_273 : i32
      %mul3A_275 = arith.constant 80 : i32
      %mul3A_276 = arith.muli %add3A_274, %mul3A_275 : i32
      %add3A_277 = arith.addi %mul3A_2, %mul3A_276 : i32
      %dma_wait3A_278 = tpu.memref_slice %arg2[%add3A_277] : memref<320000xi32, #tpu.memory_space<hbm>> -> memref<80xi32, #tpu.memory_space<hbm>>
      %dma_wait3A_279 = tpu.memref_slice %arg2[%add3A_277] : memref<320000xi32, #tpu.memory_space<hbm>> -> memref<80xi32, #tpu.memory_space<hbm>>
      tpu.wait_dma2 semaphore(%arg14 : memref<!tpu.dma_semaphore, #tpu.memory_space<semaphore_mem>>) src(%dma_wait3A_279 : memref<80xi32, #tpu.memory_space<hbm>>) dst(%arg6 : memref<80xi32, #tpu.memory_space<vmem>>)
      %dma_wait3A_280 = tpu.memref_slice %arg3[%add3A_277] : memref<320000xi32, #tpu.memory_space<hbm>> -> memref<80xi32, #tpu.memory_space<hbm>>
      %dma_wait3A_281 = tpu.memref_slice %arg3[%add3A_277] : memref<320000xi32, #tpu.memory_space<hbm>> -> memref<80xi32, #tpu.memory_space<hbm>>
      tpu.wait_dma2 semaphore(%arg14 : memref<!tpu.dma_semaphore, #tpu.memory_space<semaphore_mem>>) src(%dma_wait3A_281 : memref<80xi32, #tpu.memory_space<hbm>>) dst(%arg8 : memref<80xi32, #tpu.memory_space<vmem>>)
      %dma_start3A_282 = arith.constant 0 : i32
      %dma_start3A_283 = tpu.memref_slice %arg11[%dma_start3A_282] : memref<10240xf32, #tpu.memory_space<vmem_shared>> -> memref<10240xf32, #tpu.memory_space<vmem_shared>>
      tpu.enqueue_indirect_dma source(%arg9 : memref<80xf32, #tpu.memory_space<vmem>>) target(%dma_start3A_283 : memref<10240xf32, #tpu.memory_space<vmem_shared>>) offsets(%arg6 : memref<80xi32, #tpu.memory_space<vmem>>) semaphore(%arg16 : memref<!tpu.dma_semaphore, #tpu.memory_space<semaphore_mem>>) {add = true}
      %dma_start3A_284 = arith.constant 0 : i32
      %dma_start3A_285 = tpu.memref_slice %arg12[%dma_start3A_284] : memref<10240xf32, #tpu.memory_space<vmem_shared>> -> memref<10240xf32, #tpu.memory_space<vmem_shared>>
      tpu.enqueue_indirect_dma source(%arg9 : memref<80xf32, #tpu.memory_space<vmem>>) target(%dma_start3A_285 : memref<10240xf32, #tpu.memory_space<vmem_shared>>) offsets(%arg8 : memref<80xi32, #tpu.memory_space<vmem>>) semaphore(%arg16 : memref<!tpu.dma_semaphore, #tpu.memory_space<semaphore_mem>>) {add = true}
      %dma_wait3A_286 = arith.constant 0 : i32
      %dma_wait3A_287 = tpu.memref_slice %arg11[%dma_wait3A_286] : memref<10240xf32, #tpu.memory_space<vmem_shared>> -> memref<10240xf32, #tpu.memory_space<vmem_shared>>
      tpu.wait_indirect_dma semaphore(%arg15 : memref<!tpu.dma_semaphore, #tpu.memory_space<semaphore_mem>>) src(%arg9 : memref<80xf32, #tpu.memory_space<vmem>>) dst(%dma_wait3A_287 : memref<10240xf32, #tpu.memory_space<vmem_shared>>)
      %dma_wait3A_288 = arith.constant 0 : i32
      %dma_wait3A_289 = tpu.memref_slice %arg12[%dma_wait3A_288] : memref<10240xf32, #tpu.memory_space<vmem_shared>> -> memref<10240xf32, #tpu.memory_space<vmem_shared>>
      tpu.wait_indirect_dma semaphore(%arg15 : memref<!tpu.dma_semaphore, #tpu.memory_space<semaphore_mem>>) src(%arg9 : memref<80xf32, #tpu.memory_space<vmem>>) dst(%dma_wait3A_289 : memref<10240xf32, #tpu.memory_space<vmem_shared>>)
      %add3A_290 = arith.constant 2 : i32
      %add3A_291 = arith.addi %mul3A_259, %add3A_290 : i32
      %add3A_292 = arith.constant 0 : i32
      %add3A_293 = arith.addi %add3A_291, %add3A_292 : i32
      %mul3A_294 = arith.constant 80 : i32
      %mul3A_295 = arith.muli %add3A_293, %mul3A_294 : i32
      %add3A_296 = arith.addi %mul3A_2, %mul3A_295 : i32
      %dma_start3A_297 = tpu.memref_slice %arg2[%add3A_296] : memref<320000xi32, #tpu.memory_space<hbm>> -> memref<80xi32, #tpu.memory_space<hbm>>
      %dma_start3A_298 = tpu.memref_slice %arg2[%add3A_296] : memref<320000xi32, #tpu.memory_space<hbm>> -> memref<80xi32, #tpu.memory_space<hbm>>
      tpu.enqueue_dma source(%dma_start3A_298 : memref<80xi32, #tpu.memory_space<hbm>>) target(%arg5 : memref<80xi32, #tpu.memory_space<vmem>>) target_semaphore(%arg13 : memref<!tpu.dma_semaphore, #tpu.memory_space<semaphore_mem>>)
      %dma_start3A_299 = tpu.memref_slice %arg3[%add3A_296] : memref<320000xi32, #tpu.memory_space<hbm>> -> memref<80xi32, #tpu.memory_space<hbm>>
      %dma_start3A_300 = tpu.memref_slice %arg3[%add3A_296] : memref<320000xi32, #tpu.memory_space<hbm>> -> memref<80xi32, #tpu.memory_space<hbm>>
      tpu.enqueue_dma source(%dma_start3A_300 : memref<80xi32, #tpu.memory_space<hbm>>) target(%arg7 : memref<80xi32, #tpu.memory_space<vmem>>) target_semaphore(%arg13 : memref<!tpu.dma_semaphore, #tpu.memory_space<semaphore_mem>>)
      %dma_wait3A_301 = arith.constant 0 : i32
      %dma_wait3A_302 = tpu.memref_slice %arg11[%dma_wait3A_301] : memref<10240xf32, #tpu.memory_space<vmem_shared>> -> memref<10240xf32, #tpu.memory_space<vmem_shared>>
      tpu.wait_indirect_dma semaphore(%arg16 : memref<!tpu.dma_semaphore, #tpu.memory_space<semaphore_mem>>) src(%arg9 : memref<80xf32, #tpu.memory_space<vmem>>) dst(%dma_wait3A_302 : memref<10240xf32, #tpu.memory_space<vmem_shared>>)
      %dma_wait3A_303 = arith.constant 0 : i32
      %dma_wait3A_304 = tpu.memref_slice %arg12[%dma_wait3A_303] : memref<10240xf32, #tpu.memory_space<vmem_shared>> -> memref<10240xf32, #tpu.memory_space<vmem_shared>>
      tpu.wait_indirect_dma semaphore(%arg16 : memref<!tpu.dma_semaphore, #tpu.memory_space<semaphore_mem>>) src(%arg9 : memref<80xf32, #tpu.memory_space<vmem>>) dst(%dma_wait3A_304 : memref<10240xf32, #tpu.memory_space<vmem_shared>>)
      %add3A_305 = arith.constant 2 : i32
      %add3A_306 = arith.addi %mul3A_259, %add3A_305 : i32
      %add3A_307 = arith.constant 1 : i32
      %add3A_308 = arith.addi %add3A_306, %add3A_307 : i32
      %mul3A_309 = arith.constant 80 : i32
      %mul3A_310 = arith.muli %add3A_308, %mul3A_309 : i32
      %add3A_311 = arith.addi %mul3A_2, %mul3A_310 : i32
      %dma_start3A_312 = tpu.memref_slice %arg2[%add3A_311] : memref<320000xi32, #tpu.memory_space<hbm>> -> memref<80xi32, #tpu.memory_space<hbm>>
      %dma_start3A_313 = tpu.memref_slice %arg2[%add3A_311] : memref<320000xi32, #tpu.memory_space<hbm>> -> memref<80xi32, #tpu.memory_space<hbm>>
      tpu.enqueue_dma source(%dma_start3A_313 : memref<80xi32, #tpu.memory_space<hbm>>) target(%arg6 : memref<80xi32, #tpu.memory_space<vmem>>) target_semaphore(%arg14 : memref<!tpu.dma_semaphore, #tpu.memory_space<semaphore_mem>>)
      %dma_start3A_314 = tpu.memref_slice %arg3[%add3A_311] : memref<320000xi32, #tpu.memory_space<hbm>> -> memref<80xi32, #tpu.memory_space<hbm>>
      %dma_start3A_315 = tpu.memref_slice %arg3[%add3A_311] : memref<320000xi32, #tpu.memory_space<hbm>> -> memref<80xi32, #tpu.memory_space<hbm>>
      tpu.enqueue_dma source(%dma_start3A_315 : memref<80xi32, #tpu.memory_space<hbm>>) target(%arg8 : memref<80xi32, #tpu.memory_space<vmem>>) target_semaphore(%arg14 : memref<!tpu.dma_semaphore, #tpu.memory_space<semaphore_mem>>)
      %scan3A_316 = arith.constant 0 : i32
      scf.yield %scan3A_316 : i32
    }
    %scan3A_205 = arith.constant 61 : i32
    %add3A_206 = arith.constant 9760 : i32
    %add3A_207 = arith.addi %mul3A_2, %add3A_206 : i32
    %dma_wait3A = tpu.memref_slice %arg2[%add3A_207] : memref<320000xi32, #tpu.memory_space<hbm>> -> memref<80xi32, #tpu.memory_space<hbm>>
    %dma_wait3A_208 = tpu.memref_slice %arg2[%add3A_207] : memref<320000xi32, #tpu.memory_space<hbm>> -> memref<80xi32, #tpu.memory_space<hbm>>
    tpu.wait_dma2 semaphore(%arg13 : memref<!tpu.dma_semaphore, #tpu.memory_space<semaphore_mem>>) src(%dma_wait3A_208 : memref<80xi32, #tpu.memory_space<hbm>>) dst(%arg5 : memref<80xi32, #tpu.memory_space<vmem>>)
    %dma_wait3A_209 = tpu.memref_slice %arg3[%add3A_207] : memref<320000xi32, #tpu.memory_space<hbm>> -> memref<80xi32, #tpu.memory_space<hbm>>
    %dma_wait3A_210 = tpu.memref_slice %arg3[%add3A_207] : memref<320000xi32, #tpu.memory_space<hbm>> -> memref<80xi32, #tpu.memory_space<hbm>>
    tpu.wait_dma2 semaphore(%arg13 : memref<!tpu.dma_semaphore, #tpu.memory_space<semaphore_mem>>) src(%dma_wait3A_210 : memref<80xi32, #tpu.memory_space<hbm>>) dst(%arg7 : memref<80xi32, #tpu.memory_space<vmem>>)
    %dma_start3A_211 = arith.constant 0 : i32
    %dma_start3A_212 = tpu.memref_slice %arg11[%dma_start3A_211] : memref<10240xf32, #tpu.memory_space<vmem_shared>> -> memref<10240xf32, #tpu.memory_space<vmem_shared>>
    tpu.enqueue_indirect_dma source(%arg9 : memref<80xf32, #tpu.memory_space<vmem>>) target(%dma_start3A_212 : memref<10240xf32, #tpu.memory_space<vmem_shared>>) offsets(%arg5 : memref<80xi32, #tpu.memory_space<vmem>>) semaphore(%arg15 : memref<!tpu.dma_semaphore, #tpu.memory_space<semaphore_mem>>) {add = true}
    %dma_start3A_213 = arith.constant 0 : i32
    %dma_start3A_214 = tpu.memref_slice %arg12[%dma_start3A_213] : memref<10240xf32, #tpu.memory_space<vmem_shared>> -> memref<10240xf32, #tpu.memory_space<vmem_shared>>
    tpu.enqueue_indirect_dma source(%arg9 : memref<80xf32, #tpu.memory_space<vmem>>) target(%dma_start3A_214 : memref<10240xf32, #tpu.memory_space<vmem_shared>>) offsets(%arg7 : memref<80xi32, #tpu.memory_space<vmem>>) semaphore(%arg15 : memref<!tpu.dma_semaphore, #tpu.memory_space<semaphore_mem>>) {add = true}
    %add3A_215 = arith.constant 9840 : i32
    %add3A_216 = arith.addi %mul3A_2, %add3A_215 : i32
    %dma_wait3A_217 = tpu.memref_slice %arg2[%add3A_216] : memref<320000xi32, #tpu.memory_space<hbm>> -> memref<80xi32, #tpu.memory_space<hbm>>
    %dma_wait3A_218 = tpu.memref_slice %arg2[%add3A_216] : memref<320000xi32, #tpu.memory_space<hbm>> -> memref<80xi32, #tpu.memory_space<hbm>>
    tpu.wait_dma2 semaphore(%arg14 : memref<!tpu.dma_semaphore, #tpu.memory_space<semaphore_mem>>) src(%dma_wait3A_218 : memref<80xi32, #tpu.memory_space<hbm>>) dst(%arg6 : memref<80xi32, #tpu.memory_space<vmem>>)
    %dma_wait3A_219 = tpu.memref_slice %arg3[%add3A_216] : memref<320000xi32, #tpu.memory_space<hbm>> -> memref<80xi32, #tpu.memory_space<hbm>>
    %dma_wait3A_220 = tpu.memref_slice %arg3[%add3A_216] : memref<320000xi32, #tpu.memory_space<hbm>> -> memref<80xi32, #tpu.memory_space<hbm>>
    tpu.wait_dma2 semaphore(%arg14 : memref<!tpu.dma_semaphore, #tpu.memory_space<semaphore_mem>>) src(%dma_wait3A_220 : memref<80xi32, #tpu.memory_space<hbm>>) dst(%arg8 : memref<80xi32, #tpu.memory_space<vmem>>)
    %dma_start3A_221 = arith.constant 0 : i32
    %dma_start3A_222 = tpu.memref_slice %arg11[%dma_start3A_221] : memref<10240xf32, #tpu.memory_space<vmem_shared>> -> memref<10240xf32, #tpu.memory_space<vmem_shared>>
    tpu.enqueue_indirect_dma source(%arg9 : memref<80xf32, #tpu.memory_space<vmem>>) target(%dma_start3A_222 : memref<10240xf32, #tpu.memory_space<vmem_shared>>) offsets(%arg6 : memref<80xi32, #tpu.memory_space<vmem>>) semaphore(%arg16 : memref<!tpu.dma_semaphore, #tpu.memory_space<semaphore_mem>>) {add = true}
    %dma_start3A_223 = arith.constant 0 : i32
    %dma_start3A_224 = tpu.memref_slice %arg12[%dma_start3A_223] : memref<10240xf32, #tpu.memory_space<vmem_shared>> -> memref<10240xf32, #tpu.memory_space<vmem_shared>>
    tpu.enqueue_indirect_dma source(%arg9 : memref<80xf32, #tpu.memory_space<vmem>>) target(%dma_start3A_224 : memref<10240xf32, #tpu.memory_space<vmem_shared>>) offsets(%arg8 : memref<80xi32, #tpu.memory_space<vmem>>) semaphore(%arg16 : memref<!tpu.dma_semaphore, #tpu.memory_space<semaphore_mem>>) {add = true}
    %dma_wait3A_225 = arith.constant 0 : i32
    %dma_wait3A_226 = tpu.memref_slice %arg11[%dma_wait3A_225] : memref<10240xf32, #tpu.memory_space<vmem_shared>> -> memref<10240xf32, #tpu.memory_space<vmem_shared>>
    tpu.wait_indirect_dma semaphore(%arg15 : memref<!tpu.dma_semaphore, #tpu.memory_space<semaphore_mem>>) src(%arg9 : memref<80xf32, #tpu.memory_space<vmem>>) dst(%dma_wait3A_226 : memref<10240xf32, #tpu.memory_space<vmem_shared>>)
    %dma_wait3A_227 = arith.constant 0 : i32
    %dma_wait3A_228 = tpu.memref_slice %arg12[%dma_wait3A_227] : memref<10240xf32, #tpu.memory_space<vmem_shared>> -> memref<10240xf32, #tpu.memory_space<vmem_shared>>
    tpu.wait_indirect_dma semaphore(%arg15 : memref<!tpu.dma_semaphore, #tpu.memory_space<semaphore_mem>>) src(%arg9 : memref<80xf32, #tpu.memory_space<vmem>>) dst(%dma_wait3A_228 : memref<10240xf32, #tpu.memory_space<vmem_shared>>)
    %add3A_229 = arith.constant 9920 : i32
    %add3A_230 = arith.addi %mul3A_2, %add3A_229 : i32
    %dma_start3A_231 = tpu.memref_slice %arg2[%add3A_230] : memref<320000xi32, #tpu.memory_space<hbm>> -> memref<80xi32, #tpu.memory_space<hbm>>
    %dma_start3A_232 = tpu.memref_slice %arg2[%add3A_230] : memref<320000xi32, #tpu.memory_space<hbm>> -> memref<80xi32, #tpu.memory_space<hbm>>
    tpu.enqueue_dma source(%dma_start3A_232 : memref<80xi32, #tpu.memory_space<hbm>>) target(%arg5 : memref<80xi32, #tpu.memory_space<vmem>>) target_semaphore(%arg13 : memref<!tpu.dma_semaphore, #tpu.memory_space<semaphore_mem>>)
    %dma_start3A_233 = tpu.memref_slice %arg3[%add3A_230] : memref<320000xi32, #tpu.memory_space<hbm>> -> memref<80xi32, #tpu.memory_space<hbm>>
    %dma_start3A_234 = tpu.memref_slice %arg3[%add3A_230] : memref<320000xi32, #tpu.memory_space<hbm>> -> memref<80xi32, #tpu.memory_space<hbm>>
    tpu.enqueue_dma source(%dma_start3A_234 : memref<80xi32, #tpu.memory_space<hbm>>) target(%arg7 : memref<80xi32, #tpu.memory_space<vmem>>) target_semaphore(%arg13 : memref<!tpu.dma_semaphore, #tpu.memory_space<semaphore_mem>>)
    %add3A_235 = arith.constant 9920 : i32
    %add3A_236 = arith.addi %mul3A_2, %add3A_235 : i32
    %dma_wait3A_237 = tpu.memref_slice %arg2[%add3A_236] : memref<320000xi32, #tpu.memory_space<hbm>> -> memref<80xi32, #tpu.memory_space<hbm>>
    %dma_wait3A_238 = tpu.memref_slice %arg2[%add3A_236] : memref<320000xi32, #tpu.memory_space<hbm>> -> memref<80xi32, #tpu.memory_space<hbm>>
    tpu.wait_dma2 semaphore(%arg13 : memref<!tpu.dma_semaphore, #tpu.memory_space<semaphore_mem>>) src(%dma_wait3A_238 : memref<80xi32, #tpu.memory_space<hbm>>) dst(%arg5 : memref<80xi32, #tpu.memory_space<vmem>>)
    %dma_wait3A_239 = tpu.memref_slice %arg3[%add3A_236] : memref<320000xi32, #tpu.memory_space<hbm>> -> memref<80xi32, #tpu.memory_space<hbm>>
    %dma_wait3A_240 = tpu.memref_slice %arg3[%add3A_236] : memref<320000xi32, #tpu.memory_space<hbm>> -> memref<80xi32, #tpu.memory_space<hbm>>
    tpu.wait_dma2 semaphore(%arg13 : memref<!tpu.dma_semaphore, #tpu.memory_space<semaphore_mem>>) src(%dma_wait3A_240 : memref<80xi32, #tpu.memory_space<hbm>>) dst(%arg7 : memref<80xi32, #tpu.memory_space<vmem>>)
    %dma_start3A_241 = arith.constant 0 : i32
    %dma_start3A_242 = tpu.memref_slice %arg11[%dma_start3A_241] : memref<10240xf32, #tpu.memory_space<vmem_shared>> -> memref<10240xf32, #tpu.memory_space<vmem_shared>>
    tpu.enqueue_indirect_dma source(%arg9 : memref<80xf32, #tpu.memory_space<vmem>>) target(%dma_start3A_242 : memref<10240xf32, #tpu.memory_space<vmem_shared>>) offsets(%arg5 : memref<80xi32, #tpu.memory_space<vmem>>) semaphore(%arg15 : memref<!tpu.dma_semaphore, #tpu.memory_space<semaphore_mem>>) {add = true}
    %dma_start3A_243 = arith.constant 0 : i32
    %dma_start3A_244 = tpu.memref_slice %arg12[%dma_start3A_243] : memref<10240xf32, #tpu.memory_space<vmem_shared>> -> memref<10240xf32, #tpu.memory_space<vmem_shared>>
    tpu.enqueue_indirect_dma source(%arg9 : memref<80xf32, #tpu.memory_space<vmem>>) target(%dma_start3A_244 : memref<10240xf32, #tpu.memory_space<vmem_shared>>) offsets(%arg7 : memref<80xi32, #tpu.memory_space<vmem>>) semaphore(%arg15 : memref<!tpu.dma_semaphore, #tpu.memory_space<semaphore_mem>>) {add = true}
    %dma_wait3A_245 = arith.constant 0 : i32
    %dma_wait3A_246 = tpu.memref_slice %arg11[%dma_wait3A_245] : memref<10240xf32, #tpu.memory_space<vmem_shared>> -> memref<10240xf32, #tpu.memory_space<vmem_shared>>
    tpu.wait_indirect_dma semaphore(%arg15 : memref<!tpu.dma_semaphore, #tpu.memory_space<semaphore_mem>>) src(%arg9 : memref<80xf32, #tpu.memory_space<vmem>>) dst(%dma_wait3A_246 : memref<10240xf32, #tpu.memory_space<vmem_shared>>)
    %dma_wait3A_247 = arith.constant 0 : i32
    %dma_wait3A_248 = tpu.memref_slice %arg12[%dma_wait3A_247] : memref<10240xf32, #tpu.memory_space<vmem_shared>> -> memref<10240xf32, #tpu.memory_space<vmem_shared>>
    tpu.wait_indirect_dma semaphore(%arg15 : memref<!tpu.dma_semaphore, #tpu.memory_space<semaphore_mem>>) src(%arg9 : memref<80xf32, #tpu.memory_space<vmem>>) dst(%dma_wait3A_248 : memref<10240xf32, #tpu.memory_space<vmem_shared>>)
    %dma_wait3A_249 = arith.constant 0 : i32
    %dma_wait3A_250 = tpu.memref_slice %arg11[%dma_wait3A_249] : memref<10240xf32, #tpu.memory_space<vmem_shared>> -> memref<10240xf32, #tpu.memory_space<vmem_shared>>
    tpu.wait_indirect_dma semaphore(%arg16 : memref<!tpu.dma_semaphore, #tpu.memory_space<semaphore_mem>>) src(%arg9 : memref<80xf32, #tpu.memory_space<vmem>>) dst(%dma_wait3A_250 : memref<10240xf32, #tpu.memory_space<vmem_shared>>)
    %dma_wait3A_251 = arith.constant 0 : i32
    %dma_wait3A_252 = tpu.memref_slice %arg12[%dma_wait3A_251] : memref<10240xf32, #tpu.memory_space<vmem_shared>> -> memref<10240xf32, #tpu.memory_space<vmem_shared>>
    tpu.wait_indirect_dma semaphore(%arg16 : memref<!tpu.dma_semaphore, #tpu.memory_space<semaphore_mem>>) src(%arg9 : memref<80xf32, #tpu.memory_space<vmem>>) dst(%dma_wait3A_252 : memref<10240xf32, #tpu.memory_space<vmem_shared>>)
    %barrier3A_253 = arith.constant 0 : index
    tpu.barrier barrier_id(%barrier3A_253)
    %eq3A = arith.constant 0 : i32
    %eq3A_254 = arith.cmpi eq, %arg1, %eq3A : i32
    %convert_element_type3A = arith.extui %eq3A_254 : i1 to i32
    %cond3A = arith.constant 0 : i32
    %cond3A_255 = arith.cmpi ne, %convert_element_type3A, %cond3A : i32
    scf.if %cond3A_255 {
      %run_scoped3A = arith.constant 0 : i32
      "tpu.region"() ({
        %run_scoped3A_257 = tpu.sem_alloc : memref<!tpu.dma_semaphore, #tpu.memory_space<semaphore_mem>>
        %dma_start3A_258 = arith.constant 0 : i32
        %dma_start3A_259 = tpu.memref_slice %arg4[%run_scoped3A, %arg0, %dma_start3A_258] : memref<2x2x10240xf32, #tpu.memory_space<hbm>> -> memref<1x1x10240xf32, #tpu.memory_space<hbm>>
        %dma_start3A_260 = tpu.memref_squeeze %dma_start3A_259 : memref<1x1x10240xf32, #tpu.memory_space<hbm>> -> memref<10240xf32, #tpu.memory_space<hbm>>
        tpu.enqueue_dma source(%arg11 : memref<10240xf32, #tpu.memory_space<vmem_shared>>) target(%dma_start3A_260 : memref<10240xf32, #tpu.memory_space<hbm>>) target_semaphore(%run_scoped3A_257 : memref<!tpu.dma_semaphore, #tpu.memory_space<semaphore_mem>>)
        %dma_wait3A_261 = arith.constant 0 : i32
        %dma_wait3A_262 = tpu.memref_slice %arg4[%run_scoped3A, %arg0, %dma_wait3A_261] : memref<2x2x10240xf32, #tpu.memory_space<hbm>> -> memref<1x1x10240xf32, #tpu.memory_space<hbm>>
        %dma_wait3A_263 = tpu.memref_squeeze %dma_wait3A_262 : memref<1x1x10240xf32, #tpu.memory_space<hbm>> -> memref<10240xf32, #tpu.memory_space<hbm>>
        tpu.wait_dma2 semaphore(%run_scoped3A_257 : memref<!tpu.dma_semaphore, #tpu.memory_space<semaphore_mem>>) src(%arg11 : memref<10240xf32, #tpu.memory_space<vmem_shared>>) dst(%dma_wait3A_263 : memref<10240xf32, #tpu.memory_space<hbm>>)
        tpu.yield
      }) : () -> ()
      %run_scoped3A_256 = arith.constant 1 : i32
      "tpu.region"() ({
        %run_scoped3A_257 = tpu.sem_alloc : memref<!tpu.dma_semaphore, #tpu.memory_space<semaphore_mem>>
        %dma_start3A_258 = arith.constant 0 : i32
        %dma_start3A_259 = tpu.memref_slice %arg4[%run_scoped3A_256, %arg0, %dma_start3A_258] : memref<2x2x10240xf32, #tpu.memory_space<hbm>> -> memref<1x1x10240xf32, #tpu.memory_space<hbm>>
        %dma_start3A_260 = tpu.memref_squeeze %dma_start3A_259 : memref<1x1x10240xf32, #tpu.memory_space<hbm>> -> memref<10240xf32, #tpu.memory_space<hbm>>
        tpu.enqueue_dma source(%arg12 : memref<10240xf32, #tpu.memory_space<vmem_shared>>) target(%dma_start3A_260 : memref<10240xf32, #tpu.memory_space<hbm>>) target_semaphore(%run_scoped3A_257 : memref<!tpu.dma_semaphore, #tpu.memory_space<semaphore_mem>>)
        %dma_wait3A_261 = arith.constant 0 : i32
        %dma_wait3A_262 = tpu.memref_slice %arg4[%run_scoped3A_256, %arg0, %dma_wait3A_261] : memref<2x2x10240xf32, #tpu.memory_space<hbm>> -> memref<1x1x10240xf32, #tpu.memory_space<hbm>>
        %dma_wait3A_263 = tpu.memref_squeeze %dma_wait3A_262 : memref<1x1x10240xf32, #tpu.memory_space<hbm>> -> memref<10240xf32, #tpu.memory_space<hbm>>
        tpu.wait_dma2 semaphore(%run_scoped3A_257 : memref<!tpu.dma_semaphore, #tpu.memory_space<semaphore_mem>>) src(%arg12 : memref<10240xf32, #tpu.memory_space<vmem_shared>>) dst(%dma_wait3A_263 : memref<10240xf32, #tpu.memory_space<hbm>>)
        tpu.yield
      }) : () -> ()
    } else {
    }
    return
  }
}

#map = affine_map<(d0, d1) -> (0, 0)>
#map1 = affine_map<(d0, d1) -> (0)>
#map2 = affine_map<(d0, d1) -> (0, 0, 0)>
module attributes {stable_mosaic.version = 14 : i64} {
  func.func @agg(%arg0: i32, %arg1: i32, %arg2: memref<10000x128xbf16, #tpu.memory_space<hbm>>, %arg3: memref<320000xi32, #tpu.memory_space<hbm>>, %arg4: memref<320000xi32, #tpu.memory_space<hbm>>, %arg5: memref<10240x128xbf16, #tpu.memory_space<hbm>>, %arg6: memref<2x10240x128xbf16, #tpu.memory_space<hbm>>, %arg7: memref<80xi32, #tpu.memory_space<vmem>>, %arg8: memref<80xi32, #tpu.memory_space<vmem>>, %arg9: memref<80xi32, #tpu.memory_space<vmem>>, %arg10: memref<80xi32, #tpu.memory_space<vmem>>, %arg11: memref<80xi32, #tpu.memory_space<vmem>>, %arg12: memref<80xi32, #tpu.memory_space<vmem>>, %arg13: memref<80xi32, #tpu.memory_space<vmem>>, %arg14: memref<80xi32, #tpu.memory_space<vmem>>, %arg15: memref<80x128xbf16, #tpu.memory_space<vmem>>, %arg16: memref<80x128xbf16, #tpu.memory_space<vmem>>, %arg17: memref<80x128xbf16, #tpu.memory_space<vmem>>, %arg18: memref<80x128xbf16, #tpu.memory_space<vmem>>, %arg19: memref<10240x128xbf16, #tpu.memory_space<vmem_shared>>, %arg20: memref<!tpu.dma_semaphore, #tpu.memory_space<semaphore_mem>>, %arg21: memref<!tpu.dma_semaphore, #tpu.memory_space<semaphore_mem>>, %arg22: memref<!tpu.dma_semaphore, #tpu.memory_space<semaphore_mem>>, %arg23: memref<!tpu.dma_semaphore, #tpu.memory_space<semaphore_mem>>, %arg24: memref<!tpu.dma_semaphore, #tpu.memory_space<semaphore_mem>>, %arg25: memref<!tpu.dma_semaphore, #tpu.memory_space<semaphore_mem>>, %arg26: memref<!tpu.dma_semaphore, #tpu.memory_space<semaphore_mem>>, %arg27: memref<!tpu.dma_semaphore, #tpu.memory_space<semaphore_mem>>, %arg28: memref<!tpu.dma_semaphore, #tpu.memory_space<semaphore_mem>>, %arg29: memref<!tpu.dma_semaphore, #tpu.memory_space<semaphore_mem>>, %arg30: memref<!tpu.dma_semaphore, #tpu.memory_space<semaphore_mem>>, %arg31: memref<!tpu.dma_semaphore, #tpu.memory_space<semaphore_mem>>) attributes {dimension_semantics = [#tpu.dimension_semantics<core_parallel>, #tpu.dimension_semantics<subcore_parallel>], iteration_bounds = array<i64: 2, 16>, scalar_prefetch = 0 : i64, scratch_operands = 25 : i64, tpu.core_type = #tpu.core_type<sc_vector_subcore>, window_params = [{transform_indices = #map}, {transform_indices = #map1}, {transform_indices = #map1}, {transform_indices = #map}, {transform_indices = #map2}]} {
    %mul3A = arith.constant 16 : i32
    %mul3A_0 = arith.muli %arg0, %mul3A : i32
    %add3A = arith.addi %mul3A_0, %arg1 : i32
    %mul3A_1 = arith.constant 10000 : i32
    %mul3A_2 = arith.muli %add3A, %mul3A_1 : i32
    %mul3A_3 = arith.constant 640 : i32
    %mul3A_4 = arith.muli %arg1, %mul3A_3 : i32
    %mul3A_5 = arith.constant 640 : i32
    %mul3A_6 = arith.muli %arg1, %mul3A_5 : i32
    "tpu.region"() ({
      %run_scoped3A = tpu.sem_alloc : memref<!tpu.dma_semaphore, #tpu.memory_space<semaphore_mem>>
      %dma_start3A_136 = arith.constant 0 : i32
      %dma_start3A_137 = tpu.memref_slice %arg19[%mul3A_6, %dma_start3A_136] : memref<10240x128xbf16, #tpu.memory_space<vmem_shared>> -> memref<640x128xbf16, #tpu.memory_space<vmem_shared>>
      %dma_start3A_138 = arith.constant 0 : i32
      %dma_start3A_139 = tpu.memref_slice %arg5[%mul3A_4, %dma_start3A_138] : memref<10240x128xbf16, #tpu.memory_space<hbm>> -> memref<640x128xbf16, #tpu.memory_space<hbm>>
      tpu.enqueue_dma source(%dma_start3A_139 : memref<640x128xbf16, #tpu.memory_space<hbm>>) target(%dma_start3A_137 : memref<640x128xbf16, #tpu.memory_space<vmem_shared>>) target_semaphore(%run_scoped3A : memref<!tpu.dma_semaphore, #tpu.memory_space<semaphore_mem>>)
      %dma_wait3A_140 = arith.constant 0 : i32
      %dma_wait3A_141 = tpu.memref_slice %arg19[%mul3A_6, %dma_wait3A_140] : memref<10240x128xbf16, #tpu.memory_space<vmem_shared>> -> memref<640x128xbf16, #tpu.memory_space<vmem_shared>>
      %dma_wait3A_142 = arith.constant 0 : i32
      %dma_wait3A_143 = tpu.memref_slice %arg5[%mul3A_4, %dma_wait3A_142] : memref<10240x128xbf16, #tpu.memory_space<hbm>> -> memref<640x128xbf16, #tpu.memory_space<hbm>>
      tpu.wait_dma2 semaphore(%run_scoped3A : memref<!tpu.dma_semaphore, #tpu.memory_space<semaphore_mem>>) src(%dma_wait3A_143 : memref<640x128xbf16, #tpu.memory_space<hbm>>) dst(%dma_wait3A_141 : memref<640x128xbf16, #tpu.memory_space<vmem_shared>>)
      tpu.yield
    }) : () -> ()
    %barrier3A = arith.constant 0 : index
    tpu.barrier barrier_id(%barrier3A)
    %add3A_7 = arith.constant 0 : i32
    %add3A_8 = arith.addi %mul3A_2, %add3A_7 : i32
    %dma_start3A = tpu.memref_slice %arg3[%add3A_8] : memref<320000xi32, #tpu.memory_space<hbm>> -> memref<80xi32, #tpu.memory_space<hbm>>
    %dma_start3A_9 = tpu.memref_slice %arg3[%add3A_8] : memref<320000xi32, #tpu.memory_space<hbm>> -> memref<80xi32, #tpu.memory_space<hbm>>
    tpu.enqueue_dma source(%dma_start3A_9 : memref<80xi32, #tpu.memory_space<hbm>>) target(%arg7 : memref<80xi32, #tpu.memory_space<vmem>>) target_semaphore(%arg20 : memref<!tpu.dma_semaphore, #tpu.memory_space<semaphore_mem>>)
    %dma_start3A_10 = tpu.memref_slice %arg4[%add3A_8] : memref<320000xi32, #tpu.memory_space<hbm>> -> memref<80xi32, #tpu.memory_space<hbm>>
    %dma_start3A_11 = tpu.memref_slice %arg4[%add3A_8] : memref<320000xi32, #tpu.memory_space<hbm>> -> memref<80xi32, #tpu.memory_space<hbm>>
    tpu.enqueue_dma source(%dma_start3A_11 : memref<80xi32, #tpu.memory_space<hbm>>) target(%arg11 : memref<80xi32, #tpu.memory_space<vmem>>) target_semaphore(%arg20 : memref<!tpu.dma_semaphore, #tpu.memory_space<semaphore_mem>>)
    %add3A_12 = arith.constant 80 : i32
    %add3A_13 = arith.addi %mul3A_2, %add3A_12 : i32
    %dma_start3A_14 = tpu.memref_slice %arg3[%add3A_13] : memref<320000xi32, #tpu.memory_space<hbm>> -> memref<80xi32, #tpu.memory_space<hbm>>
    %dma_start3A_15 = tpu.memref_slice %arg3[%add3A_13] : memref<320000xi32, #tpu.memory_space<hbm>> -> memref<80xi32, #tpu.memory_space<hbm>>
    tpu.enqueue_dma source(%dma_start3A_15 : memref<80xi32, #tpu.memory_space<hbm>>) target(%arg8 : memref<80xi32, #tpu.memory_space<vmem>>) target_semaphore(%arg21 : memref<!tpu.dma_semaphore, #tpu.memory_space<semaphore_mem>>)
    %dma_start3A_16 = tpu.memref_slice %arg4[%add3A_13] : memref<320000xi32, #tpu.memory_space<hbm>> -> memref<80xi32, #tpu.memory_space<hbm>>
    %dma_start3A_17 = tpu.memref_slice %arg4[%add3A_13] : memref<320000xi32, #tpu.memory_space<hbm>> -> memref<80xi32, #tpu.memory_space<hbm>>
    tpu.enqueue_dma source(%dma_start3A_17 : memref<80xi32, #tpu.memory_space<hbm>>) target(%arg12 : memref<80xi32, #tpu.memory_space<vmem>>) target_semaphore(%arg21 : memref<!tpu.dma_semaphore, #tpu.memory_space<semaphore_mem>>)
    %add3A_18 = arith.constant 160 : i32
    %add3A_19 = arith.addi %mul3A_2, %add3A_18 : i32
    %dma_start3A_20 = tpu.memref_slice %arg3[%add3A_19] : memref<320000xi32, #tpu.memory_space<hbm>> -> memref<80xi32, #tpu.memory_space<hbm>>
    %dma_start3A_21 = tpu.memref_slice %arg3[%add3A_19] : memref<320000xi32, #tpu.memory_space<hbm>> -> memref<80xi32, #tpu.memory_space<hbm>>
    tpu.enqueue_dma source(%dma_start3A_21 : memref<80xi32, #tpu.memory_space<hbm>>) target(%arg9 : memref<80xi32, #tpu.memory_space<vmem>>) target_semaphore(%arg22 : memref<!tpu.dma_semaphore, #tpu.memory_space<semaphore_mem>>)
    %dma_start3A_22 = tpu.memref_slice %arg4[%add3A_19] : memref<320000xi32, #tpu.memory_space<hbm>> -> memref<80xi32, #tpu.memory_space<hbm>>
    %dma_start3A_23 = tpu.memref_slice %arg4[%add3A_19] : memref<320000xi32, #tpu.memory_space<hbm>> -> memref<80xi32, #tpu.memory_space<hbm>>
    tpu.enqueue_dma source(%dma_start3A_23 : memref<80xi32, #tpu.memory_space<hbm>>) target(%arg13 : memref<80xi32, #tpu.memory_space<vmem>>) target_semaphore(%arg22 : memref<!tpu.dma_semaphore, #tpu.memory_space<semaphore_mem>>)
    %add3A_24 = arith.constant 240 : i32
    %add3A_25 = arith.addi %mul3A_2, %add3A_24 : i32
    %dma_start3A_26 = tpu.memref_slice %arg3[%add3A_25] : memref<320000xi32, #tpu.memory_space<hbm>> -> memref<80xi32, #tpu.memory_space<hbm>>
    %dma_start3A_27 = tpu.memref_slice %arg3[%add3A_25] : memref<320000xi32, #tpu.memory_space<hbm>> -> memref<80xi32, #tpu.memory_space<hbm>>
    tpu.enqueue_dma source(%dma_start3A_27 : memref<80xi32, #tpu.memory_space<hbm>>) target(%arg10 : memref<80xi32, #tpu.memory_space<vmem>>) target_semaphore(%arg23 : memref<!tpu.dma_semaphore, #tpu.memory_space<semaphore_mem>>)
    %dma_start3A_28 = tpu.memref_slice %arg4[%add3A_25] : memref<320000xi32, #tpu.memory_space<hbm>> -> memref<80xi32, #tpu.memory_space<hbm>>
    %dma_start3A_29 = tpu.memref_slice %arg4[%add3A_25] : memref<320000xi32, #tpu.memory_space<hbm>> -> memref<80xi32, #tpu.memory_space<hbm>>
    tpu.enqueue_dma source(%dma_start3A_29 : memref<80xi32, #tpu.memory_space<hbm>>) target(%arg14 : memref<80xi32, #tpu.memory_space<vmem>>) target_semaphore(%arg23 : memref<!tpu.dma_semaphore, #tpu.memory_space<semaphore_mem>>)
    %add3A_30 = arith.constant 0 : i32
    %add3A_31 = arith.addi %mul3A_2, %add3A_30 : i32
    %dma_wait3A = tpu.memref_slice %arg3[%add3A_31] : memref<320000xi32, #tpu.memory_space<hbm>> -> memref<80xi32, #tpu.memory_space<hbm>>
    %dma_wait3A_32 = tpu.memref_slice %arg3[%add3A_31] : memref<320000xi32, #tpu.memory_space<hbm>> -> memref<80xi32, #tpu.memory_space<hbm>>
    tpu.wait_dma2 semaphore(%arg20 : memref<!tpu.dma_semaphore, #tpu.memory_space<semaphore_mem>>) src(%dma_wait3A_32 : memref<80xi32, #tpu.memory_space<hbm>>) dst(%arg7 : memref<80xi32, #tpu.memory_space<vmem>>)
    %dma_wait3A_33 = tpu.memref_slice %arg4[%add3A_31] : memref<320000xi32, #tpu.memory_space<hbm>> -> memref<80xi32, #tpu.memory_space<hbm>>
    %dma_wait3A_34 = tpu.memref_slice %arg4[%add3A_31] : memref<320000xi32, #tpu.memory_space<hbm>> -> memref<80xi32, #tpu.memory_space<hbm>>
    tpu.wait_dma2 semaphore(%arg20 : memref<!tpu.dma_semaphore, #tpu.memory_space<semaphore_mem>>) src(%dma_wait3A_34 : memref<80xi32, #tpu.memory_space<hbm>>) dst(%arg11 : memref<80xi32, #tpu.memory_space<vmem>>)
    %dma_start3A_35 = arith.constant 0 : i32
    %dma_start3A_36 = arith.constant 0 : i32
    %dma_start3A_37 = tpu.memref_slice %arg2[%dma_start3A_35, %dma_start3A_36] : memref<10000x128xbf16, #tpu.memory_space<hbm>> -> memref<10000x128xbf16, #tpu.memory_space<hbm>>
    tpu.enqueue_indirect_dma source(%dma_start3A_37 : memref<10000x128xbf16, #tpu.memory_space<hbm>>) target(%arg15 : memref<80x128xbf16, #tpu.memory_space<vmem>>) offsets(%arg7 : memref<80xi32, #tpu.memory_space<vmem>>) semaphore(%arg24 : memref<!tpu.dma_semaphore, #tpu.memory_space<semaphore_mem>>)
    %add3A_38 = arith.constant 80 : i32
    %add3A_39 = arith.addi %mul3A_2, %add3A_38 : i32
    %dma_wait3A_40 = tpu.memref_slice %arg3[%add3A_39] : memref<320000xi32, #tpu.memory_space<hbm>> -> memref<80xi32, #tpu.memory_space<hbm>>
    %dma_wait3A_41 = tpu.memref_slice %arg3[%add3A_39] : memref<320000xi32, #tpu.memory_space<hbm>> -> memref<80xi32, #tpu.memory_space<hbm>>
    tpu.wait_dma2 semaphore(%arg21 : memref<!tpu.dma_semaphore, #tpu.memory_space<semaphore_mem>>) src(%dma_wait3A_41 : memref<80xi32, #tpu.memory_space<hbm>>) dst(%arg8 : memref<80xi32, #tpu.memory_space<vmem>>)
    %dma_wait3A_42 = tpu.memref_slice %arg4[%add3A_39] : memref<320000xi32, #tpu.memory_space<hbm>> -> memref<80xi32, #tpu.memory_space<hbm>>
    %dma_wait3A_43 = tpu.memref_slice %arg4[%add3A_39] : memref<320000xi32, #tpu.memory_space<hbm>> -> memref<80xi32, #tpu.memory_space<hbm>>
    tpu.wait_dma2 semaphore(%arg21 : memref<!tpu.dma_semaphore, #tpu.memory_space<semaphore_mem>>) src(%dma_wait3A_43 : memref<80xi32, #tpu.memory_space<hbm>>) dst(%arg12 : memref<80xi32, #tpu.memory_space<vmem>>)
    %dma_start3A_44 = arith.constant 0 : i32
    %dma_start3A_45 = arith.constant 0 : i32
    %dma_start3A_46 = tpu.memref_slice %arg2[%dma_start3A_44, %dma_start3A_45] : memref<10000x128xbf16, #tpu.memory_space<hbm>> -> memref<10000x128xbf16, #tpu.memory_space<hbm>>
    tpu.enqueue_indirect_dma source(%dma_start3A_46 : memref<10000x128xbf16, #tpu.memory_space<hbm>>) target(%arg16 : memref<80x128xbf16, #tpu.memory_space<vmem>>) offsets(%arg8 : memref<80xi32, #tpu.memory_space<vmem>>) semaphore(%arg25 : memref<!tpu.dma_semaphore, #tpu.memory_space<semaphore_mem>>)
    %add3A_47 = arith.constant 160 : i32
    %add3A_48 = arith.addi %mul3A_2, %add3A_47 : i32
    %dma_wait3A_49 = tpu.memref_slice %arg3[%add3A_48] : memref<320000xi32, #tpu.memory_space<hbm>> -> memref<80xi32, #tpu.memory_space<hbm>>
    %dma_wait3A_50 = tpu.memref_slice %arg3[%add3A_48] : memref<320000xi32, #tpu.memory_space<hbm>> -> memref<80xi32, #tpu.memory_space<hbm>>
    tpu.wait_dma2 semaphore(%arg22 : memref<!tpu.dma_semaphore, #tpu.memory_space<semaphore_mem>>) src(%dma_wait3A_50 : memref<80xi32, #tpu.memory_space<hbm>>) dst(%arg9 : memref<80xi32, #tpu.memory_space<vmem>>)
    %dma_wait3A_51 = tpu.memref_slice %arg4[%add3A_48] : memref<320000xi32, #tpu.memory_space<hbm>> -> memref<80xi32, #tpu.memory_space<hbm>>
    %dma_wait3A_52 = tpu.memref_slice %arg4[%add3A_48] : memref<320000xi32, #tpu.memory_space<hbm>> -> memref<80xi32, #tpu.memory_space<hbm>>
    tpu.wait_dma2 semaphore(%arg22 : memref<!tpu.dma_semaphore, #tpu.memory_space<semaphore_mem>>) src(%dma_wait3A_52 : memref<80xi32, #tpu.memory_space<hbm>>) dst(%arg13 : memref<80xi32, #tpu.memory_space<vmem>>)
    %dma_start3A_53 = arith.constant 0 : i32
    %dma_start3A_54 = arith.constant 0 : i32
    %dma_start3A_55 = tpu.memref_slice %arg2[%dma_start3A_53, %dma_start3A_54] : memref<10000x128xbf16, #tpu.memory_space<hbm>> -> memref<10000x128xbf16, #tpu.memory_space<hbm>>
    tpu.enqueue_indirect_dma source(%dma_start3A_55 : memref<10000x128xbf16, #tpu.memory_space<hbm>>) target(%arg17 : memref<80x128xbf16, #tpu.memory_space<vmem>>) offsets(%arg9 : memref<80xi32, #tpu.memory_space<vmem>>) semaphore(%arg26 : memref<!tpu.dma_semaphore, #tpu.memory_space<semaphore_mem>>)
    %add3A_56 = arith.constant 240 : i32
    %add3A_57 = arith.addi %mul3A_2, %add3A_56 : i32
    %dma_wait3A_58 = tpu.memref_slice %arg3[%add3A_57] : memref<320000xi32, #tpu.memory_space<hbm>> -> memref<80xi32, #tpu.memory_space<hbm>>
    %dma_wait3A_59 = tpu.memref_slice %arg3[%add3A_57] : memref<320000xi32, #tpu.memory_space<hbm>> -> memref<80xi32, #tpu.memory_space<hbm>>
    tpu.wait_dma2 semaphore(%arg23 : memref<!tpu.dma_semaphore, #tpu.memory_space<semaphore_mem>>) src(%dma_wait3A_59 : memref<80xi32, #tpu.memory_space<hbm>>) dst(%arg10 : memref<80xi32, #tpu.memory_space<vmem>>)
    %dma_wait3A_60 = tpu.memref_slice %arg4[%add3A_57] : memref<320000xi32, #tpu.memory_space<hbm>> -> memref<80xi32, #tpu.memory_space<hbm>>
    %dma_wait3A_61 = tpu.memref_slice %arg4[%add3A_57] : memref<320000xi32, #tpu.memory_space<hbm>> -> memref<80xi32, #tpu.memory_space<hbm>>
    tpu.wait_dma2 semaphore(%arg23 : memref<!tpu.dma_semaphore, #tpu.memory_space<semaphore_mem>>) src(%dma_wait3A_61 : memref<80xi32, #tpu.memory_space<hbm>>) dst(%arg14 : memref<80xi32, #tpu.memory_space<vmem>>)
    %dma_start3A_62 = arith.constant 0 : i32
    %dma_start3A_63 = arith.constant 0 : i32
    %dma_start3A_64 = tpu.memref_slice %arg2[%dma_start3A_62, %dma_start3A_63] : memref<10000x128xbf16, #tpu.memory_space<hbm>> -> memref<10000x128xbf16, #tpu.memory_space<hbm>>
    tpu.enqueue_indirect_dma source(%dma_start3A_64 : memref<10000x128xbf16, #tpu.memory_space<hbm>>) target(%arg18 : memref<80x128xbf16, #tpu.memory_space<vmem>>) offsets(%arg10 : memref<80xi32, #tpu.memory_space<vmem>>) semaphore(%arg27 : memref<!tpu.dma_semaphore, #tpu.memory_space<semaphore_mem>>)
    %scan3A = arith.constant 0 : i32
    %scan3A_65 = arith.constant 0 : i32
    %scan3A_66 = arith.constant 30 : i32
    %scan3A_67 = arith.addi %scan3A_65, %scan3A_66 : i32
    %scan3A_68 = arith.constant 1 : i32
    %scan3A_69 = scf.for %scan3A_136 = %scan3A_65 to %scan3A_67 step %scan3A_68 iter_args(%scan3A_137 = %scan3A) -> (i32)  : i32 {
      %mul3A_138 = arith.constant 4 : i32
      %mul3A_139 = arith.muli %mul3A_138, %scan3A_136 : i32
      %dma_wait3A_140 = arith.constant 0 : i32
      %dma_wait3A_141 = arith.constant 0 : i32
      %dma_wait3A_142 = tpu.memref_slice %arg2[%dma_wait3A_140, %dma_wait3A_141] : memref<10000x128xbf16, #tpu.memory_space<hbm>> -> memref<10000x128xbf16, #tpu.memory_space<hbm>>
      tpu.wait_indirect_dma semaphore(%arg24 : memref<!tpu.dma_semaphore, #tpu.memory_space<semaphore_mem>>) src(%dma_wait3A_142 : memref<10000x128xbf16, #tpu.memory_space<hbm>>) dst(%arg15 : memref<80x128xbf16, #tpu.memory_space<vmem>>)
      %dma_start3A_143 = arith.constant 0 : i32
      %dma_start3A_144 = arith.constant 0 : i32
      %dma_start3A_145 = tpu.memref_slice %arg19[%dma_start3A_143, %dma_start3A_144] : memref<10240x128xbf16, #tpu.memory_space<vmem_shared>> -> memref<10240x128xbf16, #tpu.memory_space<vmem_shared>>
      tpu.enqueue_indirect_dma source(%arg15 : memref<80x128xbf16, #tpu.memory_space<vmem>>) target(%dma_start3A_145 : memref<10240x128xbf16, #tpu.memory_space<vmem_shared>>) offsets(%arg11 : memref<80xi32, #tpu.memory_space<vmem>>) semaphore(%arg28 : memref<!tpu.dma_semaphore, #tpu.memory_space<semaphore_mem>>) {add = true}
      %dma_wait3A_146 = arith.constant 0 : i32
      %dma_wait3A_147 = arith.constant 0 : i32
      %dma_wait3A_148 = tpu.memref_slice %arg2[%dma_wait3A_146, %dma_wait3A_147] : memref<10000x128xbf16, #tpu.memory_space<hbm>> -> memref<10000x128xbf16, #tpu.memory_space<hbm>>
      tpu.wait_indirect_dma semaphore(%arg25 : memref<!tpu.dma_semaphore, #tpu.memory_space<semaphore_mem>>) src(%dma_wait3A_148 : memref<10000x128xbf16, #tpu.memory_space<hbm>>) dst(%arg16 : memref<80x128xbf16, #tpu.memory_space<vmem>>)
      %dma_start3A_149 = arith.constant 0 : i32
      %dma_start3A_150 = arith.constant 0 : i32
      %dma_start3A_151 = tpu.memref_slice %arg19[%dma_start3A_149, %dma_start3A_150] : memref<10240x128xbf16, #tpu.memory_space<vmem_shared>> -> memref<10240x128xbf16, #tpu.memory_space<vmem_shared>>
      tpu.enqueue_indirect_dma source(%arg16 : memref<80x128xbf16, #tpu.memory_space<vmem>>) target(%dma_start3A_151 : memref<10240x128xbf16, #tpu.memory_space<vmem_shared>>) offsets(%arg12 : memref<80xi32, #tpu.memory_space<vmem>>) semaphore(%arg29 : memref<!tpu.dma_semaphore, #tpu.memory_space<semaphore_mem>>) {add = true}
      %dma_wait3A_152 = arith.constant 0 : i32
      %dma_wait3A_153 = arith.constant 0 : i32
      %dma_wait3A_154 = tpu.memref_slice %arg2[%dma_wait3A_152, %dma_wait3A_153] : memref<10000x128xbf16, #tpu.memory_space<hbm>> -> memref<10000x128xbf16, #tpu.memory_space<hbm>>
      tpu.wait_indirect_dma semaphore(%arg26 : memref<!tpu.dma_semaphore, #tpu.memory_space<semaphore_mem>>) src(%dma_wait3A_154 : memref<10000x128xbf16, #tpu.memory_space<hbm>>) dst(%arg17 : memref<80x128xbf16, #tpu.memory_space<vmem>>)
      %dma_start3A_155 = arith.constant 0 : i32
      %dma_start3A_156 = arith.constant 0 : i32
      %dma_start3A_157 = tpu.memref_slice %arg19[%dma_start3A_155, %dma_start3A_156] : memref<10240x128xbf16, #tpu.memory_space<vmem_shared>> -> memref<10240x128xbf16, #tpu.memory_space<vmem_shared>>
      tpu.enqueue_indirect_dma source(%arg17 : memref<80x128xbf16, #tpu.memory_space<vmem>>) target(%dma_start3A_157 : memref<10240x128xbf16, #tpu.memory_space<vmem_shared>>) offsets(%arg13 : memref<80xi32, #tpu.memory_space<vmem>>) semaphore(%arg30 : memref<!tpu.dma_semaphore, #tpu.memory_space<semaphore_mem>>) {add = true}
      %dma_wait3A_158 = arith.constant 0 : i32
      %dma_wait3A_159 = arith.constant 0 : i32
      %dma_wait3A_160 = tpu.memref_slice %arg2[%dma_wait3A_158, %dma_wait3A_159] : memref<10000x128xbf16, #tpu.memory_space<hbm>> -> memref<10000x128xbf16, #tpu.memory_space<hbm>>
      tpu.wait_indirect_dma semaphore(%arg27 : memref<!tpu.dma_semaphore, #tpu.memory_space<semaphore_mem>>) src(%dma_wait3A_160 : memref<10000x128xbf16, #tpu.memory_space<hbm>>) dst(%arg18 : memref<80x128xbf16, #tpu.memory_space<vmem>>)
      %dma_start3A_161 = arith.constant 0 : i32
      %dma_start3A_162 = arith.constant 0 : i32
      %dma_start3A_163 = tpu.memref_slice %arg19[%dma_start3A_161, %dma_start3A_162] : memref<10240x128xbf16, #tpu.memory_space<vmem_shared>> -> memref<10240x128xbf16, #tpu.memory_space<vmem_shared>>
      tpu.enqueue_indirect_dma source(%arg18 : memref<80x128xbf16, #tpu.memory_space<vmem>>) target(%dma_start3A_163 : memref<10240x128xbf16, #tpu.memory_space<vmem_shared>>) offsets(%arg14 : memref<80xi32, #tpu.memory_space<vmem>>) semaphore(%arg31 : memref<!tpu.dma_semaphore, #tpu.memory_space<semaphore_mem>>) {add = true}
      %dma_wait3A_164 = arith.constant 0 : i32
      %dma_wait3A_165 = arith.constant 0 : i32
      %dma_wait3A_166 = tpu.memref_slice %arg19[%dma_wait3A_164, %dma_wait3A_165] : memref<10240x128xbf16, #tpu.memory_space<vmem_shared>> -> memref<10240x128xbf16, #tpu.memory_space<vmem_shared>>
      tpu.wait_indirect_dma semaphore(%arg28 : memref<!tpu.dma_semaphore, #tpu.memory_space<semaphore_mem>>) src(%arg15 : memref<80x128xbf16, #tpu.memory_space<vmem>>) dst(%dma_wait3A_166 : memref<10240x128xbf16, #tpu.memory_space<vmem_shared>>)
      %add3A_167 = arith.constant 4 : i32
      %add3A_168 = arith.addi %mul3A_139, %add3A_167 : i32
      %add3A_169 = arith.constant 0 : i32
      %add3A_170 = arith.addi %add3A_168, %add3A_169 : i32
      %mul3A_171 = arith.constant 80 : i32
      %mul3A_172 = arith.muli %add3A_170, %mul3A_171 : i32
      %add3A_173 = arith.addi %mul3A_2, %mul3A_172 : i32
      %dma_start3A_174 = tpu.memref_slice %arg3[%add3A_173] : memref<320000xi32, #tpu.memory_space<hbm>> -> memref<80xi32, #tpu.memory_space<hbm>>
      %dma_start3A_175 = tpu.memref_slice %arg3[%add3A_173] : memref<320000xi32, #tpu.memory_space<hbm>> -> memref<80xi32, #tpu.memory_space<hbm>>
      tpu.enqueue_dma source(%dma_start3A_175 : memref<80xi32, #tpu.memory_space<hbm>>) target(%arg7 : memref<80xi32, #tpu.memory_space<vmem>>) target_semaphore(%arg20 : memref<!tpu.dma_semaphore, #tpu.memory_space<semaphore_mem>>)
      %dma_start3A_176 = tpu.memref_slice %arg4[%add3A_173] : memref<320000xi32, #tpu.memory_space<hbm>> -> memref<80xi32, #tpu.memory_space<hbm>>
      %dma_start3A_177 = tpu.memref_slice %arg4[%add3A_173] : memref<320000xi32, #tpu.memory_space<hbm>> -> memref<80xi32, #tpu.memory_space<hbm>>
      tpu.enqueue_dma source(%dma_start3A_177 : memref<80xi32, #tpu.memory_space<hbm>>) target(%arg11 : memref<80xi32, #tpu.memory_space<vmem>>) target_semaphore(%arg20 : memref<!tpu.dma_semaphore, #tpu.memory_space<semaphore_mem>>)
      %dma_wait3A_178 = arith.constant 0 : i32
      %dma_wait3A_179 = arith.constant 0 : i32
      %dma_wait3A_180 = tpu.memref_slice %arg19[%dma_wait3A_178, %dma_wait3A_179] : memref<10240x128xbf16, #tpu.memory_space<vmem_shared>> -> memref<10240x128xbf16, #tpu.memory_space<vmem_shared>>
      tpu.wait_indirect_dma semaphore(%arg29 : memref<!tpu.dma_semaphore, #tpu.memory_space<semaphore_mem>>) src(%arg16 : memref<80x128xbf16, #tpu.memory_space<vmem>>) dst(%dma_wait3A_180 : memref<10240x128xbf16, #tpu.memory_space<vmem_shared>>)
      %add3A_181 = arith.constant 4 : i32
      %add3A_182 = arith.addi %mul3A_139, %add3A_181 : i32
      %add3A_183 = arith.constant 1 : i32
      %add3A_184 = arith.addi %add3A_182, %add3A_183 : i32
      %mul3A_185 = arith.constant 80 : i32
      %mul3A_186 = arith.muli %add3A_184, %mul3A_185 : i32
      %add3A_187 = arith.addi %mul3A_2, %mul3A_186 : i32
      %dma_start3A_188 = tpu.memref_slice %arg3[%add3A_187] : memref<320000xi32, #tpu.memory_space<hbm>> -> memref<80xi32, #tpu.memory_space<hbm>>
      %dma_start3A_189 = tpu.memref_slice %arg3[%add3A_187] : memref<320000xi32, #tpu.memory_space<hbm>> -> memref<80xi32, #tpu.memory_space<hbm>>
      tpu.enqueue_dma source(%dma_start3A_189 : memref<80xi32, #tpu.memory_space<hbm>>) target(%arg8 : memref<80xi32, #tpu.memory_space<vmem>>) target_semaphore(%arg21 : memref<!tpu.dma_semaphore, #tpu.memory_space<semaphore_mem>>)
      %dma_start3A_190 = tpu.memref_slice %arg4[%add3A_187] : memref<320000xi32, #tpu.memory_space<hbm>> -> memref<80xi32, #tpu.memory_space<hbm>>
      %dma_start3A_191 = tpu.memref_slice %arg4[%add3A_187] : memref<320000xi32, #tpu.memory_space<hbm>> -> memref<80xi32, #tpu.memory_space<hbm>>
      tpu.enqueue_dma source(%dma_start3A_191 : memref<80xi32, #tpu.memory_space<hbm>>) target(%arg12 : memref<80xi32, #tpu.memory_space<vmem>>) target_semaphore(%arg21 : memref<!tpu.dma_semaphore, #tpu.memory_space<semaphore_mem>>)
      %dma_wait3A_192 = arith.constant 0 : i32
      %dma_wait3A_193 = arith.constant 0 : i32
      %dma_wait3A_194 = tpu.memref_slice %arg19[%dma_wait3A_192, %dma_wait3A_193] : memref<10240x128xbf16, #tpu.memory_space<vmem_shared>> -> memref<10240x128xbf16, #tpu.memory_space<vmem_shared>>
      tpu.wait_indirect_dma semaphore(%arg30 : memref<!tpu.dma_semaphore, #tpu.memory_space<semaphore_mem>>) src(%arg17 : memref<80x128xbf16, #tpu.memory_space<vmem>>) dst(%dma_wait3A_194 : memref<10240x128xbf16, #tpu.memory_space<vmem_shared>>)
      %add3A_195 = arith.constant 4 : i32
      %add3A_196 = arith.addi %mul3A_139, %add3A_195 : i32
      %add3A_197 = arith.constant 2 : i32
      %add3A_198 = arith.addi %add3A_196, %add3A_197 : i32
      %mul3A_199 = arith.constant 80 : i32
      %mul3A_200 = arith.muli %add3A_198, %mul3A_199 : i32
      %add3A_201 = arith.addi %mul3A_2, %mul3A_200 : i32
      %dma_start3A_202 = tpu.memref_slice %arg3[%add3A_201] : memref<320000xi32, #tpu.memory_space<hbm>> -> memref<80xi32, #tpu.memory_space<hbm>>
      %dma_start3A_203 = tpu.memref_slice %arg3[%add3A_201] : memref<320000xi32, #tpu.memory_space<hbm>> -> memref<80xi32, #tpu.memory_space<hbm>>
      tpu.enqueue_dma source(%dma_start3A_203 : memref<80xi32, #tpu.memory_space<hbm>>) target(%arg9 : memref<80xi32, #tpu.memory_space<vmem>>) target_semaphore(%arg22 : memref<!tpu.dma_semaphore, #tpu.memory_space<semaphore_mem>>)
      %dma_start3A_204 = tpu.memref_slice %arg4[%add3A_201] : memref<320000xi32, #tpu.memory_space<hbm>> -> memref<80xi32, #tpu.memory_space<hbm>>
      %dma_start3A_205 = tpu.memref_slice %arg4[%add3A_201] : memref<320000xi32, #tpu.memory_space<hbm>> -> memref<80xi32, #tpu.memory_space<hbm>>
      tpu.enqueue_dma source(%dma_start3A_205 : memref<80xi32, #tpu.memory_space<hbm>>) target(%arg13 : memref<80xi32, #tpu.memory_space<vmem>>) target_semaphore(%arg22 : memref<!tpu.dma_semaphore, #tpu.memory_space<semaphore_mem>>)
      %dma_wait3A_206 = arith.constant 0 : i32
      %dma_wait3A_207 = arith.constant 0 : i32
      %dma_wait3A_208 = tpu.memref_slice %arg19[%dma_wait3A_206, %dma_wait3A_207] : memref<10240x128xbf16, #tpu.memory_space<vmem_shared>> -> memref<10240x128xbf16, #tpu.memory_space<vmem_shared>>
      tpu.wait_indirect_dma semaphore(%arg31 : memref<!tpu.dma_semaphore, #tpu.memory_space<semaphore_mem>>) src(%arg18 : memref<80x128xbf16, #tpu.memory_space<vmem>>) dst(%dma_wait3A_208 : memref<10240x128xbf16, #tpu.memory_space<vmem_shared>>)
      %add3A_209 = arith.constant 4 : i32
      %add3A_210 = arith.addi %mul3A_139, %add3A_209 : i32
      %add3A_211 = arith.constant 3 : i32
      %add3A_212 = arith.addi %add3A_210, %add3A_211 : i32
      %mul3A_213 = arith.constant 80 : i32
      %mul3A_214 = arith.muli %add3A_212, %mul3A_213 : i32
      %add3A_215 = arith.addi %mul3A_2, %mul3A_214 : i32
      %dma_start3A_216 = tpu.memref_slice %arg3[%add3A_215] : memref<320000xi32, #tpu.memory_space<hbm>> -> memref<80xi32, #tpu.memory_space<hbm>>
      %dma_start3A_217 = tpu.memref_slice %arg3[%add3A_215] : memref<320000xi32, #tpu.memory_space<hbm>> -> memref<80xi32, #tpu.memory_space<hbm>>
      tpu.enqueue_dma source(%dma_start3A_217 : memref<80xi32, #tpu.memory_space<hbm>>) target(%arg10 : memref<80xi32, #tpu.memory_space<vmem>>) target_semaphore(%arg23 : memref<!tpu.dma_semaphore, #tpu.memory_space<semaphore_mem>>)
      %dma_start3A_218 = tpu.memref_slice %arg4[%add3A_215] : memref<320000xi32, #tpu.memory_space<hbm>> -> memref<80xi32, #tpu.memory_space<hbm>>
      %dma_start3A_219 = tpu.memref_slice %arg4[%add3A_215] : memref<320000xi32, #tpu.memory_space<hbm>> -> memref<80xi32, #tpu.memory_space<hbm>>
      tpu.enqueue_dma source(%dma_start3A_219 : memref<80xi32, #tpu.memory_space<hbm>>) target(%arg14 : memref<80xi32, #tpu.memory_space<vmem>>) target_semaphore(%arg23 : memref<!tpu.dma_semaphore, #tpu.memory_space<semaphore_mem>>)
      %add3A_220 = arith.constant 4 : i32
      %add3A_221 = arith.addi %mul3A_139, %add3A_220 : i32
      %add3A_222 = arith.constant 0 : i32
      %add3A_223 = arith.addi %add3A_221, %add3A_222 : i32
      %mul3A_224 = arith.constant 80 : i32
      %mul3A_225 = arith.muli %add3A_223, %mul3A_224 : i32
      %add3A_226 = arith.addi %mul3A_2, %mul3A_225 : i32
      %dma_wait3A_227 = tpu.memref_slice %arg3[%add3A_226] : memref<320000xi32, #tpu.memory_space<hbm>> -> memref<80xi32, #tpu.memory_space<hbm>>
      %dma_wait3A_228 = tpu.memref_slice %arg3[%add3A_226] : memref<320000xi32, #tpu.memory_space<hbm>> -> memref<80xi32, #tpu.memory_space<hbm>>
      tpu.wait_dma2 semaphore(%arg20 : memref<!tpu.dma_semaphore, #tpu.memory_space<semaphore_mem>>) src(%dma_wait3A_228 : memref<80xi32, #tpu.memory_space<hbm>>) dst(%arg7 : memref<80xi32, #tpu.memory_space<vmem>>)
      %dma_wait3A_229 = tpu.memref_slice %arg4[%add3A_226] : memref<320000xi32, #tpu.memory_space<hbm>> -> memref<80xi32, #tpu.memory_space<hbm>>
      %dma_wait3A_230 = tpu.memref_slice %arg4[%add3A_226] : memref<320000xi32, #tpu.memory_space<hbm>> -> memref<80xi32, #tpu.memory_space<hbm>>
      tpu.wait_dma2 semaphore(%arg20 : memref<!tpu.dma_semaphore, #tpu.memory_space<semaphore_mem>>) src(%dma_wait3A_230 : memref<80xi32, #tpu.memory_space<hbm>>) dst(%arg11 : memref<80xi32, #tpu.memory_space<vmem>>)
      %dma_start3A_231 = arith.constant 0 : i32
      %dma_start3A_232 = arith.constant 0 : i32
      %dma_start3A_233 = tpu.memref_slice %arg2[%dma_start3A_231, %dma_start3A_232] : memref<10000x128xbf16, #tpu.memory_space<hbm>> -> memref<10000x128xbf16, #tpu.memory_space<hbm>>
      tpu.enqueue_indirect_dma source(%dma_start3A_233 : memref<10000x128xbf16, #tpu.memory_space<hbm>>) target(%arg15 : memref<80x128xbf16, #tpu.memory_space<vmem>>) offsets(%arg7 : memref<80xi32, #tpu.memory_space<vmem>>) semaphore(%arg24 : memref<!tpu.dma_semaphore, #tpu.memory_space<semaphore_mem>>)
      %add3A_234 = arith.constant 4 : i32
      %add3A_235 = arith.addi %mul3A_139, %add3A_234 : i32
      %add3A_236 = arith.constant 1 : i32
      %add3A_237 = arith.addi %add3A_235, %add3A_236 : i32
      %mul3A_238 = arith.constant 80 : i32
      %mul3A_239 = arith.muli %add3A_237, %mul3A_238 : i32
      %add3A_240 = arith.addi %mul3A_2, %mul3A_239 : i32
      %dma_wait3A_241 = tpu.memref_slice %arg3[%add3A_240] : memref<320000xi32, #tpu.memory_space<hbm>> -> memref<80xi32, #tpu.memory_space<hbm>>
      %dma_wait3A_242 = tpu.memref_slice %arg3[%add3A_240] : memref<320000xi32, #tpu.memory_space<hbm>> -> memref<80xi32, #tpu.memory_space<hbm>>
      tpu.wait_dma2 semaphore(%arg21 : memref<!tpu.dma_semaphore, #tpu.memory_space<semaphore_mem>>) src(%dma_wait3A_242 : memref<80xi32, #tpu.memory_space<hbm>>) dst(%arg8 : memref<80xi32, #tpu.memory_space<vmem>>)
      %dma_wait3A_243 = tpu.memref_slice %arg4[%add3A_240] : memref<320000xi32, #tpu.memory_space<hbm>> -> memref<80xi32, #tpu.memory_space<hbm>>
      %dma_wait3A_244 = tpu.memref_slice %arg4[%add3A_240] : memref<320000xi32, #tpu.memory_space<hbm>> -> memref<80xi32, #tpu.memory_space<hbm>>
      tpu.wait_dma2 semaphore(%arg21 : memref<!tpu.dma_semaphore, #tpu.memory_space<semaphore_mem>>) src(%dma_wait3A_244 : memref<80xi32, #tpu.memory_space<hbm>>) dst(%arg12 : memref<80xi32, #tpu.memory_space<vmem>>)
      %dma_start3A_245 = arith.constant 0 : i32
      %dma_start3A_246 = arith.constant 0 : i32
      %dma_start3A_247 = tpu.memref_slice %arg2[%dma_start3A_245, %dma_start3A_246] : memref<10000x128xbf16, #tpu.memory_space<hbm>> -> memref<10000x128xbf16, #tpu.memory_space<hbm>>
      tpu.enqueue_indirect_dma source(%dma_start3A_247 : memref<10000x128xbf16, #tpu.memory_space<hbm>>) target(%arg16 : memref<80x128xbf16, #tpu.memory_space<vmem>>) offsets(%arg8 : memref<80xi32, #tpu.memory_space<vmem>>) semaphore(%arg25 : memref<!tpu.dma_semaphore, #tpu.memory_space<semaphore_mem>>)
      %add3A_248 = arith.constant 4 : i32
      %add3A_249 = arith.addi %mul3A_139, %add3A_248 : i32
      %add3A_250 = arith.constant 2 : i32
      %add3A_251 = arith.addi %add3A_249, %add3A_250 : i32
      %mul3A_252 = arith.constant 80 : i32
      %mul3A_253 = arith.muli %add3A_251, %mul3A_252 : i32
      %add3A_254 = arith.addi %mul3A_2, %mul3A_253 : i32
      %dma_wait3A_255 = tpu.memref_slice %arg3[%add3A_254] : memref<320000xi32, #tpu.memory_space<hbm>> -> memref<80xi32, #tpu.memory_space<hbm>>
      %dma_wait3A_256 = tpu.memref_slice %arg3[%add3A_254] : memref<320000xi32, #tpu.memory_space<hbm>> -> memref<80xi32, #tpu.memory_space<hbm>>
      tpu.wait_dma2 semaphore(%arg22 : memref<!tpu.dma_semaphore, #tpu.memory_space<semaphore_mem>>) src(%dma_wait3A_256 : memref<80xi32, #tpu.memory_space<hbm>>) dst(%arg9 : memref<80xi32, #tpu.memory_space<vmem>>)
      %dma_wait3A_257 = tpu.memref_slice %arg4[%add3A_254] : memref<320000xi32, #tpu.memory_space<hbm>> -> memref<80xi32, #tpu.memory_space<hbm>>
      %dma_wait3A_258 = tpu.memref_slice %arg4[%add3A_254] : memref<320000xi32, #tpu.memory_space<hbm>> -> memref<80xi32, #tpu.memory_space<hbm>>
      tpu.wait_dma2 semaphore(%arg22 : memref<!tpu.dma_semaphore, #tpu.memory_space<semaphore_mem>>) src(%dma_wait3A_258 : memref<80xi32, #tpu.memory_space<hbm>>) dst(%arg13 : memref<80xi32, #tpu.memory_space<vmem>>)
      %dma_start3A_259 = arith.constant 0 : i32
      %dma_start3A_260 = arith.constant 0 : i32
      %dma_start3A_261 = tpu.memref_slice %arg2[%dma_start3A_259, %dma_start3A_260] : memref<10000x128xbf16, #tpu.memory_space<hbm>> -> memref<10000x128xbf16, #tpu.memory_space<hbm>>
      tpu.enqueue_indirect_dma source(%dma_start3A_261 : memref<10000x128xbf16, #tpu.memory_space<hbm>>) target(%arg17 : memref<80x128xbf16, #tpu.memory_space<vmem>>) offsets(%arg9 : memref<80xi32, #tpu.memory_space<vmem>>) semaphore(%arg26 : memref<!tpu.dma_semaphore, #tpu.memory_space<semaphore_mem>>)
      %add3A_262 = arith.constant 4 : i32
      %add3A_263 = arith.addi %mul3A_139, %add3A_262 : i32
      %add3A_264 = arith.constant 3 : i32
      %add3A_265 = arith.addi %add3A_263, %add3A_264 : i32
      %mul3A_266 = arith.constant 80 : i32
      %mul3A_267 = arith.muli %add3A_265, %mul3A_266 : i32
      %add3A_268 = arith.addi %mul3A_2, %mul3A_267 : i32
      %dma_wait3A_269 = tpu.memref_slice %arg3[%add3A_268] : memref<320000xi32, #tpu.memory_space<hbm>> -> memref<80xi32, #tpu.memory_space<hbm>>
      %dma_wait3A_270 = tpu.memref_slice %arg3[%add3A_268] : memref<320000xi32, #tpu.memory_space<hbm>> -> memref<80xi32, #tpu.memory_space<hbm>>
      tpu.wait_dma2 semaphore(%arg23 : memref<!tpu.dma_semaphore, #tpu.memory_space<semaphore_mem>>) src(%dma_wait3A_270 : memref<80xi32, #tpu.memory_space<hbm>>) dst(%arg10 : memref<80xi32, #tpu.memory_space<vmem>>)
      %dma_wait3A_271 = tpu.memref_slice %arg4[%add3A_268] : memref<320000xi32, #tpu.memory_space<hbm>> -> memref<80xi32, #tpu.memory_space<hbm>>
      %dma_wait3A_272 = tpu.memref_slice %arg4[%add3A_268] : memref<320000xi32, #tpu.memory_space<hbm>> -> memref<80xi32, #tpu.memory_space<hbm>>
      tpu.wait_dma2 semaphore(%arg23 : memref<!tpu.dma_semaphore, #tpu.memory_space<semaphore_mem>>) src(%dma_wait3A_272 : memref<80xi32, #tpu.memory_space<hbm>>) dst(%arg14 : memref<80xi32, #tpu.memory_space<vmem>>)
      %dma_start3A_273 = arith.constant 0 : i32
      %dma_start3A_274 = arith.constant 0 : i32
      %dma_start3A_275 = tpu.memref_slice %arg2[%dma_start3A_273, %dma_start3A_274] : memref<10000x128xbf16, #tpu.memory_space<hbm>> -> memref<10000x128xbf16, #tpu.memory_space<hbm>>
      tpu.enqueue_indirect_dma source(%dma_start3A_275 : memref<10000x128xbf16, #tpu.memory_space<hbm>>) target(%arg18 : memref<80x128xbf16, #tpu.memory_space<vmem>>) offsets(%arg10 : memref<80xi32, #tpu.memory_space<vmem>>) semaphore(%arg27 : memref<!tpu.dma_semaphore, #tpu.memory_space<semaphore_mem>>)
      %scan3A_276 = arith.constant 0 : i32
      scf.yield %scan3A_276 : i32
    }
    %scan3A_70 = arith.constant 30 : i32
    %dma_wait3A_71 = arith.constant 0 : i32
    %dma_wait3A_72 = arith.constant 0 : i32
    %dma_wait3A_73 = tpu.memref_slice %arg2[%dma_wait3A_71, %dma_wait3A_72] : memref<10000x128xbf16, #tpu.memory_space<hbm>> -> memref<10000x128xbf16, #tpu.memory_space<hbm>>
    tpu.wait_indirect_dma semaphore(%arg24 : memref<!tpu.dma_semaphore, #tpu.memory_space<semaphore_mem>>) src(%dma_wait3A_73 : memref<10000x128xbf16, #tpu.memory_space<hbm>>) dst(%arg15 : memref<80x128xbf16, #tpu.memory_space<vmem>>)
    %dma_start3A_74 = arith.constant 0 : i32
    %dma_start3A_75 = arith.constant 0 : i32
    %dma_start3A_76 = tpu.memref_slice %arg19[%dma_start3A_74, %dma_start3A_75] : memref<10240x128xbf16, #tpu.memory_space<vmem_shared>> -> memref<10240x128xbf16, #tpu.memory_space<vmem_shared>>
    tpu.enqueue_indirect_dma source(%arg15 : memref<80x128xbf16, #tpu.memory_space<vmem>>) target(%dma_start3A_76 : memref<10240x128xbf16, #tpu.memory_space<vmem_shared>>) offsets(%arg11 : memref<80xi32, #tpu.memory_space<vmem>>) semaphore(%arg28 : memref<!tpu.dma_semaphore, #tpu.memory_space<semaphore_mem>>) {add = true}
    %dma_wait3A_77 = arith.constant 0 : i32
    %dma_wait3A_78 = arith.constant 0 : i32
    %dma_wait3A_79 = tpu.memref_slice %arg2[%dma_wait3A_77, %dma_wait3A_78] : memref<10000x128xbf16, #tpu.memory_space<hbm>> -> memref<10000x128xbf16, #tpu.memory_space<hbm>>
    tpu.wait_indirect_dma semaphore(%arg25 : memref<!tpu.dma_semaphore, #tpu.memory_space<semaphore_mem>>) src(%dma_wait3A_79 : memref<10000x128xbf16, #tpu.memory_space<hbm>>) dst(%arg16 : memref<80x128xbf16, #tpu.memory_space<vmem>>)
    %dma_start3A_80 = arith.constant 0 : i32
    %dma_start3A_81 = arith.constant 0 : i32
    %dma_start3A_82 = tpu.memref_slice %arg19[%dma_start3A_80, %dma_start3A_81] : memref<10240x128xbf16, #tpu.memory_space<vmem_shared>> -> memref<10240x128xbf16, #tpu.memory_space<vmem_shared>>
    tpu.enqueue_indirect_dma source(%arg16 : memref<80x128xbf16, #tpu.memory_space<vmem>>) target(%dma_start3A_82 : memref<10240x128xbf16, #tpu.memory_space<vmem_shared>>) offsets(%arg12 : memref<80xi32, #tpu.memory_space<vmem>>) semaphore(%arg29 : memref<!tpu.dma_semaphore, #tpu.memory_space<semaphore_mem>>) {add = true}
    %dma_wait3A_83 = arith.constant 0 : i32
    %dma_wait3A_84 = arith.constant 0 : i32
    %dma_wait3A_85 = tpu.memref_slice %arg2[%dma_wait3A_83, %dma_wait3A_84] : memref<10000x128xbf16, #tpu.memory_space<hbm>> -> memref<10000x128xbf16, #tpu.memory_space<hbm>>
    tpu.wait_indirect_dma semaphore(%arg26 : memref<!tpu.dma_semaphore, #tpu.memory_space<semaphore_mem>>) src(%dma_wait3A_85 : memref<10000x128xbf16, #tpu.memory_space<hbm>>) dst(%arg17 : memref<80x128xbf16, #tpu.memory_space<vmem>>)
    %dma_start3A_86 = arith.constant 0 : i32
    %dma_start3A_87 = arith.constant 0 : i32
    %dma_start3A_88 = tpu.memref_slice %arg19[%dma_start3A_86, %dma_start3A_87] : memref<10240x128xbf16, #tpu.memory_space<vmem_shared>> -> memref<10240x128xbf16, #tpu.memory_space<vmem_shared>>
    tpu.enqueue_indirect_dma source(%arg17 : memref<80x128xbf16, #tpu.memory_space<vmem>>) target(%dma_start3A_88 : memref<10240x128xbf16, #tpu.memory_space<vmem_shared>>) offsets(%arg13 : memref<80xi32, #tpu.memory_space<vmem>>) semaphore(%arg30 : memref<!tpu.dma_semaphore, #tpu.memory_space<semaphore_mem>>) {add = true}
    %dma_wait3A_89 = arith.constant 0 : i32
    %dma_wait3A_90 = arith.constant 0 : i32
    %dma_wait3A_91 = tpu.memref_slice %arg2[%dma_wait3A_89, %dma_wait3A_90] : memref<10000x128xbf16, #tpu.memory_space<hbm>> -> memref<10000x128xbf16, #tpu.memory_space<hbm>>
    tpu.wait_indirect_dma semaphore(%arg27 : memref<!tpu.dma_semaphore, #tpu.memory_space<semaphore_mem>>) src(%dma_wait3A_91 : memref<10000x128xbf16, #tpu.memory_space<hbm>>) dst(%arg18 : memref<80x128xbf16, #tpu.memory_space<vmem>>)
    %dma_start3A_92 = arith.constant 0 : i32
    %dma_start3A_93 = arith.constant 0 : i32
    %dma_start3A_94 = tpu.memref_slice %arg19[%dma_start3A_92, %dma_start3A_93] : memref<10240x128xbf16, #tpu.memory_space<vmem_shared>> -> memref<10240x128xbf16, #tpu.memory_space<vmem_shared>>
    tpu.enqueue_indirect_dma source(%arg18 : memref<80x128xbf16, #tpu.memory_space<vmem>>) target(%dma_start3A_94 : memref<10240x128xbf16, #tpu.memory_space<vmem_shared>>) offsets(%arg14 : memref<80xi32, #tpu.memory_space<vmem>>) semaphore(%arg31 : memref<!tpu.dma_semaphore, #tpu.memory_space<semaphore_mem>>) {add = true}
    %dma_wait3A_95 = arith.constant 0 : i32
    %dma_wait3A_96 = arith.constant 0 : i32
    %dma_wait3A_97 = tpu.memref_slice %arg19[%dma_wait3A_95, %dma_wait3A_96] : memref<10240x128xbf16, #tpu.memory_space<vmem_shared>> -> memref<10240x128xbf16, #tpu.memory_space<vmem_shared>>
    tpu.wait_indirect_dma semaphore(%arg28 : memref<!tpu.dma_semaphore, #tpu.memory_space<semaphore_mem>>) src(%arg15 : memref<80x128xbf16, #tpu.memory_space<vmem>>) dst(%dma_wait3A_97 : memref<10240x128xbf16, #tpu.memory_space<vmem_shared>>)
    %add3A_98 = arith.constant 9920 : i32
    %add3A_99 = arith.addi %mul3A_2, %add3A_98 : i32
    %dma_start3A_100 = tpu.memref_slice %arg3[%add3A_99] : memref<320000xi32, #tpu.memory_space<hbm>> -> memref<80xi32, #tpu.memory_space<hbm>>
    %dma_start3A_101 = tpu.memref_slice %arg3[%add3A_99] : memref<320000xi32, #tpu.memory_space<hbm>> -> memref<80xi32, #tpu.memory_space<hbm>>
    tpu.enqueue_dma source(%dma_start3A_101 : memref<80xi32, #tpu.memory_space<hbm>>) target(%arg7 : memref<80xi32, #tpu.memory_space<vmem>>) target_semaphore(%arg20 : memref<!tpu.dma_semaphore, #tpu.memory_space<semaphore_mem>>)
    %dma_start3A_102 = tpu.memref_slice %arg4[%add3A_99] : memref<320000xi32, #tpu.memory_space<hbm>> -> memref<80xi32, #tpu.memory_space<hbm>>
    %dma_start3A_103 = tpu.memref_slice %arg4[%add3A_99] : memref<320000xi32, #tpu.memory_space<hbm>> -> memref<80xi32, #tpu.memory_space<hbm>>
    tpu.enqueue_dma source(%dma_start3A_103 : memref<80xi32, #tpu.memory_space<hbm>>) target(%arg11 : memref<80xi32, #tpu.memory_space<vmem>>) target_semaphore(%arg20 : memref<!tpu.dma_semaphore, #tpu.memory_space<semaphore_mem>>)
    %add3A_104 = arith.constant 9920 : i32
    %add3A_105 = arith.addi %mul3A_2, %add3A_104 : i32
    %dma_wait3A_106 = tpu.memref_slice %arg3[%add3A_105] : memref<320000xi32, #tpu.memory_space<hbm>> -> memref<80xi32, #tpu.memory_space<hbm>>
    %dma_wait3A_107 = tpu.memref_slice %arg3[%add3A_105] : memref<320000xi32, #tpu.memory_space<hbm>> -> memref<80xi32, #tpu.memory_space<hbm>>
    tpu.wait_dma2 semaphore(%arg20 : memref<!tpu.dma_semaphore, #tpu.memory_space<semaphore_mem>>) src(%dma_wait3A_107 : memref<80xi32, #tpu.memory_space<hbm>>) dst(%arg7 : memref<80xi32, #tpu.memory_space<vmem>>)
    %dma_wait3A_108 = tpu.memref_slice %arg4[%add3A_105] : memref<320000xi32, #tpu.memory_space<hbm>> -> memref<80xi32, #tpu.memory_space<hbm>>
    %dma_wait3A_109 = tpu.memref_slice %arg4[%add3A_105] : memref<320000xi32, #tpu.memory_space<hbm>> -> memref<80xi32, #tpu.memory_space<hbm>>
    tpu.wait_dma2 semaphore(%arg20 : memref<!tpu.dma_semaphore, #tpu.memory_space<semaphore_mem>>) src(%dma_wait3A_109 : memref<80xi32, #tpu.memory_space<hbm>>) dst(%arg11 : memref<80xi32, #tpu.memory_space<vmem>>)
    %dma_start3A_110 = arith.constant 0 : i32
    %dma_start3A_111 = arith.constant 0 : i32
    %dma_start3A_112 = tpu.memref_slice %arg2[%dma_start3A_110, %dma_start3A_111] : memref<10000x128xbf16, #tpu.memory_space<hbm>> -> memref<10000x128xbf16, #tpu.memory_space<hbm>>
    tpu.enqueue_indirect_dma source(%dma_start3A_112 : memref<10000x128xbf16, #tpu.memory_space<hbm>>) target(%arg15 : memref<80x128xbf16, #tpu.memory_space<vmem>>) offsets(%arg7 : memref<80xi32, #tpu.memory_space<vmem>>) semaphore(%arg24 : memref<!tpu.dma_semaphore, #tpu.memory_space<semaphore_mem>>)
    %dma_wait3A_113 = arith.constant 0 : i32
    %dma_wait3A_114 = arith.constant 0 : i32
    %dma_wait3A_115 = tpu.memref_slice %arg2[%dma_wait3A_113, %dma_wait3A_114] : memref<10000x128xbf16, #tpu.memory_space<hbm>> -> memref<10000x128xbf16, #tpu.memory_space<hbm>>
    tpu.wait_indirect_dma semaphore(%arg24 : memref<!tpu.dma_semaphore, #tpu.memory_space<semaphore_mem>>) src(%dma_wait3A_115 : memref<10000x128xbf16, #tpu.memory_space<hbm>>) dst(%arg15 : memref<80x128xbf16, #tpu.memory_space<vmem>>)
    %dma_start3A_116 = arith.constant 0 : i32
    %dma_start3A_117 = arith.constant 0 : i32
    %dma_start3A_118 = tpu.memref_slice %arg19[%dma_start3A_116, %dma_start3A_117] : memref<10240x128xbf16, #tpu.memory_space<vmem_shared>> -> memref<10240x128xbf16, #tpu.memory_space<vmem_shared>>
    tpu.enqueue_indirect_dma source(%arg15 : memref<80x128xbf16, #tpu.memory_space<vmem>>) target(%dma_start3A_118 : memref<10240x128xbf16, #tpu.memory_space<vmem_shared>>) offsets(%arg11 : memref<80xi32, #tpu.memory_space<vmem>>) semaphore(%arg28 : memref<!tpu.dma_semaphore, #tpu.memory_space<semaphore_mem>>) {add = true}
    %dma_wait3A_119 = arith.constant 0 : i32
    %dma_wait3A_120 = arith.constant 0 : i32
    %dma_wait3A_121 = tpu.memref_slice %arg19[%dma_wait3A_119, %dma_wait3A_120] : memref<10240x128xbf16, #tpu.memory_space<vmem_shared>> -> memref<10240x128xbf16, #tpu.memory_space<vmem_shared>>
    tpu.wait_indirect_dma semaphore(%arg28 : memref<!tpu.dma_semaphore, #tpu.memory_space<semaphore_mem>>) src(%arg15 : memref<80x128xbf16, #tpu.memory_space<vmem>>) dst(%dma_wait3A_121 : memref<10240x128xbf16, #tpu.memory_space<vmem_shared>>)
    %dma_wait3A_122 = arith.constant 0 : i32
    %dma_wait3A_123 = arith.constant 0 : i32
    %dma_wait3A_124 = tpu.memref_slice %arg19[%dma_wait3A_122, %dma_wait3A_123] : memref<10240x128xbf16, #tpu.memory_space<vmem_shared>> -> memref<10240x128xbf16, #tpu.memory_space<vmem_shared>>
    tpu.wait_indirect_dma semaphore(%arg29 : memref<!tpu.dma_semaphore, #tpu.memory_space<semaphore_mem>>) src(%arg16 : memref<80x128xbf16, #tpu.memory_space<vmem>>) dst(%dma_wait3A_124 : memref<10240x128xbf16, #tpu.memory_space<vmem_shared>>)
    %dma_wait3A_125 = arith.constant 0 : i32
    %dma_wait3A_126 = arith.constant 0 : i32
    %dma_wait3A_127 = tpu.memref_slice %arg19[%dma_wait3A_125, %dma_wait3A_126] : memref<10240x128xbf16, #tpu.memory_space<vmem_shared>> -> memref<10240x128xbf16, #tpu.memory_space<vmem_shared>>
    tpu.wait_indirect_dma semaphore(%arg30 : memref<!tpu.dma_semaphore, #tpu.memory_space<semaphore_mem>>) src(%arg17 : memref<80x128xbf16, #tpu.memory_space<vmem>>) dst(%dma_wait3A_127 : memref<10240x128xbf16, #tpu.memory_space<vmem_shared>>)
    %dma_wait3A_128 = arith.constant 0 : i32
    %dma_wait3A_129 = arith.constant 0 : i32
    %dma_wait3A_130 = tpu.memref_slice %arg19[%dma_wait3A_128, %dma_wait3A_129] : memref<10240x128xbf16, #tpu.memory_space<vmem_shared>> -> memref<10240x128xbf16, #tpu.memory_space<vmem_shared>>
    tpu.wait_indirect_dma semaphore(%arg31 : memref<!tpu.dma_semaphore, #tpu.memory_space<semaphore_mem>>) src(%arg18 : memref<80x128xbf16, #tpu.memory_space<vmem>>) dst(%dma_wait3A_130 : memref<10240x128xbf16, #tpu.memory_space<vmem_shared>>)
    %barrier3A_131 = arith.constant 0 : index
    tpu.barrier barrier_id(%barrier3A_131)
    %mul3A_132 = arith.constant 640 : i32
    %mul3A_133 = arith.muli %arg1, %mul3A_132 : i32
    %mul3A_134 = arith.constant 640 : i32
    %mul3A_135 = arith.muli %arg1, %mul3A_134 : i32
    "tpu.region"() ({
      %run_scoped3A = tpu.sem_alloc : memref<!tpu.dma_semaphore, #tpu.memory_space<semaphore_mem>>
      %dma_start3A_136 = arith.constant 0 : i32
      %dma_start3A_137 = tpu.memref_slice %arg6[%arg0, %mul3A_135, %dma_start3A_136] : memref<2x10240x128xbf16, #tpu.memory_space<hbm>> -> memref<1x640x128xbf16, #tpu.memory_space<hbm>>
      %dma_start3A_138 = tpu.memref_squeeze %dma_start3A_137 : memref<1x640x128xbf16, #tpu.memory_space<hbm>> -> memref<640x128xbf16, #tpu.memory_space<hbm>>
      %dma_start3A_139 = arith.constant 0 : i32
      %dma_start3A_140 = tpu.memref_slice %arg19[%mul3A_133, %dma_start3A_139] : memref<10240x128xbf16, #tpu.memory_space<vmem_shared>> -> memref<640x128xbf16, #tpu.memory_space<vmem_shared>>
      tpu.enqueue_dma source(%dma_start3A_140 : memref<640x128xbf16, #tpu.memory_space<vmem_shared>>) target(%dma_start3A_138 : memref<640x128xbf16, #tpu.memory_space<hbm>>) target_semaphore(%run_scoped3A : memref<!tpu.dma_semaphore, #tpu.memory_space<semaphore_mem>>)
      %dma_wait3A_141 = arith.constant 0 : i32
      %dma_wait3A_142 = tpu.memref_slice %arg6[%arg0, %mul3A_135, %dma_wait3A_141] : memref<2x10240x128xbf16, #tpu.memory_space<hbm>> -> memref<1x640x128xbf16, #tpu.memory_space<hbm>>
      %dma_wait3A_143 = tpu.memref_squeeze %dma_wait3A_142 : memref<1x640x128xbf16, #tpu.memory_space<hbm>> -> memref<640x128xbf16, #tpu.memory_space<hbm>>
      %dma_wait3A_144 = arith.constant 0 : i32
      %dma_wait3A_145 = tpu.memref_slice %arg19[%mul3A_133, %dma_wait3A_144] : memref<10240x128xbf16, #tpu.memory_space<vmem_shared>> -> memref<640x128xbf16, #tpu.memory_space<vmem_shared>>
      tpu.wait_dma2 semaphore(%run_scoped3A : memref<!tpu.dma_semaphore, #tpu.memory_space<semaphore_mem>>) src(%dma_wait3A_145 : memref<640x128xbf16, #tpu.memory_space<vmem_shared>>) dst(%dma_wait3A_143 : memref<640x128xbf16, #tpu.memory_space<hbm>>)
      tpu.yield
    }) : () -> ()
    return
  }
}

#map = affine_map<(d0, d1) -> (0, 0)>
#map1 = affine_map<(d0, d1) -> (0)>
#map2 = affine_map<(d0, d1) -> (0, 0, 0)>
module attributes {stable_mosaic.version = 14 : i64} {
  func.func @agg(%arg0: i32, %arg1: i32, %arg2: memref<10000x64xbf16, #tpu.memory_space<hbm>>, %arg3: memref<320000xi32, #tpu.memory_space<hbm>>, %arg4: memref<320000xi32, #tpu.memory_space<hbm>>, %arg5: memref<10240x64xbf16, #tpu.memory_space<hbm>>, %arg6: memref<2x10240x64xbf16, #tpu.memory_space<hbm>>, %arg7: memref<80xi32, #tpu.memory_space<vmem>>, %arg8: memref<80xi32, #tpu.memory_space<vmem>>, %arg9: memref<80xi32, #tpu.memory_space<vmem>>, %arg10: memref<80xi32, #tpu.memory_space<vmem>>, %arg11: memref<80xi32, #tpu.memory_space<vmem>>, %arg12: memref<80xi32, #tpu.memory_space<vmem>>, %arg13: memref<80xi32, #tpu.memory_space<vmem>>, %arg14: memref<80xi32, #tpu.memory_space<vmem>>, %arg15: memref<80x64xbf16, #tpu.memory_space<vmem>>, %arg16: memref<80x64xbf16, #tpu.memory_space<vmem>>, %arg17: memref<80x64xbf16, #tpu.memory_space<vmem>>, %arg18: memref<80x64xbf16, #tpu.memory_space<vmem>>, %arg19: memref<10240x64xbf16, #tpu.memory_space<vmem_shared>>, %arg20: memref<!tpu.dma_semaphore, #tpu.memory_space<semaphore_mem>>, %arg21: memref<!tpu.dma_semaphore, #tpu.memory_space<semaphore_mem>>, %arg22: memref<!tpu.dma_semaphore, #tpu.memory_space<semaphore_mem>>, %arg23: memref<!tpu.dma_semaphore, #tpu.memory_space<semaphore_mem>>, %arg24: memref<!tpu.dma_semaphore, #tpu.memory_space<semaphore_mem>>, %arg25: memref<!tpu.dma_semaphore, #tpu.memory_space<semaphore_mem>>, %arg26: memref<!tpu.dma_semaphore, #tpu.memory_space<semaphore_mem>>, %arg27: memref<!tpu.dma_semaphore, #tpu.memory_space<semaphore_mem>>, %arg28: memref<!tpu.dma_semaphore, #tpu.memory_space<semaphore_mem>>, %arg29: memref<!tpu.dma_semaphore, #tpu.memory_space<semaphore_mem>>, %arg30: memref<!tpu.dma_semaphore, #tpu.memory_space<semaphore_mem>>, %arg31: memref<!tpu.dma_semaphore, #tpu.memory_space<semaphore_mem>>) attributes {dimension_semantics = [#tpu.dimension_semantics<core_parallel>, #tpu.dimension_semantics<subcore_parallel>], iteration_bounds = array<i64: 2, 16>, scalar_prefetch = 0 : i64, scratch_operands = 25 : i64, tpu.core_type = #tpu.core_type<sc_vector_subcore>, window_params = [{transform_indices = #map}, {transform_indices = #map1}, {transform_indices = #map1}, {transform_indices = #map}, {transform_indices = #map2}]} {
    %mul3A = arith.constant 16 : i32
    %mul3A_0 = arith.muli %arg0, %mul3A : i32
    %add3A = arith.addi %mul3A_0, %arg1 : i32
    %mul3A_1 = arith.constant 10000 : i32
    %mul3A_2 = arith.muli %add3A, %mul3A_1 : i32
    %mul3A_3 = arith.constant 640 : i32
    %mul3A_4 = arith.muli %arg1, %mul3A_3 : i32
    %mul3A_5 = arith.constant 640 : i32
    %mul3A_6 = arith.muli %arg1, %mul3A_5 : i32
    "tpu.region"() ({
      %run_scoped3A = tpu.sem_alloc : memref<!tpu.dma_semaphore, #tpu.memory_space<semaphore_mem>>
      %dma_start3A_136 = arith.constant 0 : i32
      %dma_start3A_137 = tpu.memref_slice %arg19[%mul3A_6, %dma_start3A_136] : memref<10240x64xbf16, #tpu.memory_space<vmem_shared>> -> memref<640x64xbf16, #tpu.memory_space<vmem_shared>>
      %dma_start3A_138 = arith.constant 0 : i32
      %dma_start3A_139 = tpu.memref_slice %arg5[%mul3A_4, %dma_start3A_138] : memref<10240x64xbf16, #tpu.memory_space<hbm>> -> memref<640x64xbf16, #tpu.memory_space<hbm>>
      tpu.enqueue_dma source(%dma_start3A_139 : memref<640x64xbf16, #tpu.memory_space<hbm>>) target(%dma_start3A_137 : memref<640x64xbf16, #tpu.memory_space<vmem_shared>>) target_semaphore(%run_scoped3A : memref<!tpu.dma_semaphore, #tpu.memory_space<semaphore_mem>>)
      %dma_wait3A_140 = arith.constant 0 : i32
      %dma_wait3A_141 = tpu.memref_slice %arg19[%mul3A_6, %dma_wait3A_140] : memref<10240x64xbf16, #tpu.memory_space<vmem_shared>> -> memref<640x64xbf16, #tpu.memory_space<vmem_shared>>
      %dma_wait3A_142 = arith.constant 0 : i32
      %dma_wait3A_143 = tpu.memref_slice %arg5[%mul3A_4, %dma_wait3A_142] : memref<10240x64xbf16, #tpu.memory_space<hbm>> -> memref<640x64xbf16, #tpu.memory_space<hbm>>
      tpu.wait_dma2 semaphore(%run_scoped3A : memref<!tpu.dma_semaphore, #tpu.memory_space<semaphore_mem>>) src(%dma_wait3A_143 : memref<640x64xbf16, #tpu.memory_space<hbm>>) dst(%dma_wait3A_141 : memref<640x64xbf16, #tpu.memory_space<vmem_shared>>)
      tpu.yield
    }) : () -> ()
    %barrier3A = arith.constant 0 : index
    tpu.barrier barrier_id(%barrier3A)
    %add3A_7 = arith.constant 0 : i32
    %add3A_8 = arith.addi %mul3A_2, %add3A_7 : i32
    %dma_start3A = tpu.memref_slice %arg3[%add3A_8] : memref<320000xi32, #tpu.memory_space<hbm>> -> memref<80xi32, #tpu.memory_space<hbm>>
    %dma_start3A_9 = tpu.memref_slice %arg3[%add3A_8] : memref<320000xi32, #tpu.memory_space<hbm>> -> memref<80xi32, #tpu.memory_space<hbm>>
    tpu.enqueue_dma source(%dma_start3A_9 : memref<80xi32, #tpu.memory_space<hbm>>) target(%arg7 : memref<80xi32, #tpu.memory_space<vmem>>) target_semaphore(%arg20 : memref<!tpu.dma_semaphore, #tpu.memory_space<semaphore_mem>>)
    %dma_start3A_10 = tpu.memref_slice %arg4[%add3A_8] : memref<320000xi32, #tpu.memory_space<hbm>> -> memref<80xi32, #tpu.memory_space<hbm>>
    %dma_start3A_11 = tpu.memref_slice %arg4[%add3A_8] : memref<320000xi32, #tpu.memory_space<hbm>> -> memref<80xi32, #tpu.memory_space<hbm>>
    tpu.enqueue_dma source(%dma_start3A_11 : memref<80xi32, #tpu.memory_space<hbm>>) target(%arg11 : memref<80xi32, #tpu.memory_space<vmem>>) target_semaphore(%arg20 : memref<!tpu.dma_semaphore, #tpu.memory_space<semaphore_mem>>)
    %add3A_12 = arith.constant 80 : i32
    %add3A_13 = arith.addi %mul3A_2, %add3A_12 : i32
    %dma_start3A_14 = tpu.memref_slice %arg3[%add3A_13] : memref<320000xi32, #tpu.memory_space<hbm>> -> memref<80xi32, #tpu.memory_space<hbm>>
    %dma_start3A_15 = tpu.memref_slice %arg3[%add3A_13] : memref<320000xi32, #tpu.memory_space<hbm>> -> memref<80xi32, #tpu.memory_space<hbm>>
    tpu.enqueue_dma source(%dma_start3A_15 : memref<80xi32, #tpu.memory_space<hbm>>) target(%arg8 : memref<80xi32, #tpu.memory_space<vmem>>) target_semaphore(%arg21 : memref<!tpu.dma_semaphore, #tpu.memory_space<semaphore_mem>>)
    %dma_start3A_16 = tpu.memref_slice %arg4[%add3A_13] : memref<320000xi32, #tpu.memory_space<hbm>> -> memref<80xi32, #tpu.memory_space<hbm>>
    %dma_start3A_17 = tpu.memref_slice %arg4[%add3A_13] : memref<320000xi32, #tpu.memory_space<hbm>> -> memref<80xi32, #tpu.memory_space<hbm>>
    tpu.enqueue_dma source(%dma_start3A_17 : memref<80xi32, #tpu.memory_space<hbm>>) target(%arg12 : memref<80xi32, #tpu.memory_space<vmem>>) target_semaphore(%arg21 : memref<!tpu.dma_semaphore, #tpu.memory_space<semaphore_mem>>)
    %add3A_18 = arith.constant 160 : i32
    %add3A_19 = arith.addi %mul3A_2, %add3A_18 : i32
    %dma_start3A_20 = tpu.memref_slice %arg3[%add3A_19] : memref<320000xi32, #tpu.memory_space<hbm>> -> memref<80xi32, #tpu.memory_space<hbm>>
    %dma_start3A_21 = tpu.memref_slice %arg3[%add3A_19] : memref<320000xi32, #tpu.memory_space<hbm>> -> memref<80xi32, #tpu.memory_space<hbm>>
    tpu.enqueue_dma source(%dma_start3A_21 : memref<80xi32, #tpu.memory_space<hbm>>) target(%arg9 : memref<80xi32, #tpu.memory_space<vmem>>) target_semaphore(%arg22 : memref<!tpu.dma_semaphore, #tpu.memory_space<semaphore_mem>>)
    %dma_start3A_22 = tpu.memref_slice %arg4[%add3A_19] : memref<320000xi32, #tpu.memory_space<hbm>> -> memref<80xi32, #tpu.memory_space<hbm>>
    %dma_start3A_23 = tpu.memref_slice %arg4[%add3A_19] : memref<320000xi32, #tpu.memory_space<hbm>> -> memref<80xi32, #tpu.memory_space<hbm>>
    tpu.enqueue_dma source(%dma_start3A_23 : memref<80xi32, #tpu.memory_space<hbm>>) target(%arg13 : memref<80xi32, #tpu.memory_space<vmem>>) target_semaphore(%arg22 : memref<!tpu.dma_semaphore, #tpu.memory_space<semaphore_mem>>)
    %add3A_24 = arith.constant 240 : i32
    %add3A_25 = arith.addi %mul3A_2, %add3A_24 : i32
    %dma_start3A_26 = tpu.memref_slice %arg3[%add3A_25] : memref<320000xi32, #tpu.memory_space<hbm>> -> memref<80xi32, #tpu.memory_space<hbm>>
    %dma_start3A_27 = tpu.memref_slice %arg3[%add3A_25] : memref<320000xi32, #tpu.memory_space<hbm>> -> memref<80xi32, #tpu.memory_space<hbm>>
    tpu.enqueue_dma source(%dma_start3A_27 : memref<80xi32, #tpu.memory_space<hbm>>) target(%arg10 : memref<80xi32, #tpu.memory_space<vmem>>) target_semaphore(%arg23 : memref<!tpu.dma_semaphore, #tpu.memory_space<semaphore_mem>>)
    %dma_start3A_28 = tpu.memref_slice %arg4[%add3A_25] : memref<320000xi32, #tpu.memory_space<hbm>> -> memref<80xi32, #tpu.memory_space<hbm>>
    %dma_start3A_29 = tpu.memref_slice %arg4[%add3A_25] : memref<320000xi32, #tpu.memory_space<hbm>> -> memref<80xi32, #tpu.memory_space<hbm>>
    tpu.enqueue_dma source(%dma_start3A_29 : memref<80xi32, #tpu.memory_space<hbm>>) target(%arg14 : memref<80xi32, #tpu.memory_space<vmem>>) target_semaphore(%arg23 : memref<!tpu.dma_semaphore, #tpu.memory_space<semaphore_mem>>)
    %add3A_30 = arith.constant 0 : i32
    %add3A_31 = arith.addi %mul3A_2, %add3A_30 : i32
    %dma_wait3A = tpu.memref_slice %arg3[%add3A_31] : memref<320000xi32, #tpu.memory_space<hbm>> -> memref<80xi32, #tpu.memory_space<hbm>>
    %dma_wait3A_32 = tpu.memref_slice %arg3[%add3A_31] : memref<320000xi32, #tpu.memory_space<hbm>> -> memref<80xi32, #tpu.memory_space<hbm>>
    tpu.wait_dma2 semaphore(%arg20 : memref<!tpu.dma_semaphore, #tpu.memory_space<semaphore_mem>>) src(%dma_wait3A_32 : memref<80xi32, #tpu.memory_space<hbm>>) dst(%arg7 : memref<80xi32, #tpu.memory_space<vmem>>)
    %dma_wait3A_33 = tpu.memref_slice %arg4[%add3A_31] : memref<320000xi32, #tpu.memory_space<hbm>> -> memref<80xi32, #tpu.memory_space<hbm>>
    %dma_wait3A_34 = tpu.memref_slice %arg4[%add3A_31] : memref<320000xi32, #tpu.memory_space<hbm>> -> memref<80xi32, #tpu.memory_space<hbm>>
    tpu.wait_dma2 semaphore(%arg20 : memref<!tpu.dma_semaphore, #tpu.memory_space<semaphore_mem>>) src(%dma_wait3A_34 : memref<80xi32, #tpu.memory_space<hbm>>) dst(%arg11 : memref<80xi32, #tpu.memory_space<vmem>>)
    %dma_start3A_35 = arith.constant 0 : i32
    %dma_start3A_36 = arith.constant 0 : i32
    %dma_start3A_37 = tpu.memref_slice %arg2[%dma_start3A_35, %dma_start3A_36] : memref<10000x64xbf16, #tpu.memory_space<hbm>> -> memref<10000x64xbf16, #tpu.memory_space<hbm>>
    tpu.enqueue_indirect_dma source(%dma_start3A_37 : memref<10000x64xbf16, #tpu.memory_space<hbm>>) target(%arg15 : memref<80x64xbf16, #tpu.memory_space<vmem>>) offsets(%arg7 : memref<80xi32, #tpu.memory_space<vmem>>) semaphore(%arg24 : memref<!tpu.dma_semaphore, #tpu.memory_space<semaphore_mem>>)
    %add3A_38 = arith.constant 80 : i32
    %add3A_39 = arith.addi %mul3A_2, %add3A_38 : i32
    %dma_wait3A_40 = tpu.memref_slice %arg3[%add3A_39] : memref<320000xi32, #tpu.memory_space<hbm>> -> memref<80xi32, #tpu.memory_space<hbm>>
    %dma_wait3A_41 = tpu.memref_slice %arg3[%add3A_39] : memref<320000xi32, #tpu.memory_space<hbm>> -> memref<80xi32, #tpu.memory_space<hbm>>
    tpu.wait_dma2 semaphore(%arg21 : memref<!tpu.dma_semaphore, #tpu.memory_space<semaphore_mem>>) src(%dma_wait3A_41 : memref<80xi32, #tpu.memory_space<hbm>>) dst(%arg8 : memref<80xi32, #tpu.memory_space<vmem>>)
    %dma_wait3A_42 = tpu.memref_slice %arg4[%add3A_39] : memref<320000xi32, #tpu.memory_space<hbm>> -> memref<80xi32, #tpu.memory_space<hbm>>
    %dma_wait3A_43 = tpu.memref_slice %arg4[%add3A_39] : memref<320000xi32, #tpu.memory_space<hbm>> -> memref<80xi32, #tpu.memory_space<hbm>>
    tpu.wait_dma2 semaphore(%arg21 : memref<!tpu.dma_semaphore, #tpu.memory_space<semaphore_mem>>) src(%dma_wait3A_43 : memref<80xi32, #tpu.memory_space<hbm>>) dst(%arg12 : memref<80xi32, #tpu.memory_space<vmem>>)
    %dma_start3A_44 = arith.constant 0 : i32
    %dma_start3A_45 = arith.constant 0 : i32
    %dma_start3A_46 = tpu.memref_slice %arg2[%dma_start3A_44, %dma_start3A_45] : memref<10000x64xbf16, #tpu.memory_space<hbm>> -> memref<10000x64xbf16, #tpu.memory_space<hbm>>
    tpu.enqueue_indirect_dma source(%dma_start3A_46 : memref<10000x64xbf16, #tpu.memory_space<hbm>>) target(%arg16 : memref<80x64xbf16, #tpu.memory_space<vmem>>) offsets(%arg8 : memref<80xi32, #tpu.memory_space<vmem>>) semaphore(%arg25 : memref<!tpu.dma_semaphore, #tpu.memory_space<semaphore_mem>>)
    %add3A_47 = arith.constant 160 : i32
    %add3A_48 = arith.addi %mul3A_2, %add3A_47 : i32
    %dma_wait3A_49 = tpu.memref_slice %arg3[%add3A_48] : memref<320000xi32, #tpu.memory_space<hbm>> -> memref<80xi32, #tpu.memory_space<hbm>>
    %dma_wait3A_50 = tpu.memref_slice %arg3[%add3A_48] : memref<320000xi32, #tpu.memory_space<hbm>> -> memref<80xi32, #tpu.memory_space<hbm>>
    tpu.wait_dma2 semaphore(%arg22 : memref<!tpu.dma_semaphore, #tpu.memory_space<semaphore_mem>>) src(%dma_wait3A_50 : memref<80xi32, #tpu.memory_space<hbm>>) dst(%arg9 : memref<80xi32, #tpu.memory_space<vmem>>)
    %dma_wait3A_51 = tpu.memref_slice %arg4[%add3A_48] : memref<320000xi32, #tpu.memory_space<hbm>> -> memref<80xi32, #tpu.memory_space<hbm>>
    %dma_wait3A_52 = tpu.memref_slice %arg4[%add3A_48] : memref<320000xi32, #tpu.memory_space<hbm>> -> memref<80xi32, #tpu.memory_space<hbm>>
    tpu.wait_dma2 semaphore(%arg22 : memref<!tpu.dma_semaphore, #tpu.memory_space<semaphore_mem>>) src(%dma_wait3A_52 : memref<80xi32, #tpu.memory_space<hbm>>) dst(%arg13 : memref<80xi32, #tpu.memory_space<vmem>>)
    %dma_start3A_53 = arith.constant 0 : i32
    %dma_start3A_54 = arith.constant 0 : i32
    %dma_start3A_55 = tpu.memref_slice %arg2[%dma_start3A_53, %dma_start3A_54] : memref<10000x64xbf16, #tpu.memory_space<hbm>> -> memref<10000x64xbf16, #tpu.memory_space<hbm>>
    tpu.enqueue_indirect_dma source(%dma_start3A_55 : memref<10000x64xbf16, #tpu.memory_space<hbm>>) target(%arg17 : memref<80x64xbf16, #tpu.memory_space<vmem>>) offsets(%arg9 : memref<80xi32, #tpu.memory_space<vmem>>) semaphore(%arg26 : memref<!tpu.dma_semaphore, #tpu.memory_space<semaphore_mem>>)
    %add3A_56 = arith.constant 240 : i32
    %add3A_57 = arith.addi %mul3A_2, %add3A_56 : i32
    %dma_wait3A_58 = tpu.memref_slice %arg3[%add3A_57] : memref<320000xi32, #tpu.memory_space<hbm>> -> memref<80xi32, #tpu.memory_space<hbm>>
    %dma_wait3A_59 = tpu.memref_slice %arg3[%add3A_57] : memref<320000xi32, #tpu.memory_space<hbm>> -> memref<80xi32, #tpu.memory_space<hbm>>
    tpu.wait_dma2 semaphore(%arg23 : memref<!tpu.dma_semaphore, #tpu.memory_space<semaphore_mem>>) src(%dma_wait3A_59 : memref<80xi32, #tpu.memory_space<hbm>>) dst(%arg10 : memref<80xi32, #tpu.memory_space<vmem>>)
    %dma_wait3A_60 = tpu.memref_slice %arg4[%add3A_57] : memref<320000xi32, #tpu.memory_space<hbm>> -> memref<80xi32, #tpu.memory_space<hbm>>
    %dma_wait3A_61 = tpu.memref_slice %arg4[%add3A_57] : memref<320000xi32, #tpu.memory_space<hbm>> -> memref<80xi32, #tpu.memory_space<hbm>>
    tpu.wait_dma2 semaphore(%arg23 : memref<!tpu.dma_semaphore, #tpu.memory_space<semaphore_mem>>) src(%dma_wait3A_61 : memref<80xi32, #tpu.memory_space<hbm>>) dst(%arg14 : memref<80xi32, #tpu.memory_space<vmem>>)
    %dma_start3A_62 = arith.constant 0 : i32
    %dma_start3A_63 = arith.constant 0 : i32
    %dma_start3A_64 = tpu.memref_slice %arg2[%dma_start3A_62, %dma_start3A_63] : memref<10000x64xbf16, #tpu.memory_space<hbm>> -> memref<10000x64xbf16, #tpu.memory_space<hbm>>
    tpu.enqueue_indirect_dma source(%dma_start3A_64 : memref<10000x64xbf16, #tpu.memory_space<hbm>>) target(%arg18 : memref<80x64xbf16, #tpu.memory_space<vmem>>) offsets(%arg10 : memref<80xi32, #tpu.memory_space<vmem>>) semaphore(%arg27 : memref<!tpu.dma_semaphore, #tpu.memory_space<semaphore_mem>>)
    %scan3A = arith.constant 0 : i32
    %scan3A_65 = arith.constant 0 : i32
    %scan3A_66 = arith.constant 30 : i32
    %scan3A_67 = arith.addi %scan3A_65, %scan3A_66 : i32
    %scan3A_68 = arith.constant 1 : i32
    %scan3A_69 = scf.for %scan3A_136 = %scan3A_65 to %scan3A_67 step %scan3A_68 iter_args(%scan3A_137 = %scan3A) -> (i32)  : i32 {
      %mul3A_138 = arith.constant 4 : i32
      %mul3A_139 = arith.muli %mul3A_138, %scan3A_136 : i32
      %dma_wait3A_140 = arith.constant 0 : i32
      %dma_wait3A_141 = arith.constant 0 : i32
      %dma_wait3A_142 = tpu.memref_slice %arg2[%dma_wait3A_140, %dma_wait3A_141] : memref<10000x64xbf16, #tpu.memory_space<hbm>> -> memref<10000x64xbf16, #tpu.memory_space<hbm>>
      tpu.wait_indirect_dma semaphore(%arg24 : memref<!tpu.dma_semaphore, #tpu.memory_space<semaphore_mem>>) src(%dma_wait3A_142 : memref<10000x64xbf16, #tpu.memory_space<hbm>>) dst(%arg15 : memref<80x64xbf16, #tpu.memory_space<vmem>>)
      %dma_start3A_143 = arith.constant 0 : i32
      %dma_start3A_144 = arith.constant 0 : i32
      %dma_start3A_145 = tpu.memref_slice %arg19[%dma_start3A_143, %dma_start3A_144] : memref<10240x64xbf16, #tpu.memory_space<vmem_shared>> -> memref<10240x64xbf16, #tpu.memory_space<vmem_shared>>
      tpu.enqueue_indirect_dma source(%arg15 : memref<80x64xbf16, #tpu.memory_space<vmem>>) target(%dma_start3A_145 : memref<10240x64xbf16, #tpu.memory_space<vmem_shared>>) offsets(%arg11 : memref<80xi32, #tpu.memory_space<vmem>>) semaphore(%arg28 : memref<!tpu.dma_semaphore, #tpu.memory_space<semaphore_mem>>) {add = true}
      %dma_wait3A_146 = arith.constant 0 : i32
      %dma_wait3A_147 = arith.constant 0 : i32
      %dma_wait3A_148 = tpu.memref_slice %arg2[%dma_wait3A_146, %dma_wait3A_147] : memref<10000x64xbf16, #tpu.memory_space<hbm>> -> memref<10000x64xbf16, #tpu.memory_space<hbm>>
      tpu.wait_indirect_dma semaphore(%arg25 : memref<!tpu.dma_semaphore, #tpu.memory_space<semaphore_mem>>) src(%dma_wait3A_148 : memref<10000x64xbf16, #tpu.memory_space<hbm>>) dst(%arg16 : memref<80x64xbf16, #tpu.memory_space<vmem>>)
      %dma_start3A_149 = arith.constant 0 : i32
      %dma_start3A_150 = arith.constant 0 : i32
      %dma_start3A_151 = tpu.memref_slice %arg19[%dma_start3A_149, %dma_start3A_150] : memref<10240x64xbf16, #tpu.memory_space<vmem_shared>> -> memref<10240x64xbf16, #tpu.memory_space<vmem_shared>>
      tpu.enqueue_indirect_dma source(%arg16 : memref<80x64xbf16, #tpu.memory_space<vmem>>) target(%dma_start3A_151 : memref<10240x64xbf16, #tpu.memory_space<vmem_shared>>) offsets(%arg12 : memref<80xi32, #tpu.memory_space<vmem>>) semaphore(%arg29 : memref<!tpu.dma_semaphore, #tpu.memory_space<semaphore_mem>>) {add = true}
      %dma_wait3A_152 = arith.constant 0 : i32
      %dma_wait3A_153 = arith.constant 0 : i32
      %dma_wait3A_154 = tpu.memref_slice %arg2[%dma_wait3A_152, %dma_wait3A_153] : memref<10000x64xbf16, #tpu.memory_space<hbm>> -> memref<10000x64xbf16, #tpu.memory_space<hbm>>
      tpu.wait_indirect_dma semaphore(%arg26 : memref<!tpu.dma_semaphore, #tpu.memory_space<semaphore_mem>>) src(%dma_wait3A_154 : memref<10000x64xbf16, #tpu.memory_space<hbm>>) dst(%arg17 : memref<80x64xbf16, #tpu.memory_space<vmem>>)
      %dma_start3A_155 = arith.constant 0 : i32
      %dma_start3A_156 = arith.constant 0 : i32
      %dma_start3A_157 = tpu.memref_slice %arg19[%dma_start3A_155, %dma_start3A_156] : memref<10240x64xbf16, #tpu.memory_space<vmem_shared>> -> memref<10240x64xbf16, #tpu.memory_space<vmem_shared>>
      tpu.enqueue_indirect_dma source(%arg17 : memref<80x64xbf16, #tpu.memory_space<vmem>>) target(%dma_start3A_157 : memref<10240x64xbf16, #tpu.memory_space<vmem_shared>>) offsets(%arg13 : memref<80xi32, #tpu.memory_space<vmem>>) semaphore(%arg30 : memref<!tpu.dma_semaphore, #tpu.memory_space<semaphore_mem>>) {add = true}
      %dma_wait3A_158 = arith.constant 0 : i32
      %dma_wait3A_159 = arith.constant 0 : i32
      %dma_wait3A_160 = tpu.memref_slice %arg2[%dma_wait3A_158, %dma_wait3A_159] : memref<10000x64xbf16, #tpu.memory_space<hbm>> -> memref<10000x64xbf16, #tpu.memory_space<hbm>>
      tpu.wait_indirect_dma semaphore(%arg27 : memref<!tpu.dma_semaphore, #tpu.memory_space<semaphore_mem>>) src(%dma_wait3A_160 : memref<10000x64xbf16, #tpu.memory_space<hbm>>) dst(%arg18 : memref<80x64xbf16, #tpu.memory_space<vmem>>)
      %dma_start3A_161 = arith.constant 0 : i32
      %dma_start3A_162 = arith.constant 0 : i32
      %dma_start3A_163 = tpu.memref_slice %arg19[%dma_start3A_161, %dma_start3A_162] : memref<10240x64xbf16, #tpu.memory_space<vmem_shared>> -> memref<10240x64xbf16, #tpu.memory_space<vmem_shared>>
      tpu.enqueue_indirect_dma source(%arg18 : memref<80x64xbf16, #tpu.memory_space<vmem>>) target(%dma_start3A_163 : memref<10240x64xbf16, #tpu.memory_space<vmem_shared>>) offsets(%arg14 : memref<80xi32, #tpu.memory_space<vmem>>) semaphore(%arg31 : memref<!tpu.dma_semaphore, #tpu.memory_space<semaphore_mem>>) {add = true}
      %dma_wait3A_164 = arith.constant 0 : i32
      %dma_wait3A_165 = arith.constant 0 : i32
      %dma_wait3A_166 = tpu.memref_slice %arg19[%dma_wait3A_164, %dma_wait3A_165] : memref<10240x64xbf16, #tpu.memory_space<vmem_shared>> -> memref<10240x64xbf16, #tpu.memory_space<vmem_shared>>
      tpu.wait_indirect_dma semaphore(%arg28 : memref<!tpu.dma_semaphore, #tpu.memory_space<semaphore_mem>>) src(%arg15 : memref<80x64xbf16, #tpu.memory_space<vmem>>) dst(%dma_wait3A_166 : memref<10240x64xbf16, #tpu.memory_space<vmem_shared>>)
      %add3A_167 = arith.constant 4 : i32
      %add3A_168 = arith.addi %mul3A_139, %add3A_167 : i32
      %add3A_169 = arith.constant 0 : i32
      %add3A_170 = arith.addi %add3A_168, %add3A_169 : i32
      %mul3A_171 = arith.constant 80 : i32
      %mul3A_172 = arith.muli %add3A_170, %mul3A_171 : i32
      %add3A_173 = arith.addi %mul3A_2, %mul3A_172 : i32
      %dma_start3A_174 = tpu.memref_slice %arg3[%add3A_173] : memref<320000xi32, #tpu.memory_space<hbm>> -> memref<80xi32, #tpu.memory_space<hbm>>
      %dma_start3A_175 = tpu.memref_slice %arg3[%add3A_173] : memref<320000xi32, #tpu.memory_space<hbm>> -> memref<80xi32, #tpu.memory_space<hbm>>
      tpu.enqueue_dma source(%dma_start3A_175 : memref<80xi32, #tpu.memory_space<hbm>>) target(%arg7 : memref<80xi32, #tpu.memory_space<vmem>>) target_semaphore(%arg20 : memref<!tpu.dma_semaphore, #tpu.memory_space<semaphore_mem>>)
      %dma_start3A_176 = tpu.memref_slice %arg4[%add3A_173] : memref<320000xi32, #tpu.memory_space<hbm>> -> memref<80xi32, #tpu.memory_space<hbm>>
      %dma_start3A_177 = tpu.memref_slice %arg4[%add3A_173] : memref<320000xi32, #tpu.memory_space<hbm>> -> memref<80xi32, #tpu.memory_space<hbm>>
      tpu.enqueue_dma source(%dma_start3A_177 : memref<80xi32, #tpu.memory_space<hbm>>) target(%arg11 : memref<80xi32, #tpu.memory_space<vmem>>) target_semaphore(%arg20 : memref<!tpu.dma_semaphore, #tpu.memory_space<semaphore_mem>>)
      %dma_wait3A_178 = arith.constant 0 : i32
      %dma_wait3A_179 = arith.constant 0 : i32
      %dma_wait3A_180 = tpu.memref_slice %arg19[%dma_wait3A_178, %dma_wait3A_179] : memref<10240x64xbf16, #tpu.memory_space<vmem_shared>> -> memref<10240x64xbf16, #tpu.memory_space<vmem_shared>>
      tpu.wait_indirect_dma semaphore(%arg29 : memref<!tpu.dma_semaphore, #tpu.memory_space<semaphore_mem>>) src(%arg16 : memref<80x64xbf16, #tpu.memory_space<vmem>>) dst(%dma_wait3A_180 : memref<10240x64xbf16, #tpu.memory_space<vmem_shared>>)
      %add3A_181 = arith.constant 4 : i32
      %add3A_182 = arith.addi %mul3A_139, %add3A_181 : i32
      %add3A_183 = arith.constant 1 : i32
      %add3A_184 = arith.addi %add3A_182, %add3A_183 : i32
      %mul3A_185 = arith.constant 80 : i32
      %mul3A_186 = arith.muli %add3A_184, %mul3A_185 : i32
      %add3A_187 = arith.addi %mul3A_2, %mul3A_186 : i32
      %dma_start3A_188 = tpu.memref_slice %arg3[%add3A_187] : memref<320000xi32, #tpu.memory_space<hbm>> -> memref<80xi32, #tpu.memory_space<hbm>>
      %dma_start3A_189 = tpu.memref_slice %arg3[%add3A_187] : memref<320000xi32, #tpu.memory_space<hbm>> -> memref<80xi32, #tpu.memory_space<hbm>>
      tpu.enqueue_dma source(%dma_start3A_189 : memref<80xi32, #tpu.memory_space<hbm>>) target(%arg8 : memref<80xi32, #tpu.memory_space<vmem>>) target_semaphore(%arg21 : memref<!tpu.dma_semaphore, #tpu.memory_space<semaphore_mem>>)
      %dma_start3A_190 = tpu.memref_slice %arg4[%add3A_187] : memref<320000xi32, #tpu.memory_space<hbm>> -> memref<80xi32, #tpu.memory_space<hbm>>
      %dma_start3A_191 = tpu.memref_slice %arg4[%add3A_187] : memref<320000xi32, #tpu.memory_space<hbm>> -> memref<80xi32, #tpu.memory_space<hbm>>
      tpu.enqueue_dma source(%dma_start3A_191 : memref<80xi32, #tpu.memory_space<hbm>>) target(%arg12 : memref<80xi32, #tpu.memory_space<vmem>>) target_semaphore(%arg21 : memref<!tpu.dma_semaphore, #tpu.memory_space<semaphore_mem>>)
      %dma_wait3A_192 = arith.constant 0 : i32
      %dma_wait3A_193 = arith.constant 0 : i32
      %dma_wait3A_194 = tpu.memref_slice %arg19[%dma_wait3A_192, %dma_wait3A_193] : memref<10240x64xbf16, #tpu.memory_space<vmem_shared>> -> memref<10240x64xbf16, #tpu.memory_space<vmem_shared>>
      tpu.wait_indirect_dma semaphore(%arg30 : memref<!tpu.dma_semaphore, #tpu.memory_space<semaphore_mem>>) src(%arg17 : memref<80x64xbf16, #tpu.memory_space<vmem>>) dst(%dma_wait3A_194 : memref<10240x64xbf16, #tpu.memory_space<vmem_shared>>)
      %add3A_195 = arith.constant 4 : i32
      %add3A_196 = arith.addi %mul3A_139, %add3A_195 : i32
      %add3A_197 = arith.constant 2 : i32
      %add3A_198 = arith.addi %add3A_196, %add3A_197 : i32
      %mul3A_199 = arith.constant 80 : i32
      %mul3A_200 = arith.muli %add3A_198, %mul3A_199 : i32
      %add3A_201 = arith.addi %mul3A_2, %mul3A_200 : i32
      %dma_start3A_202 = tpu.memref_slice %arg3[%add3A_201] : memref<320000xi32, #tpu.memory_space<hbm>> -> memref<80xi32, #tpu.memory_space<hbm>>
      %dma_start3A_203 = tpu.memref_slice %arg3[%add3A_201] : memref<320000xi32, #tpu.memory_space<hbm>> -> memref<80xi32, #tpu.memory_space<hbm>>
      tpu.enqueue_dma source(%dma_start3A_203 : memref<80xi32, #tpu.memory_space<hbm>>) target(%arg9 : memref<80xi32, #tpu.memory_space<vmem>>) target_semaphore(%arg22 : memref<!tpu.dma_semaphore, #tpu.memory_space<semaphore_mem>>)
      %dma_start3A_204 = tpu.memref_slice %arg4[%add3A_201] : memref<320000xi32, #tpu.memory_space<hbm>> -> memref<80xi32, #tpu.memory_space<hbm>>
      %dma_start3A_205 = tpu.memref_slice %arg4[%add3A_201] : memref<320000xi32, #tpu.memory_space<hbm>> -> memref<80xi32, #tpu.memory_space<hbm>>
      tpu.enqueue_dma source(%dma_start3A_205 : memref<80xi32, #tpu.memory_space<hbm>>) target(%arg13 : memref<80xi32, #tpu.memory_space<vmem>>) target_semaphore(%arg22 : memref<!tpu.dma_semaphore, #tpu.memory_space<semaphore_mem>>)
      %dma_wait3A_206 = arith.constant 0 : i32
      %dma_wait3A_207 = arith.constant 0 : i32
      %dma_wait3A_208 = tpu.memref_slice %arg19[%dma_wait3A_206, %dma_wait3A_207] : memref<10240x64xbf16, #tpu.memory_space<vmem_shared>> -> memref<10240x64xbf16, #tpu.memory_space<vmem_shared>>
      tpu.wait_indirect_dma semaphore(%arg31 : memref<!tpu.dma_semaphore, #tpu.memory_space<semaphore_mem>>) src(%arg18 : memref<80x64xbf16, #tpu.memory_space<vmem>>) dst(%dma_wait3A_208 : memref<10240x64xbf16, #tpu.memory_space<vmem_shared>>)
      %add3A_209 = arith.constant 4 : i32
      %add3A_210 = arith.addi %mul3A_139, %add3A_209 : i32
      %add3A_211 = arith.constant 3 : i32
      %add3A_212 = arith.addi %add3A_210, %add3A_211 : i32
      %mul3A_213 = arith.constant 80 : i32
      %mul3A_214 = arith.muli %add3A_212, %mul3A_213 : i32
      %add3A_215 = arith.addi %mul3A_2, %mul3A_214 : i32
      %dma_start3A_216 = tpu.memref_slice %arg3[%add3A_215] : memref<320000xi32, #tpu.memory_space<hbm>> -> memref<80xi32, #tpu.memory_space<hbm>>
      %dma_start3A_217 = tpu.memref_slice %arg3[%add3A_215] : memref<320000xi32, #tpu.memory_space<hbm>> -> memref<80xi32, #tpu.memory_space<hbm>>
      tpu.enqueue_dma source(%dma_start3A_217 : memref<80xi32, #tpu.memory_space<hbm>>) target(%arg10 : memref<80xi32, #tpu.memory_space<vmem>>) target_semaphore(%arg23 : memref<!tpu.dma_semaphore, #tpu.memory_space<semaphore_mem>>)
      %dma_start3A_218 = tpu.memref_slice %arg4[%add3A_215] : memref<320000xi32, #tpu.memory_space<hbm>> -> memref<80xi32, #tpu.memory_space<hbm>>
      %dma_start3A_219 = tpu.memref_slice %arg4[%add3A_215] : memref<320000xi32, #tpu.memory_space<hbm>> -> memref<80xi32, #tpu.memory_space<hbm>>
      tpu.enqueue_dma source(%dma_start3A_219 : memref<80xi32, #tpu.memory_space<hbm>>) target(%arg14 : memref<80xi32, #tpu.memory_space<vmem>>) target_semaphore(%arg23 : memref<!tpu.dma_semaphore, #tpu.memory_space<semaphore_mem>>)
      %add3A_220 = arith.constant 4 : i32
      %add3A_221 = arith.addi %mul3A_139, %add3A_220 : i32
      %add3A_222 = arith.constant 0 : i32
      %add3A_223 = arith.addi %add3A_221, %add3A_222 : i32
      %mul3A_224 = arith.constant 80 : i32
      %mul3A_225 = arith.muli %add3A_223, %mul3A_224 : i32
      %add3A_226 = arith.addi %mul3A_2, %mul3A_225 : i32
      %dma_wait3A_227 = tpu.memref_slice %arg3[%add3A_226] : memref<320000xi32, #tpu.memory_space<hbm>> -> memref<80xi32, #tpu.memory_space<hbm>>
      %dma_wait3A_228 = tpu.memref_slice %arg3[%add3A_226] : memref<320000xi32, #tpu.memory_space<hbm>> -> memref<80xi32, #tpu.memory_space<hbm>>
      tpu.wait_dma2 semaphore(%arg20 : memref<!tpu.dma_semaphore, #tpu.memory_space<semaphore_mem>>) src(%dma_wait3A_228 : memref<80xi32, #tpu.memory_space<hbm>>) dst(%arg7 : memref<80xi32, #tpu.memory_space<vmem>>)
      %dma_wait3A_229 = tpu.memref_slice %arg4[%add3A_226] : memref<320000xi32, #tpu.memory_space<hbm>> -> memref<80xi32, #tpu.memory_space<hbm>>
      %dma_wait3A_230 = tpu.memref_slice %arg4[%add3A_226] : memref<320000xi32, #tpu.memory_space<hbm>> -> memref<80xi32, #tpu.memory_space<hbm>>
      tpu.wait_dma2 semaphore(%arg20 : memref<!tpu.dma_semaphore, #tpu.memory_space<semaphore_mem>>) src(%dma_wait3A_230 : memref<80xi32, #tpu.memory_space<hbm>>) dst(%arg11 : memref<80xi32, #tpu.memory_space<vmem>>)
      %dma_start3A_231 = arith.constant 0 : i32
      %dma_start3A_232 = arith.constant 0 : i32
      %dma_start3A_233 = tpu.memref_slice %arg2[%dma_start3A_231, %dma_start3A_232] : memref<10000x64xbf16, #tpu.memory_space<hbm>> -> memref<10000x64xbf16, #tpu.memory_space<hbm>>
      tpu.enqueue_indirect_dma source(%dma_start3A_233 : memref<10000x64xbf16, #tpu.memory_space<hbm>>) target(%arg15 : memref<80x64xbf16, #tpu.memory_space<vmem>>) offsets(%arg7 : memref<80xi32, #tpu.memory_space<vmem>>) semaphore(%arg24 : memref<!tpu.dma_semaphore, #tpu.memory_space<semaphore_mem>>)
      %add3A_234 = arith.constant 4 : i32
      %add3A_235 = arith.addi %mul3A_139, %add3A_234 : i32
      %add3A_236 = arith.constant 1 : i32
      %add3A_237 = arith.addi %add3A_235, %add3A_236 : i32
      %mul3A_238 = arith.constant 80 : i32
      %mul3A_239 = arith.muli %add3A_237, %mul3A_238 : i32
      %add3A_240 = arith.addi %mul3A_2, %mul3A_239 : i32
      %dma_wait3A_241 = tpu.memref_slice %arg3[%add3A_240] : memref<320000xi32, #tpu.memory_space<hbm>> -> memref<80xi32, #tpu.memory_space<hbm>>
      %dma_wait3A_242 = tpu.memref_slice %arg3[%add3A_240] : memref<320000xi32, #tpu.memory_space<hbm>> -> memref<80xi32, #tpu.memory_space<hbm>>
      tpu.wait_dma2 semaphore(%arg21 : memref<!tpu.dma_semaphore, #tpu.memory_space<semaphore_mem>>) src(%dma_wait3A_242 : memref<80xi32, #tpu.memory_space<hbm>>) dst(%arg8 : memref<80xi32, #tpu.memory_space<vmem>>)
      %dma_wait3A_243 = tpu.memref_slice %arg4[%add3A_240] : memref<320000xi32, #tpu.memory_space<hbm>> -> memref<80xi32, #tpu.memory_space<hbm>>
      %dma_wait3A_244 = tpu.memref_slice %arg4[%add3A_240] : memref<320000xi32, #tpu.memory_space<hbm>> -> memref<80xi32, #tpu.memory_space<hbm>>
      tpu.wait_dma2 semaphore(%arg21 : memref<!tpu.dma_semaphore, #tpu.memory_space<semaphore_mem>>) src(%dma_wait3A_244 : memref<80xi32, #tpu.memory_space<hbm>>) dst(%arg12 : memref<80xi32, #tpu.memory_space<vmem>>)
      %dma_start3A_245 = arith.constant 0 : i32
      %dma_start3A_246 = arith.constant 0 : i32
      %dma_start3A_247 = tpu.memref_slice %arg2[%dma_start3A_245, %dma_start3A_246] : memref<10000x64xbf16, #tpu.memory_space<hbm>> -> memref<10000x64xbf16, #tpu.memory_space<hbm>>
      tpu.enqueue_indirect_dma source(%dma_start3A_247 : memref<10000x64xbf16, #tpu.memory_space<hbm>>) target(%arg16 : memref<80x64xbf16, #tpu.memory_space<vmem>>) offsets(%arg8 : memref<80xi32, #tpu.memory_space<vmem>>) semaphore(%arg25 : memref<!tpu.dma_semaphore, #tpu.memory_space<semaphore_mem>>)
      %add3A_248 = arith.constant 4 : i32
      %add3A_249 = arith.addi %mul3A_139, %add3A_248 : i32
      %add3A_250 = arith.constant 2 : i32
      %add3A_251 = arith.addi %add3A_249, %add3A_250 : i32
      %mul3A_252 = arith.constant 80 : i32
      %mul3A_253 = arith.muli %add3A_251, %mul3A_252 : i32
      %add3A_254 = arith.addi %mul3A_2, %mul3A_253 : i32
      %dma_wait3A_255 = tpu.memref_slice %arg3[%add3A_254] : memref<320000xi32, #tpu.memory_space<hbm>> -> memref<80xi32, #tpu.memory_space<hbm>>
      %dma_wait3A_256 = tpu.memref_slice %arg3[%add3A_254] : memref<320000xi32, #tpu.memory_space<hbm>> -> memref<80xi32, #tpu.memory_space<hbm>>
      tpu.wait_dma2 semaphore(%arg22 : memref<!tpu.dma_semaphore, #tpu.memory_space<semaphore_mem>>) src(%dma_wait3A_256 : memref<80xi32, #tpu.memory_space<hbm>>) dst(%arg9 : memref<80xi32, #tpu.memory_space<vmem>>)
      %dma_wait3A_257 = tpu.memref_slice %arg4[%add3A_254] : memref<320000xi32, #tpu.memory_space<hbm>> -> memref<80xi32, #tpu.memory_space<hbm>>
      %dma_wait3A_258 = tpu.memref_slice %arg4[%add3A_254] : memref<320000xi32, #tpu.memory_space<hbm>> -> memref<80xi32, #tpu.memory_space<hbm>>
      tpu.wait_dma2 semaphore(%arg22 : memref<!tpu.dma_semaphore, #tpu.memory_space<semaphore_mem>>) src(%dma_wait3A_258 : memref<80xi32, #tpu.memory_space<hbm>>) dst(%arg13 : memref<80xi32, #tpu.memory_space<vmem>>)
      %dma_start3A_259 = arith.constant 0 : i32
      %dma_start3A_260 = arith.constant 0 : i32
      %dma_start3A_261 = tpu.memref_slice %arg2[%dma_start3A_259, %dma_start3A_260] : memref<10000x64xbf16, #tpu.memory_space<hbm>> -> memref<10000x64xbf16, #tpu.memory_space<hbm>>
      tpu.enqueue_indirect_dma source(%dma_start3A_261 : memref<10000x64xbf16, #tpu.memory_space<hbm>>) target(%arg17 : memref<80x64xbf16, #tpu.memory_space<vmem>>) offsets(%arg9 : memref<80xi32, #tpu.memory_space<vmem>>) semaphore(%arg26 : memref<!tpu.dma_semaphore, #tpu.memory_space<semaphore_mem>>)
      %add3A_262 = arith.constant 4 : i32
      %add3A_263 = arith.addi %mul3A_139, %add3A_262 : i32
      %add3A_264 = arith.constant 3 : i32
      %add3A_265 = arith.addi %add3A_263, %add3A_264 : i32
      %mul3A_266 = arith.constant 80 : i32
      %mul3A_267 = arith.muli %add3A_265, %mul3A_266 : i32
      %add3A_268 = arith.addi %mul3A_2, %mul3A_267 : i32
      %dma_wait3A_269 = tpu.memref_slice %arg3[%add3A_268] : memref<320000xi32, #tpu.memory_space<hbm>> -> memref<80xi32, #tpu.memory_space<hbm>>
      %dma_wait3A_270 = tpu.memref_slice %arg3[%add3A_268] : memref<320000xi32, #tpu.memory_space<hbm>> -> memref<80xi32, #tpu.memory_space<hbm>>
      tpu.wait_dma2 semaphore(%arg23 : memref<!tpu.dma_semaphore, #tpu.memory_space<semaphore_mem>>) src(%dma_wait3A_270 : memref<80xi32, #tpu.memory_space<hbm>>) dst(%arg10 : memref<80xi32, #tpu.memory_space<vmem>>)
      %dma_wait3A_271 = tpu.memref_slice %arg4[%add3A_268] : memref<320000xi32, #tpu.memory_space<hbm>> -> memref<80xi32, #tpu.memory_space<hbm>>
      %dma_wait3A_272 = tpu.memref_slice %arg4[%add3A_268] : memref<320000xi32, #tpu.memory_space<hbm>> -> memref<80xi32, #tpu.memory_space<hbm>>
      tpu.wait_dma2 semaphore(%arg23 : memref<!tpu.dma_semaphore, #tpu.memory_space<semaphore_mem>>) src(%dma_wait3A_272 : memref<80xi32, #tpu.memory_space<hbm>>) dst(%arg14 : memref<80xi32, #tpu.memory_space<vmem>>)
      %dma_start3A_273 = arith.constant 0 : i32
      %dma_start3A_274 = arith.constant 0 : i32
      %dma_start3A_275 = tpu.memref_slice %arg2[%dma_start3A_273, %dma_start3A_274] : memref<10000x64xbf16, #tpu.memory_space<hbm>> -> memref<10000x64xbf16, #tpu.memory_space<hbm>>
      tpu.enqueue_indirect_dma source(%dma_start3A_275 : memref<10000x64xbf16, #tpu.memory_space<hbm>>) target(%arg18 : memref<80x64xbf16, #tpu.memory_space<vmem>>) offsets(%arg10 : memref<80xi32, #tpu.memory_space<vmem>>) semaphore(%arg27 : memref<!tpu.dma_semaphore, #tpu.memory_space<semaphore_mem>>)
      %scan3A_276 = arith.constant 0 : i32
      scf.yield %scan3A_276 : i32
    }
    %scan3A_70 = arith.constant 30 : i32
    %dma_wait3A_71 = arith.constant 0 : i32
    %dma_wait3A_72 = arith.constant 0 : i32
    %dma_wait3A_73 = tpu.memref_slice %arg2[%dma_wait3A_71, %dma_wait3A_72] : memref<10000x64xbf16, #tpu.memory_space<hbm>> -> memref<10000x64xbf16, #tpu.memory_space<hbm>>
    tpu.wait_indirect_dma semaphore(%arg24 : memref<!tpu.dma_semaphore, #tpu.memory_space<semaphore_mem>>) src(%dma_wait3A_73 : memref<10000x64xbf16, #tpu.memory_space<hbm>>) dst(%arg15 : memref<80x64xbf16, #tpu.memory_space<vmem>>)
    %dma_start3A_74 = arith.constant 0 : i32
    %dma_start3A_75 = arith.constant 0 : i32
    %dma_start3A_76 = tpu.memref_slice %arg19[%dma_start3A_74, %dma_start3A_75] : memref<10240x64xbf16, #tpu.memory_space<vmem_shared>> -> memref<10240x64xbf16, #tpu.memory_space<vmem_shared>>
    tpu.enqueue_indirect_dma source(%arg15 : memref<80x64xbf16, #tpu.memory_space<vmem>>) target(%dma_start3A_76 : memref<10240x64xbf16, #tpu.memory_space<vmem_shared>>) offsets(%arg11 : memref<80xi32, #tpu.memory_space<vmem>>) semaphore(%arg28 : memref<!tpu.dma_semaphore, #tpu.memory_space<semaphore_mem>>) {add = true}
    %dma_wait3A_77 = arith.constant 0 : i32
    %dma_wait3A_78 = arith.constant 0 : i32
    %dma_wait3A_79 = tpu.memref_slice %arg2[%dma_wait3A_77, %dma_wait3A_78] : memref<10000x64xbf16, #tpu.memory_space<hbm>> -> memref<10000x64xbf16, #tpu.memory_space<hbm>>
    tpu.wait_indirect_dma semaphore(%arg25 : memref<!tpu.dma_semaphore, #tpu.memory_space<semaphore_mem>>) src(%dma_wait3A_79 : memref<10000x64xbf16, #tpu.memory_space<hbm>>) dst(%arg16 : memref<80x64xbf16, #tpu.memory_space<vmem>>)
    %dma_start3A_80 = arith.constant 0 : i32
    %dma_start3A_81 = arith.constant 0 : i32
    %dma_start3A_82 = tpu.memref_slice %arg19[%dma_start3A_80, %dma_start3A_81] : memref<10240x64xbf16, #tpu.memory_space<vmem_shared>> -> memref<10240x64xbf16, #tpu.memory_space<vmem_shared>>
    tpu.enqueue_indirect_dma source(%arg16 : memref<80x64xbf16, #tpu.memory_space<vmem>>) target(%dma_start3A_82 : memref<10240x64xbf16, #tpu.memory_space<vmem_shared>>) offsets(%arg12 : memref<80xi32, #tpu.memory_space<vmem>>) semaphore(%arg29 : memref<!tpu.dma_semaphore, #tpu.memory_space<semaphore_mem>>) {add = true}
    %dma_wait3A_83 = arith.constant 0 : i32
    %dma_wait3A_84 = arith.constant 0 : i32
    %dma_wait3A_85 = tpu.memref_slice %arg2[%dma_wait3A_83, %dma_wait3A_84] : memref<10000x64xbf16, #tpu.memory_space<hbm>> -> memref<10000x64xbf16, #tpu.memory_space<hbm>>
    tpu.wait_indirect_dma semaphore(%arg26 : memref<!tpu.dma_semaphore, #tpu.memory_space<semaphore_mem>>) src(%dma_wait3A_85 : memref<10000x64xbf16, #tpu.memory_space<hbm>>) dst(%arg17 : memref<80x64xbf16, #tpu.memory_space<vmem>>)
    %dma_start3A_86 = arith.constant 0 : i32
    %dma_start3A_87 = arith.constant 0 : i32
    %dma_start3A_88 = tpu.memref_slice %arg19[%dma_start3A_86, %dma_start3A_87] : memref<10240x64xbf16, #tpu.memory_space<vmem_shared>> -> memref<10240x64xbf16, #tpu.memory_space<vmem_shared>>
    tpu.enqueue_indirect_dma source(%arg17 : memref<80x64xbf16, #tpu.memory_space<vmem>>) target(%dma_start3A_88 : memref<10240x64xbf16, #tpu.memory_space<vmem_shared>>) offsets(%arg13 : memref<80xi32, #tpu.memory_space<vmem>>) semaphore(%arg30 : memref<!tpu.dma_semaphore, #tpu.memory_space<semaphore_mem>>) {add = true}
    %dma_wait3A_89 = arith.constant 0 : i32
    %dma_wait3A_90 = arith.constant 0 : i32
    %dma_wait3A_91 = tpu.memref_slice %arg2[%dma_wait3A_89, %dma_wait3A_90] : memref<10000x64xbf16, #tpu.memory_space<hbm>> -> memref<10000x64xbf16, #tpu.memory_space<hbm>>
    tpu.wait_indirect_dma semaphore(%arg27 : memref<!tpu.dma_semaphore, #tpu.memory_space<semaphore_mem>>) src(%dma_wait3A_91 : memref<10000x64xbf16, #tpu.memory_space<hbm>>) dst(%arg18 : memref<80x64xbf16, #tpu.memory_space<vmem>>)
    %dma_start3A_92 = arith.constant 0 : i32
    %dma_start3A_93 = arith.constant 0 : i32
    %dma_start3A_94 = tpu.memref_slice %arg19[%dma_start3A_92, %dma_start3A_93] : memref<10240x64xbf16, #tpu.memory_space<vmem_shared>> -> memref<10240x64xbf16, #tpu.memory_space<vmem_shared>>
    tpu.enqueue_indirect_dma source(%arg18 : memref<80x64xbf16, #tpu.memory_space<vmem>>) target(%dma_start3A_94 : memref<10240x64xbf16, #tpu.memory_space<vmem_shared>>) offsets(%arg14 : memref<80xi32, #tpu.memory_space<vmem>>) semaphore(%arg31 : memref<!tpu.dma_semaphore, #tpu.memory_space<semaphore_mem>>) {add = true}
    %dma_wait3A_95 = arith.constant 0 : i32
    %dma_wait3A_96 = arith.constant 0 : i32
    %dma_wait3A_97 = tpu.memref_slice %arg19[%dma_wait3A_95, %dma_wait3A_96] : memref<10240x64xbf16, #tpu.memory_space<vmem_shared>> -> memref<10240x64xbf16, #tpu.memory_space<vmem_shared>>
    tpu.wait_indirect_dma semaphore(%arg28 : memref<!tpu.dma_semaphore, #tpu.memory_space<semaphore_mem>>) src(%arg15 : memref<80x64xbf16, #tpu.memory_space<vmem>>) dst(%dma_wait3A_97 : memref<10240x64xbf16, #tpu.memory_space<vmem_shared>>)
    %add3A_98 = arith.constant 9920 : i32
    %add3A_99 = arith.addi %mul3A_2, %add3A_98 : i32
    %dma_start3A_100 = tpu.memref_slice %arg3[%add3A_99] : memref<320000xi32, #tpu.memory_space<hbm>> -> memref<80xi32, #tpu.memory_space<hbm>>
    %dma_start3A_101 = tpu.memref_slice %arg3[%add3A_99] : memref<320000xi32, #tpu.memory_space<hbm>> -> memref<80xi32, #tpu.memory_space<hbm>>
    tpu.enqueue_dma source(%dma_start3A_101 : memref<80xi32, #tpu.memory_space<hbm>>) target(%arg7 : memref<80xi32, #tpu.memory_space<vmem>>) target_semaphore(%arg20 : memref<!tpu.dma_semaphore, #tpu.memory_space<semaphore_mem>>)
    %dma_start3A_102 = tpu.memref_slice %arg4[%add3A_99] : memref<320000xi32, #tpu.memory_space<hbm>> -> memref<80xi32, #tpu.memory_space<hbm>>
    %dma_start3A_103 = tpu.memref_slice %arg4[%add3A_99] : memref<320000xi32, #tpu.memory_space<hbm>> -> memref<80xi32, #tpu.memory_space<hbm>>
    tpu.enqueue_dma source(%dma_start3A_103 : memref<80xi32, #tpu.memory_space<hbm>>) target(%arg11 : memref<80xi32, #tpu.memory_space<vmem>>) target_semaphore(%arg20 : memref<!tpu.dma_semaphore, #tpu.memory_space<semaphore_mem>>)
    %add3A_104 = arith.constant 9920 : i32
    %add3A_105 = arith.addi %mul3A_2, %add3A_104 : i32
    %dma_wait3A_106 = tpu.memref_slice %arg3[%add3A_105] : memref<320000xi32, #tpu.memory_space<hbm>> -> memref<80xi32, #tpu.memory_space<hbm>>
    %dma_wait3A_107 = tpu.memref_slice %arg3[%add3A_105] : memref<320000xi32, #tpu.memory_space<hbm>> -> memref<80xi32, #tpu.memory_space<hbm>>
    tpu.wait_dma2 semaphore(%arg20 : memref<!tpu.dma_semaphore, #tpu.memory_space<semaphore_mem>>) src(%dma_wait3A_107 : memref<80xi32, #tpu.memory_space<hbm>>) dst(%arg7 : memref<80xi32, #tpu.memory_space<vmem>>)
    %dma_wait3A_108 = tpu.memref_slice %arg4[%add3A_105] : memref<320000xi32, #tpu.memory_space<hbm>> -> memref<80xi32, #tpu.memory_space<hbm>>
    %dma_wait3A_109 = tpu.memref_slice %arg4[%add3A_105] : memref<320000xi32, #tpu.memory_space<hbm>> -> memref<80xi32, #tpu.memory_space<hbm>>
    tpu.wait_dma2 semaphore(%arg20 : memref<!tpu.dma_semaphore, #tpu.memory_space<semaphore_mem>>) src(%dma_wait3A_109 : memref<80xi32, #tpu.memory_space<hbm>>) dst(%arg11 : memref<80xi32, #tpu.memory_space<vmem>>)
    %dma_start3A_110 = arith.constant 0 : i32
    %dma_start3A_111 = arith.constant 0 : i32
    %dma_start3A_112 = tpu.memref_slice %arg2[%dma_start3A_110, %dma_start3A_111] : memref<10000x64xbf16, #tpu.memory_space<hbm>> -> memref<10000x64xbf16, #tpu.memory_space<hbm>>
    tpu.enqueue_indirect_dma source(%dma_start3A_112 : memref<10000x64xbf16, #tpu.memory_space<hbm>>) target(%arg15 : memref<80x64xbf16, #tpu.memory_space<vmem>>) offsets(%arg7 : memref<80xi32, #tpu.memory_space<vmem>>) semaphore(%arg24 : memref<!tpu.dma_semaphore, #tpu.memory_space<semaphore_mem>>)
    %dma_wait3A_113 = arith.constant 0 : i32
    %dma_wait3A_114 = arith.constant 0 : i32
    %dma_wait3A_115 = tpu.memref_slice %arg2[%dma_wait3A_113, %dma_wait3A_114] : memref<10000x64xbf16, #tpu.memory_space<hbm>> -> memref<10000x64xbf16, #tpu.memory_space<hbm>>
    tpu.wait_indirect_dma semaphore(%arg24 : memref<!tpu.dma_semaphore, #tpu.memory_space<semaphore_mem>>) src(%dma_wait3A_115 : memref<10000x64xbf16, #tpu.memory_space<hbm>>) dst(%arg15 : memref<80x64xbf16, #tpu.memory_space<vmem>>)
    %dma_start3A_116 = arith.constant 0 : i32
    %dma_start3A_117 = arith.constant 0 : i32
    %dma_start3A_118 = tpu.memref_slice %arg19[%dma_start3A_116, %dma_start3A_117] : memref<10240x64xbf16, #tpu.memory_space<vmem_shared>> -> memref<10240x64xbf16, #tpu.memory_space<vmem_shared>>
    tpu.enqueue_indirect_dma source(%arg15 : memref<80x64xbf16, #tpu.memory_space<vmem>>) target(%dma_start3A_118 : memref<10240x64xbf16, #tpu.memory_space<vmem_shared>>) offsets(%arg11 : memref<80xi32, #tpu.memory_space<vmem>>) semaphore(%arg28 : memref<!tpu.dma_semaphore, #tpu.memory_space<semaphore_mem>>) {add = true}
    %dma_wait3A_119 = arith.constant 0 : i32
    %dma_wait3A_120 = arith.constant 0 : i32
    %dma_wait3A_121 = tpu.memref_slice %arg19[%dma_wait3A_119, %dma_wait3A_120] : memref<10240x64xbf16, #tpu.memory_space<vmem_shared>> -> memref<10240x64xbf16, #tpu.memory_space<vmem_shared>>
    tpu.wait_indirect_dma semaphore(%arg28 : memref<!tpu.dma_semaphore, #tpu.memory_space<semaphore_mem>>) src(%arg15 : memref<80x64xbf16, #tpu.memory_space<vmem>>) dst(%dma_wait3A_121 : memref<10240x64xbf16, #tpu.memory_space<vmem_shared>>)
    %dma_wait3A_122 = arith.constant 0 : i32
    %dma_wait3A_123 = arith.constant 0 : i32
    %dma_wait3A_124 = tpu.memref_slice %arg19[%dma_wait3A_122, %dma_wait3A_123] : memref<10240x64xbf16, #tpu.memory_space<vmem_shared>> -> memref<10240x64xbf16, #tpu.memory_space<vmem_shared>>
    tpu.wait_indirect_dma semaphore(%arg29 : memref<!tpu.dma_semaphore, #tpu.memory_space<semaphore_mem>>) src(%arg16 : memref<80x64xbf16, #tpu.memory_space<vmem>>) dst(%dma_wait3A_124 : memref<10240x64xbf16, #tpu.memory_space<vmem_shared>>)
    %dma_wait3A_125 = arith.constant 0 : i32
    %dma_wait3A_126 = arith.constant 0 : i32
    %dma_wait3A_127 = tpu.memref_slice %arg19[%dma_wait3A_125, %dma_wait3A_126] : memref<10240x64xbf16, #tpu.memory_space<vmem_shared>> -> memref<10240x64xbf16, #tpu.memory_space<vmem_shared>>
    tpu.wait_indirect_dma semaphore(%arg30 : memref<!tpu.dma_semaphore, #tpu.memory_space<semaphore_mem>>) src(%arg17 : memref<80x64xbf16, #tpu.memory_space<vmem>>) dst(%dma_wait3A_127 : memref<10240x64xbf16, #tpu.memory_space<vmem_shared>>)
    %dma_wait3A_128 = arith.constant 0 : i32
    %dma_wait3A_129 = arith.constant 0 : i32
    %dma_wait3A_130 = tpu.memref_slice %arg19[%dma_wait3A_128, %dma_wait3A_129] : memref<10240x64xbf16, #tpu.memory_space<vmem_shared>> -> memref<10240x64xbf16, #tpu.memory_space<vmem_shared>>
    tpu.wait_indirect_dma semaphore(%arg31 : memref<!tpu.dma_semaphore, #tpu.memory_space<semaphore_mem>>) src(%arg18 : memref<80x64xbf16, #tpu.memory_space<vmem>>) dst(%dma_wait3A_130 : memref<10240x64xbf16, #tpu.memory_space<vmem_shared>>)
    %barrier3A_131 = arith.constant 0 : index
    tpu.barrier barrier_id(%barrier3A_131)
    %mul3A_132 = arith.constant 640 : i32
    %mul3A_133 = arith.muli %arg1, %mul3A_132 : i32
    %mul3A_134 = arith.constant 640 : i32
    %mul3A_135 = arith.muli %arg1, %mul3A_134 : i32
    "tpu.region"() ({
      %run_scoped3A = tpu.sem_alloc : memref<!tpu.dma_semaphore, #tpu.memory_space<semaphore_mem>>
      %dma_start3A_136 = arith.constant 0 : i32
      %dma_start3A_137 = tpu.memref_slice %arg6[%arg0, %mul3A_135, %dma_start3A_136] : memref<2x10240x64xbf16, #tpu.memory_space<hbm>> -> memref<1x640x64xbf16, #tpu.memory_space<hbm>>
      %dma_start3A_138 = tpu.memref_squeeze %dma_start3A_137 : memref<1x640x64xbf16, #tpu.memory_space<hbm>> -> memref<640x64xbf16, #tpu.memory_space<hbm>>
      %dma_start3A_139 = arith.constant 0 : i32
      %dma_start3A_140 = tpu.memref_slice %arg19[%mul3A_133, %dma_start3A_139] : memref<10240x64xbf16, #tpu.memory_space<vmem_shared>> -> memref<640x64xbf16, #tpu.memory_space<vmem_shared>>
      tpu.enqueue_dma source(%dma_start3A_140 : memref<640x64xbf16, #tpu.memory_space<vmem_shared>>) target(%dma_start3A_138 : memref<640x64xbf16, #tpu.memory_space<hbm>>) target_semaphore(%run_scoped3A : memref<!tpu.dma_semaphore, #tpu.memory_space<semaphore_mem>>)
      %dma_wait3A_141 = arith.constant 0 : i32
      %dma_wait3A_142 = tpu.memref_slice %arg6[%arg0, %mul3A_135, %dma_wait3A_141] : memref<2x10240x64xbf16, #tpu.memory_space<hbm>> -> memref<1x640x64xbf16, #tpu.memory_space<hbm>>
      %dma_wait3A_143 = tpu.memref_squeeze %dma_wait3A_142 : memref<1x640x64xbf16, #tpu.memory_space<hbm>> -> memref<640x64xbf16, #tpu.memory_space<hbm>>
      %dma_wait3A_144 = arith.constant 0 : i32
      %dma_wait3A_145 = tpu.memref_slice %arg19[%mul3A_133, %dma_wait3A_144] : memref<10240x64xbf16, #tpu.memory_space<vmem_shared>> -> memref<640x64xbf16, #tpu.memory_space<vmem_shared>>
      tpu.wait_dma2 semaphore(%run_scoped3A : memref<!tpu.dma_semaphore, #tpu.memory_space<semaphore_mem>>) src(%dma_wait3A_145 : memref<640x64xbf16, #tpu.memory_space<vmem_shared>>) dst(%dma_wait3A_143 : memref<640x64xbf16, #tpu.memory_space<hbm>>)
      tpu.yield
    }) : () -> ()
    return
  }
}

module attributes {stable_mosaic.version = 14 : i64} {
  func.func @_mm1_body(%arg0: i32, %arg1: memref<2000x128xf32, #tpu.memory_space<vmem>>, %arg2: memref<128x128xf32, #tpu.memory_space<vmem>>, %arg3: memref<2000x128xf32, #tpu.memory_space<vmem>>) attributes {dimension_semantics = [#tpu.dimension_semantics<arbitrary>], iteration_bounds = array<i64: 5>, scalar_prefetch = 0 : i64, scratch_operands = 0 : i64, tpu.core_type = #tpu.core_type<tc>, window_params = [{transform_indices = @transform_0, window_bounds = array<i64: 2000, 128>}, {pipeline_mode = #tpu.pipeline_mode<synchronous>, transform_indices = @transform_1, window_bounds = array<i64: 128, 128>}, {transform_indices = @transform_2, window_bounds = array<i64: 2000, 128>}]} {
    %get3A = arith.constant 0 : index
    %get3A_0 = arith.constant 0 : index
    %get3A_1 = vector.load %arg1[%get3A, %get3A_0] : memref<2000x128xf32, #tpu.memory_space<vmem>>, vector<2000x128xf32>
    %get3A_2 = arith.constant 0 : index
    %get3A_3 = arith.constant 0 : index
    %get3A_4 = vector.load %arg2[%get3A_2, %get3A_3] : memref<128x128xf32, #tpu.memory_space<vmem>>, vector<128x128xf32>
    %dot_general3A = arith.constant dense<0.000000e+00> : vector<2000x128xf32>
    %dot_general3A_5 = tpu.matmul %get3A_1, %get3A_4, %dot_general3A {dimension_numbers = #tpu.dot_dimension_numbers<[1], [0], [0], [1], [0, 0, 1, 1], [], []>, transpose_lhs_hint = false} : vector<2000x128xf32>, vector<128x128xf32>, vector<2000x128xf32> -> vector<2000x128xf32>
    %swap3A = arith.constant 0 : index
    %swap3A_6 = arith.constant 0 : index
    %swap3A_7 = vector.load %arg3[%swap3A, %swap3A_6] : memref<2000x128xf32, #tpu.memory_space<vmem>>, vector<2000x128xf32>
    tpu.vector_store %arg3[%swap3A, %swap3A_6], %dot_general3A_5 {strides = array<i32>} : memref<2000x128xf32, #tpu.memory_space<vmem>>, vector<2000x128xf32>,
    return
  }
  func.func @transform_0(%arg0: i32) -> (i32, i32) {
    %c0_i32 = arith.constant 0 : i32
    %c0_i32_0 = arith.constant 0 : i32
    return %arg0, %c0_i32 : i32, i32
  }
  func.func @transform_1(%arg0: i32) -> (i32, i32) {
    %c0_i32 = arith.constant 0 : i32
    %c0_i32_0 = arith.constant 0 : i32
    %c0_i32_1 = arith.constant 0 : i32
    return %c0_i32, %c0_i32_0 : i32, i32
  }
  func.func @transform_2(%arg0: i32) -> (i32, i32) {
    %c0_i32 = arith.constant 0 : i32
    %c0_i32_0 = arith.constant 0 : i32
    return %arg0, %c0_i32 : i32, i32
  }
}

module attributes {stable_mosaic.version = 14 : i64} {
  func.func @_scale_body(%arg0: i32, %arg1: memref<2000x128xf32, #tpu.memory_space<vmem>>, %arg2: memref<2000x1xf32, #tpu.memory_space<vmem>>, %arg3: memref<2000x1xf32, #tpu.memory_space<vmem>>, %arg4: memref<2000x128xbf16, #tpu.memory_space<vmem>>) attributes {dimension_semantics = [#tpu.dimension_semantics<arbitrary>], iteration_bounds = array<i64: 5>, scalar_prefetch = 0 : i64, scratch_operands = 0 : i64, tpu.core_type = #tpu.core_type<tc>, window_params = [{transform_indices = @transform_0, window_bounds = array<i64: 2000, 128>}, {transform_indices = @transform_1, window_bounds = array<i64: 2000, 1>}, {transform_indices = @transform_2, window_bounds = array<i64: 2000, 1>}, {transform_indices = @transform_3, window_bounds = array<i64: 2000, 128>}]} {
    %get3A = arith.constant 0 : index
    %get3A_0 = arith.constant 0 : index
    %get3A_1 = vector.load %arg2[%get3A, %get3A_0] : memref<2000x1xf32, #tpu.memory_space<vmem>>, vector<2000x1xf32>
    %get3A_2 = arith.constant 0 : index
    %get3A_3 = arith.constant 0 : index
    %get3A_4 = vector.load %arg3[%get3A_2, %get3A_3] : memref<2000x1xf32, #tpu.memory_space<vmem>>, vector<2000x1xf32>
    %add3A = arith.addf %get3A_1, %get3A_4 : vector<2000x1xf32>
    %gt3A = arith.constant 0.000000e+00 : f32
    %gt3A_5 = vector.broadcast %gt3A : f32 to vector<2000x1xf32>
    %gt3A_6 = arith.cmpf ogt, %add3A, %gt3A_5 : vector<2000x1xf32>
    %rsqrt3A = math.rsqrt %add3A : vector<2000x1xf32>
    %jit3A = arith.constant 0.000000e+00 : f32
    %broadcast_in_dim3A = vector.broadcast %jit3A : f32 to vector<2000x1xf32>
    %select_n3A = arith.select %gt3A_6, %rsqrt3A, %broadcast_in_dim3A : vector<2000x1xi1>, vector<2000x1xf32>
    %get3A_7 = arith.constant 0 : index
    %get3A_8 = arith.constant 0 : index
    %get3A_9 = vector.load %arg1[%get3A_7, %get3A_8] : memref<2000x128xf32, #tpu.memory_space<vmem>>, vector<2000x128xf32>
    %mul3A = vector.broadcast %select_n3A : vector<2000x1xf32> to vector<2000x128xf32>
    %mul3A_10 = arith.mulf %get3A_9, %mul3A : vector<2000x128xf32>
    %convert_element_type3A = arith.truncf %mul3A_10 : vector<2000x128xf32> to vector<2000x128xbf16>
    %swap3A = arith.constant 0 : index
    %swap3A_11 = arith.constant 0 : index
    %swap3A_12 = vector.load %arg4[%swap3A, %swap3A_11] : memref<2000x128xbf16, #tpu.memory_space<vmem>>, vector<2000x128xbf16>
    tpu.vector_store %arg4[%swap3A, %swap3A_11], %convert_element_type3A {strides = array<i32>} : memref<2000x128xbf16, #tpu.memory_space<vmem>>, vector<2000x128xbf16>,
    return
  }
  func.func @transform_0(%arg0: i32) -> (i32, i32) {
    %c0_i32 = arith.constant 0 : i32
    %c0_i32_0 = arith.constant 0 : i32
    return %arg0, %c0_i32 : i32, i32
  }
  func.func @transform_1(%arg0: i32) -> (i32, i32) {
    %c0_i32 = arith.constant 0 : i32
    %c0_i32_0 = arith.constant 0 : i32
    return %arg0, %c0_i32 : i32, i32
  }
  func.func @transform_2(%arg0: i32) -> (i32, i32) {
    %c0_i32 = arith.constant 0 : i32
    %c0_i32_0 = arith.constant 0 : i32
    return %arg0, %c0_i32 : i32, i32
  }
  func.func @transform_3(%arg0: i32) -> (i32, i32) {
    %c0_i32 = arith.constant 0 : i32
    %c0_i32_0 = arith.constant 0 : i32
    return %arg0, %c0_i32 : i32, i32
  }
}

module attributes {stable_mosaic.version = 14 : i64} {
  func.func @_tc2_body(%arg0: i32, %arg1: memref<1x2000x128xbf16, #tpu.memory_space<vmem>>, %arg2: memref<1x2000x128xbf16, #tpu.memory_space<vmem>>, %arg3: memref<2000x1xf32, #tpu.memory_space<vmem>>, %arg4: memref<2000x1xf32, #tpu.memory_space<vmem>>, %arg5: memref<2000x1xf32, #tpu.memory_space<vmem>>, %arg6: memref<2000x1xf32, #tpu.memory_space<vmem>>, %arg7: memref<1x128xf32, #tpu.memory_space<vmem>>, %arg8: memref<128x128xf32, #tpu.memory_space<vmem>>, %arg9: memref<128x64xf32, #tpu.memory_space<vmem>>, %arg10: memref<2000x64xbf16, #tpu.memory_space<vmem>>) attributes {dimension_semantics = [#tpu.dimension_semantics<arbitrary>], iteration_bounds = array<i64: 5>, scalar_prefetch = 0 : i64, scratch_operands = 0 : i64, tpu.core_type = #tpu.core_type<tc>, window_params = [{transform_indices = @transform_0, window_bounds = array<i64: 1, 2000, 128>}, {transform_indices = @transform_1, window_bounds = array<i64: 1, 2000, 128>}, {transform_indices = @transform_2, window_bounds = array<i64: 2000, 1>}, {transform_indices = @transform_3, window_bounds = array<i64: 2000, 1>}, {transform_indices = @transform_4, window_bounds = array<i64: 2000, 1>}, {transform_indices = @transform_5, window_bounds = array<i64: 2000, 1>}, {pipeline_mode = #tpu.pipeline_mode<synchronous>, transform_indices = @transform_6, window_bounds = array<i64: 1, 128>}, {pipeline_mode = #tpu.pipeline_mode<synchronous>, transform_indices = @transform_7, window_bounds = array<i64: 128, 128>}, {pipeline_mode = #tpu.pipeline_mode<synchronous>, transform_indices = @transform_8, window_bounds = array<i64: 128, 64>}, {transform_indices = @transform_9, window_bounds = array<i64: 2000, 64>}]} {
    %get3A = arith.constant 0 : index
    %get3A_0 = arith.constant 0 : index
    %get3A_1 = vector.load %arg3[%get3A, %get3A_0] : memref<2000x1xf32, #tpu.memory_space<vmem>>, vector<2000x1xf32>
    %get3A_2 = arith.constant 0 : index
    %get3A_3 = arith.constant 0 : index
    %get3A_4 = vector.load %arg4[%get3A_2, %get3A_3] : memref<2000x1xf32, #tpu.memory_space<vmem>>, vector<2000x1xf32>
    %add3A = arith.addf %get3A_1, %get3A_4 : vector<2000x1xf32>
    %gt3A = arith.constant 0.000000e+00 : f32
    %gt3A_5 = vector.broadcast %gt3A : f32 to vector<2000x1xf32>
    %gt3A_6 = arith.cmpf ogt, %add3A, %gt3A_5 : vector<2000x1xf32>
    %rsqrt3A = math.rsqrt %add3A : vector<2000x1xf32>
    %jit3A = arith.constant 0.000000e+00 : f32
    %broadcast_in_dim3A = vector.broadcast %jit3A : f32 to vector<2000x1xf32>
    %select_n3A = arith.select %gt3A_6, %rsqrt3A, %broadcast_in_dim3A : vector<2000x1xi1>, vector<2000x1xf32>
    %get3A_7 = arith.constant 0 : index
    %get3A_8 = arith.constant 0 : index
    %get3A_9 = vector.load %arg5[%get3A_7, %get3A_8] : memref<2000x1xf32, #tpu.memory_space<vmem>>, vector<2000x1xf32>
    %get3A_10 = arith.constant 0 : index
    %get3A_11 = arith.constant 0 : index
    %get3A_12 = vector.load %arg6[%get3A_10, %get3A_11] : memref<2000x1xf32, #tpu.memory_space<vmem>>, vector<2000x1xf32>
    %add3A_13 = arith.addf %get3A_9, %get3A_12 : vector<2000x1xf32>
    %gt3A_14 = arith.constant 0.000000e+00 : f32
    %gt3A_15 = vector.broadcast %gt3A_14 : f32 to vector<2000x1xf32>
    %gt3A_16 = arith.cmpf ogt, %add3A_13, %gt3A_15 : vector<2000x1xf32>
    %rsqrt3A_17 = math.rsqrt %add3A_13 : vector<2000x1xf32>
    %jit3A_18 = arith.constant 0.000000e+00 : f32
    %broadcast_in_dim3A_19 = vector.broadcast %jit3A_18 : f32 to vector<2000x1xf32>
    %select_n3A_20 = arith.select %gt3A_16, %rsqrt3A_17, %broadcast_in_dim3A_19 : vector<2000x1xi1>, vector<2000x1xf32>
    %get3A_21 = arith.constant 0 : index
    %get3A_22 = arith.constant 0 : index
    %get3A_23 = arith.constant 0 : index
    %get3A_24 = vector.load %arg1[%get3A_21, %get3A_22, %get3A_23] : memref<1x2000x128xbf16, #tpu.memory_space<vmem>>, vector<1x2000x128xbf16>
    %get3A_25 = vector.shape_cast %get3A_24 : vector<1x2000x128xbf16> to vector<2000x128xbf16>
    %convert_element_type3A = arith.extf %get3A_25 : vector<2000x128xbf16> to vector<2000x128xf32>
    %get3A_26 = arith.constant 0 : index
    %get3A_27 = arith.constant 0 : index
    %get3A_28 = arith.constant 0 : index
    %get3A_29 = vector.load %arg2[%get3A_26, %get3A_27, %get3A_28] : memref<1x2000x128xbf16, #tpu.memory_space<vmem>>, vector<1x2000x128xbf16>
    %get3A_30 = vector.shape_cast %get3A_29 : vector<1x2000x128xbf16> to vector<2000x128xbf16>
    %convert_element_type3A_31 = arith.extf %get3A_30 : vector<2000x128xbf16> to vector<2000x128xf32>
    %add3A_32 = arith.addf %convert_element_type3A, %convert_element_type3A_31 : vector<2000x128xf32>
    %mul3A = vector.broadcast %select_n3A : vector<2000x1xf32> to vector<2000x128xf32>
    %mul3A_33 = arith.mulf %add3A_32, %mul3A : vector<2000x128xf32>
    %get3A_34 = arith.constant 0 : index
    %get3A_35 = arith.constant 0 : index
    %get3A_36 = vector.load %arg7[%get3A_34, %get3A_35] : memref<1x128xf32, #tpu.memory_space<vmem>>, vector<1x128xf32>
    %add3A_37 = vector.broadcast %get3A_36 : vector<1x128xf32> to vector<2000x128xf32>
    %add3A_38 = arith.addf %mul3A_33, %add3A_37 : vector<2000x128xf32>
    %max3A = arith.constant 0.000000e+00 : f32
    %max3A_39 = vector.broadcast %max3A : f32 to vector<2000x128xf32>
    %max3A_40 = arith.maximumf %add3A_38, %max3A_39 : vector<2000x128xf32>
    %get3A_41 = arith.constant 0 : index
    %get3A_42 = arith.constant 0 : index
    %get3A_43 = vector.load %arg8[%get3A_41, %get3A_42] : memref<128x128xf32, #tpu.memory_space<vmem>>, vector<128x128xf32>
    %get3A_44 = arith.constant 0 : index
    %get3A_45 = arith.constant 0 : index
    %get3A_46 = vector.load %arg9[%get3A_44, %get3A_45] : memref<128x64xf32, #tpu.memory_space<vmem>>, vector<128x64xf32>
    %dot_general3A = arith.constant dense<0.000000e+00> : vector<128x64xf32>
    %dot_general3A_47 = tpu.matmul %get3A_43, %get3A_46, %dot_general3A {dimension_numbers = #tpu.dot_dimension_numbers<[1], [0], [0], [1], [0, 0, 1, 1], [], []>, transpose_lhs_hint = false} : vector<128x128xf32>, vector<128x64xf32>, vector<128x64xf32> -> vector<128x64xf32>
    %mul3A_48 = vector.broadcast %select_n3A_20 : vector<2000x1xf32> to vector<2000x128xf32>
    %mul3A_49 = arith.mulf %max3A_40, %mul3A_48 : vector<2000x128xf32>
    %dot_general3A_50 = arith.constant dense<0.000000e+00> : vector<2000x64xf32>
    %dot_general3A_51 = tpu.matmul %mul3A_49, %dot_general3A_47, %dot_general3A_50 {dimension_numbers = #tpu.dot_dimension_numbers<[1], [0], [0], [1], [0, 0, 1, 1], [], []>, transpose_lhs_hint = false} : vector<2000x128xf32>, vector<128x64xf32>, vector<2000x64xf32> -> vector<2000x64xf32>
    %convert_element_type3A_52 = arith.truncf %dot_general3A_51 : vector<2000x64xf32> to vector<2000x64xbf16>
    %swap3A = arith.constant 0 : index
    %swap3A_53 = arith.constant 0 : index
    %swap3A_54 = vector.load %arg10[%swap3A, %swap3A_53] : memref<2000x64xbf16, #tpu.memory_space<vmem>>, vector<2000x64xbf16>
    tpu.vector_store %arg10[%swap3A, %swap3A_53], %convert_element_type3A_52 {strides = array<i32>} : memref<2000x64xbf16, #tpu.memory_space<vmem>>, vector<2000x64xbf16>,
    return
  }
  func.func @transform_0(%arg0: i32) -> (i32, i32, i32) {
    %c0_i32 = arith.constant 0 : i32
    %c0_i32_0 = arith.constant 0 : i32
    %c0_i32_1 = arith.constant 0 : i32
    return %c0_i32, %arg0, %c0_i32_0 : i32, i32, i32
  }
  func.func @transform_1(%arg0: i32) -> (i32, i32, i32) {
    %c1_i32 = arith.constant 1 : i32
    %c0_i32 = arith.constant 0 : i32
    %c0_i32_0 = arith.constant 0 : i32
    return %c1_i32, %arg0, %c0_i32 : i32, i32, i32
  }
  func.func @transform_2(%arg0: i32) -> (i32, i32) {
    %c0_i32 = arith.constant 0 : i32
    %c0_i32_0 = arith.constant 0 : i32
    return %arg0, %c0_i32 : i32, i32
  }
  func.func @transform_3(%arg0: i32) -> (i32, i32) {
    %c0_i32 = arith.constant 0 : i32
    %c0_i32_0 = arith.constant 0 : i32
    return %arg0, %c0_i32 : i32, i32
  }
  func.func @transform_4(%arg0: i32) -> (i32, i32) {
    %c0_i32 = arith.constant 0 : i32
    %c0_i32_0 = arith.constant 0 : i32
    return %arg0, %c0_i32 : i32, i32
  }
  func.func @transform_5(%arg0: i32) -> (i32, i32) {
    %c0_i32 = arith.constant 0 : i32
    %c0_i32_0 = arith.constant 0 : i32
    return %arg0, %c0_i32 : i32, i32
  }
  func.func @transform_6(%arg0: i32) -> (i32, i32) {
    %c0_i32 = arith.constant 0 : i32
    %c0_i32_0 = arith.constant 0 : i32
    %c0_i32_1 = arith.constant 0 : i32
    return %c0_i32, %c0_i32_0 : i32, i32
  }
  func.func @transform_7(%arg0: i32) -> (i32, i32) {
    %c0_i32 = arith.constant 0 : i32
    %c0_i32_0 = arith.constant 0 : i32
    %c0_i32_1 = arith.constant 0 : i32
    return %c0_i32, %c0_i32_0 : i32, i32
  }
  func.func @transform_8(%arg0: i32) -> (i32, i32) {
    %c0_i32 = arith.constant 0 : i32
    %c0_i32_0 = arith.constant 0 : i32
    %c0_i32_1 = arith.constant 0 : i32
    return %c0_i32, %c0_i32_0 : i32, i32
  }
  func.func @transform_9(%arg0: i32) -> (i32, i32) {
    %c0_i32 = arith.constant 0 : i32
    %c0_i32_0 = arith.constant 0 : i32
    return %arg0, %c0_i32 : i32, i32
  }
}

module attributes {stable_mosaic.version = 14 : i64} {
  func.func @_tc3_body(%arg0: i32, %arg1: memref<1x2000x64xbf16, #tpu.memory_space<vmem>>, %arg2: memref<1x2000x64xbf16, #tpu.memory_space<vmem>>, %arg3: memref<2000x1xf32, #tpu.memory_space<vmem>>, %arg4: memref<2000x1xf32, #tpu.memory_space<vmem>>, %arg5: memref<1x128xf32, #tpu.memory_space<vmem>>, %arg6: memref<128x64xf32, #tpu.memory_space<vmem>>, %arg7: memref<1x64xf32, #tpu.memory_space<vmem>>, %arg8: memref<2000x64xf32, #tpu.memory_space<vmem>>) attributes {dimension_semantics = [#tpu.dimension_semantics<arbitrary>], iteration_bounds = array<i64: 5>, scalar_prefetch = 0 : i64, scratch_operands = 0 : i64, tpu.core_type = #tpu.core_type<tc>, window_params = [{transform_indices = @transform_0, window_bounds = array<i64: 1, 2000, 64>}, {transform_indices = @transform_1, window_bounds = array<i64: 1, 2000, 64>}, {transform_indices = @transform_2, window_bounds = array<i64: 2000, 1>}, {transform_indices = @transform_3, window_bounds = array<i64: 2000, 1>}, {pipeline_mode = #tpu.pipeline_mode<synchronous>, transform_indices = @transform_4, window_bounds = array<i64: 1, 128>}, {pipeline_mode = #tpu.pipeline_mode<synchronous>, transform_indices = @transform_5, window_bounds = array<i64: 128, 64>}, {pipeline_mode = #tpu.pipeline_mode<synchronous>, transform_indices = @transform_6, window_bounds = array<i64: 1, 64>}, {transform_indices = @transform_7, window_bounds = array<i64: 2000, 64>}]} {
    %get3A = arith.constant 0 : index
    %get3A_0 = arith.constant 0 : index
    %get3A_1 = vector.load %arg3[%get3A, %get3A_0] : memref<2000x1xf32, #tpu.memory_space<vmem>>, vector<2000x1xf32>
    %get3A_2 = arith.constant 0 : index
    %get3A_3 = arith.constant 0 : index
    %get3A_4 = vector.load %arg4[%get3A_2, %get3A_3] : memref<2000x1xf32, #tpu.memory_space<vmem>>, vector<2000x1xf32>
    %add3A = arith.addf %get3A_1, %get3A_4 : vector<2000x1xf32>
    %gt3A = arith.constant 0.000000e+00 : f32
    %gt3A_5 = vector.broadcast %gt3A : f32 to vector<2000x1xf32>
    %gt3A_6 = arith.cmpf ogt, %add3A, %gt3A_5 : vector<2000x1xf32>
    %rsqrt3A = math.rsqrt %add3A : vector<2000x1xf32>
    %jit3A = arith.constant 0.000000e+00 : f32
    %broadcast_in_dim3A = vector.broadcast %jit3A : f32 to vector<2000x1xf32>
    %select_n3A = arith.select %gt3A_6, %rsqrt3A, %broadcast_in_dim3A : vector<2000x1xi1>, vector<2000x1xf32>
    %get3A_7 = arith.constant 0 : index
    %get3A_8 = arith.constant 0 : index
    %get3A_9 = arith.constant 0 : index
    %get3A_10 = vector.load %arg1[%get3A_7, %get3A_8, %get3A_9] : memref<1x2000x64xbf16, #tpu.memory_space<vmem>>, vector<1x2000x64xbf16>
    %get3A_11 = vector.shape_cast %get3A_10 : vector<1x2000x64xbf16> to vector<2000x64xbf16>
    %convert_element_type3A = arith.extf %get3A_11 : vector<2000x64xbf16> to vector<2000x64xf32>
    %get3A_12 = arith.constant 0 : index
    %get3A_13 = arith.constant 0 : index
    %get3A_14 = arith.constant 0 : index
    %get3A_15 = vector.load %arg2[%get3A_12, %get3A_13, %get3A_14] : memref<1x2000x64xbf16, #tpu.memory_space<vmem>>, vector<1x2000x64xbf16>
    %get3A_16 = vector.shape_cast %get3A_15 : vector<1x2000x64xbf16> to vector<2000x64xbf16>
    %convert_element_type3A_17 = arith.extf %get3A_16 : vector<2000x64xbf16> to vector<2000x64xf32>
    %add3A_18 = arith.addf %convert_element_type3A, %convert_element_type3A_17 : vector<2000x64xf32>
    %get3A_19 = arith.constant 0 : index
    %get3A_20 = arith.constant 0 : index
    %get3A_21 = vector.load %arg5[%get3A_19, %get3A_20] : memref<1x128xf32, #tpu.memory_space<vmem>>, vector<1x128xf32>
    %get3A_22 = arith.constant 0 : index
    %get3A_23 = arith.constant 0 : index
    %get3A_24 = vector.load %arg6[%get3A_22, %get3A_23] : memref<128x64xf32, #tpu.memory_space<vmem>>, vector<128x64xf32>
    %dot_general3A = arith.constant dense<0.000000e+00> : vector<1x64xf32>
    %dot_general3A_25 = tpu.matmul %get3A_21, %get3A_24, %dot_general3A {dimension_numbers = #tpu.dot_dimension_numbers<[1], [0], [0], [1], [0, 0, 1, 1], [], []>, transpose_lhs_hint = false} : vector<1x128xf32>, vector<128x64xf32>, vector<1x64xf32> -> vector<1x64xf32>
    %get3A_26 = arith.constant 0 : index
    %get3A_27 = arith.constant 0 : index
    %get3A_28 = vector.load %arg7[%get3A_26, %get3A_27] : memref<1x64xf32, #tpu.memory_space<vmem>>, vector<1x64xf32>
    %add3A_29 = arith.addf %dot_general3A_25, %get3A_28 : vector<1x64xf32>
    %mul3A = vector.broadcast %select_n3A : vector<2000x1xf32> to vector<2000x64xf32>
    %mul3A_30 = arith.mulf %add3A_18, %mul3A : vector<2000x64xf32>
    %add3A_31 = vector.broadcast %add3A_29 : vector<1x64xf32> to vector<2000x64xf32>
    %add3A_32 = arith.addf %mul3A_30, %add3A_31 : vector<2000x64xf32>
    %swap3A = arith.constant 0 : index
    %swap3A_33 = arith.constant 0 : index
    %swap3A_34 = vector.load %arg8[%swap3A, %swap3A_33] : memref<2000x64xf32, #tpu.memory_space<vmem>>, vector<2000x64xf32>
    tpu.vector_store %arg8[%swap3A, %swap3A_33], %add3A_32 {strides = array<i32>} : memref<2000x64xf32, #tpu.memory_space<vmem>>, vector<2000x64xf32>,
    return
  }
  func.func @transform_0(%arg0: i32) -> (i32, i32, i32) {
    %c0_i32 = arith.constant 0 : i32
    %c0_i32_0 = arith.constant 0 : i32
    %c0_i32_1 = arith.constant 0 : i32
    return %c0_i32, %arg0, %c0_i32_0 : i32, i32, i32
  }
  func.func @transform_1(%arg0: i32) -> (i32, i32, i32) {
    %c1_i32 = arith.constant 1 : i32
    %c0_i32 = arith.constant 0 : i32
    %c0_i32_0 = arith.constant 0 : i32
    return %c1_i32, %arg0, %c0_i32 : i32, i32, i32
  }
  func.func @transform_2(%arg0: i32) -> (i32, i32) {
    %c0_i32 = arith.constant 0 : i32
    %c0_i32_0 = arith.constant 0 : i32
    return %arg0, %c0_i32 : i32, i32
  }
  func.func @transform_3(%arg0: i32) -> (i32, i32) {
    %c0_i32 = arith.constant 0 : i32
    %c0_i32_0 = arith.constant 0 : i32
    return %arg0, %c0_i32 : i32, i32
  }
  func.func @transform_4(%arg0: i32) -> (i32, i32) {
    %c0_i32 = arith.constant 0 : i32
    %c0_i32_0 = arith.constant 0 : i32
    %c0_i32_1 = arith.constant 0 : i32
    return %c0_i32, %c0_i32_0 : i32, i32
  }
  func.func @transform_5(%arg0: i32) -> (i32, i32) {
    %c0_i32 = arith.constant 0 : i32
    %c0_i32_0 = arith.constant 0 : i32
    %c0_i32_1 = arith.constant 0 : i32
    return %c0_i32, %c0_i32_0 : i32, i32
  }
  func.func @transform_6(%arg0: i32) -> (i32, i32) {
    %c0_i32 = arith.constant 0 : i32
    %c0_i32_0 = arith.constant 0 : i32
    %c0_i32_1 = arith.constant 0 : i32
    return %c0_i32, %c0_i32_0 : i32, i32
  }
  func.func @transform_7(%arg0: i32) -> (i32, i32) {
    %c0_i32 = arith.constant 0 : i32
    %c0_i32_0 = arith.constant 0 : i32
    return %arg0, %c0_i32 : i32, i32
  }
}

</mosaic_0001>

<sc_bundles>
// kernel: kernel.12.cloned.1.call-start
scs
__scs_entry_jumppad:
0x0: {  	(pc) =	sbr.rel $0x88, $3  }
0x1: {  	(tag) =	ssettag $0x0;
	lr =	simm.s32 $0x1  }
0x2: {  	[smem:$0x3F99] =	sst lr;
	_ =	strace $0xD0000000  }
0x3: {  	_ = 	snop  }
0x4: {  	_ = 	snop  }
0x5: {  	_ = 	snop  }
0x6: {  	_ = 	snop  }
0x7: {  	_ = 	snop  }
__scs_overlays_trampoline_lowered:
0x8: {  	[smem:$0x3FA8] =	sst s0  }
0x9: {  	[smem:$0x3FA9] =	sst s1  }
0xa: {  	[smem:$0x3FAA] =	sst s2  }
0xb: {  	[smem:$0x3FAB] =	sst s3  }
0xc: {  	[smem:$0x3FAC] =	sst s4  }
0xd: {  	[smem:$0x3FAD] =	sst s5  }
0xe: {  	[smem:$0x3FAE] =	sst s6  }
0xf: {  	[smem:$0x3FAF] =	sst s7  }
0x10: {  	[smem:$0x3FB0] =	sst s8  }
0x11: {  	[smem:$0x3FB1] =	sst s9;
	s0 =	simm.s32 @!p0 $0x0  }
0x12: {  	s1 =	sld [smem:$0x3F97];
	s0 =	simm.s32 @p0 $0x1  }
0x13: {  	[smem:$0x3FB2] =	sst s0;
	s0 =	simm.s32 @!p1 $0x0  }
0x14: {  	s2 =	sld [smem:$0x3F96];
	s0 =	simm.s32 @p1 $0x1  }
0x15: {  	[smem:$0x3FB3] =	sst s0;
	s0 =	simm.s32 @!p2 $0x0  }
0x16: {  	s3 =	sld [smem:$0x3FDB];
	s0 =	simm.s32 @p2 $0x1  }
0x17: {  	s4 =	simm.s32 $0x1BF5;
	[smem:$0x3FB5] =	sst s0  }
0x18: {  	s0 =	sld [smem:$0x3F98];
	_ =	swait.ge [sflag:s4], $0x0  }
0x19: {  	s7 =	sld [smem:$0x3F99]  }
0x1a: {  	s8 =	sadd.s32 $0xFFFFE003, lr  }
0x1b: {  	s9 =	sadd.s32 $0xFFFFFEF7, lr;
	s5 =	simm.s32 $0xFFFFFFFF;
	p2 =	slt.u32 s8, $0xFFFFF086  }
0x1c: {  	p1 =	slt.u32 s9, $0xF7A;
	s5 =	simm.s32 @!p2 $0x0  }
0x1d: {  	s5 =	simm.s32 @p1 $0x1;
	p0 =	seq.s32 s7, s2  }
0x1e: {  	s7 =	smul.u32 @!p0 $0xF7A, s2;
	p2 =	seq.s32 @!p0 s5, $0x0  }
0x1f: {  	s9 =	smul.u32 $0xF7A, s1;
	s8 =	simm.s32 @!p0 $0x1BF5;
	p2 =	por !p2, p0  }
0x20: {  	[sflag:s8] =	ssyncset.s32 @!p0 $0xFFFFF086;
	s6 =	sadd.s32 @!p0 s3, s7;
	s7 =	simm.s32 @!p0 $0x108  }
0x21: {  	s3 =	sadd.s32 s3, s9;
	s6 =	sadd.s32 @!p0 $0x88, s6;
	s7 =	simm.s32 @p2 $0x1082  }
0x22: {  	[simem:s7], [sflag:s8] =	dma.local @!p0 [hbm:s6], $0xF7A  }
0x23: {  	s9 =	sor.u32 $0xD0000000, s2;
	s6 =	simm.s32 $0x108;
	_ =	swait.ge @!p0 [sflag:s8], $0x0  }
0x24: {  	s3 =	sadd.s32 $0x88, s3;
	s6 =	simm.s32 @!p1 $0x1082;
	[sflag:s4] =	ssyncset.s32 $0xFFFFF086  }
0x25: {  	[simem:s6], [sflag:s4] =	dma.local [hbm:s3], $0xF7A  }
0x26: {  	[smem:$0x3F99] =	sst s1;
	(tag) =	ssettag s2;
	_ =	strace s9  }
0x27: {  	s1 =	sld [smem:$0x3FA9]  }
0x28: {  	s2 =	sld [smem:$0x3FAA]  }
0x29: {  	s4 =	sld [smem:$0x3FAC]  }
0x2a: {  	p0 =	seq.s32 s5, $0x0;
	s5 =	sld [smem:$0x3FAD]  }
0x2b: {  	s6 =	sld [smem:$0x3FAE]  }
0x2c: {  	s7 =	sld [smem:$0x3FAF]  }
0x2d: {  	s3 =	simm.s32 $0x108;
	s8 =	sld [smem:$0x3FB0]  }
0x2e: {  	s3 =	simm.s32 @!p0 $0x1082;
	s9 =	sld [smem:$0x3FB1]  }
0x2f: {  	lr =	sadd.s32 s0, s3;
	s0 =	sld [smem:$0x3FA8]  }
0x30: {  	s3 =	sld [smem:$0x3FAB]  }
0x31: {  	[smem:$0x3FB4] =	sst s10  }
0x32: {  	s10 =	sld [smem:$0x3FB2];
	_ =	sdelay $0x3  }
0x33: {  	p0 =	seq.s32 s10, $0x1;
	s10 =	sld [smem:$0x3FB4];
	_ =	sdelay $0x3  }
0x34: {  	[smem:$0x3FB4] =	sst s10  }
0x35: {  	s10 =	sld [smem:$0x3FB3];
	_ =	sdelay $0x3  }
0x36: {  	p1 =	seq.s32 s10, $0x1;
	s10 =	sld [smem:$0x3FB4];
	_ =	sdelay $0x3  }
0x37: {  	[smem:$0x3FB4] =	sst s10  }
0x38: {  	s10 =	sld [smem:$0x3FB5]  }
0x39: {  	_ = 	snop;
	(pc) =	sbr.ind lr, $3  }
0x3a: {  	_ = 	snop  }
0x3b: {  	_ = 	snop  }
0x3c: {  	p2 =	seq.s32 s10, $0x1;
	s10 =	sld [smem:$0x3FB4]  }
0x3d: {  	_ =	shalt  }
0x3e: {  	_ =	shalt  }
0x3f: {  	_ =	shalt  }
0x40: {  	_ =	shalt  }
0x41: {  	_ =	shalt  }
0x42: {  	_ =	shalt  }
0x43: {  	_ =	shalt  }
0x44: {  	_ =	shalt  }
0x45: {  	_ =	shalt  }
0x46: {  	_ =	shalt  }
0x47: {  	_ =	shalt  }
0x48: {  	_ =	shalt  }
0x49: {  	_ =	shalt  }
0x4a: {  	_ =	shalt  }
0x4b: {  	_ =	shalt  }
0x4c: {  	_ =	shalt  }
0x4d: {  	_ =	shalt  }
0x4e: {  	_ =	shalt  }
0x4f: {  	_ =	shalt  }
0x50: {  	_ =	shalt  }
0x51: {  	_ =	shalt  }
0x52: {  	_ =	shalt  }
0x53: {  	_ =	shalt  }
0x54: {  	_ =	shalt  }
0x55: {  	_ =	shalt  }
0x56: {  	_ =	shalt  }
0x57: {  	_ =	shalt  }
0x58: {  	_ =	shalt  }
0x59: {  	_ =	shalt  }
0x5a: {  	_ =	shalt  }
0x5b: {  	_ =	shalt  }
0x5c: {  	_ =	shalt  }
0x5d: {  	_ =	shalt  }
0x5e: {  	_ =	shalt  }
0x5f: {  	_ =	shalt  }
0x60: {  	_ =	shalt  }
0x61: {  	_ =	shalt  }
0x62: {  	_ =	shalt  }
0x63: {  	_ =	shalt  }
0x64: {  	_ =	shalt  }
0x65: {  	_ =	shalt  }
0x66: {  	_ =	shalt  }
0x67: {  	_ =	shalt  }
0x68: {  	_ =	shalt  }
0x69: {  	_ =	shalt  }
0x6a: {  	_ =	shalt  }
0x6b: {  	_ =	shalt  }
0x6c: {  	_ =	shalt  }
0x6d: {  	_ =	shalt  }
0x6e: {  	_ =	shalt  }
0x6f: {  	_ =	shalt  }
0x70: {  	_ =	shalt  }
0x71: {  	_ =	shalt  }
0x72: {  	_ =	shalt  }
0x73: {  	_ =	shalt  }
0x74: {  	_ =	shalt  }
0x75: {  	_ =	shalt  }
0x76: {  	_ =	shalt  }
0x77: {  	_ =	shalt  }
0x78: {  	_ =	shalt  }
0x79: {  	_ =	shalt  }
0x7a: {  	_ =	shalt  }
0x7b: {  	_ =	shalt  }
0x7c: {  	_ =	shalt  }
0x7d: {  	_ =	shalt  }
0x7e: {  	_ =	shalt  }
0x7f: {  	_ =	shalt  }
0x80: {  	_ =	shalt  }
0x81: {  	_ =	shalt  }
0x82: {  	_ =	shalt  }
0x83: {  	_ =	shalt  }
0x84: {  	_ =	shalt  }
0x85: {  	_ =	shalt  }
0x86: {  	_ =	shalt  }
0x87: {  	_ =	shalt  }
.Lfunc_end0:
.L_simem_size_0:
called_computation.1_lowered:
.L_overlay_start_0:
0x88: {  	s2 =	sld [smem:$0x3FD9]  }
0x89: {  	s3 =	sld [smem:$0x3FFE];
	_ =	sdelay $0x1  }
0x8a: {  	s1 =	srdreg.scid  }
0x8b: {  	s0 =	sand.u32 $0x1, s1  }
0x8c: {  	s17 =	sshll.u32 s0, $0xA;
	s2 =	sadd.s32 s3, s2  }
0x8d: {  	s2 =	sadd.s32 s2, s17  }
0x8e: {  	[smem:$0x3FC0] =	sst s2  }
0x8f: {  	_ = 	snop  }
0x90: {  	s2 =	sld [smem:$0x3FD0];
	(tm) =	ssettm $0x1  }
0x91: {  	s18 =	sld [smem:$0x3FFB];
	_ =	sdelay $0x3  }
0x92: {  	_ =	strace s18  }
0x93: {  	s3 =	sld [smem:$0x3FFC];
	_ =	sdelay $0x3  }
0x94: {  	_ =	strace s3  }
0x95: {  	s3 =	sld [smem:$0x3FFD];
	_ =	sdelay $0x3  }
0x96: {  	_ =	strace s3  }
0x97: {  	_ =	strace $0x8FFFFFFF  }
0x98: {  	s19 =	sld [smem:$0x3FDB];
	_ =	sdelay $0x1  }
0x99: {  	s4 =	simm.s32 $_scs_section_size  }
0x9a: {  	s5 =	simm.s32 $_size__tile_overlayer_lowered;
	s6 =	simm.s32 $_tile_overlayer_lowered  }
0x9b: {  	s22 =	simm.s32 $0x1BFF;
	s21 =	sshll.u32 s6, $0x1;
	s3 =	sadd.s32 s4, s19  }
0x9c: {  	s7 =	simm.s32 $0x0;
	s20 =	sshll.u32 s5, $0x1;
	s5 =	sadd.s32 s21, s3  }
0x9d: {  	[timem:s7], [sflag:s22] =	dma.local [hbm:s5], s20  }
0x9e: {  	_ =	swait.ge [sflag:s22], s20  }
0x9f: {  	s4 =	ssub.s32 $0x0, s20;
	[sflag:s22] =	ssyncset.done $0x0  }
0xa0: {  	[sflag:s22] =	ssyncadd.s32 s4;
	_ =	sdelay $0x1  }
0xa1: {  	s23 =	simm.s32 $0x1B8B  }
0xa2: {  	_ =	swait.ge [sflag:s23], $0x1  }
0xa3: {  	[sflag:s23] =	ssyncset.done $0x0  }
0xa4: {  	s25 =	simm.s32 $0x1B8E;
	s24 =	sld [smem:$0x3FFE];
	[sflag:s23] =	ssyncadd.s32 $0xFFFFFFFF  }
0xa5: {  	s26 =	simm.s32 $execute0_lowered;
	[smem:$0x3FD2] =	sst s25  }
0xa6: {  	s5 =	sshll.u32 s26, $0x1;
	_ =	strace $0x80000049;
	[dreg:$0x1] =	wrdreg $0xFFFFFFFF  }
0xa7: {  	s28 =	simm.s32 $_size_execute0_lowered;
	s3 =	sadd.s32 s3, s5;
	[dreg:$0x0] =	wrdreg $0x0  }
0xa8: {  	s5 =	sshll.u32 s28, $0x1;
	[dreg:$0x2] =	wrdreg s3  }
0xa9: {  	[dreg:$0x3] =	wrdreg s5  }
0xaa: {  	[dreg:$0x4] =	wrdreg $0xC0  }
0xab: {  	_ =	task [dreg:s7], $0x5FFFF  }
0xac: {  	[dreg:$0x1] =	wrdreg $0xFFFFFFFF  }
0xad: {  	[dreg:$0x0] =	wrdreg $0x60  }
0xae: {  	[dreg:$0x2] =	wrdreg s2  }
0xaf: {  	[dreg:$0x3] =	wrdreg s24  }
0xb0: {  	[dreg:$0x4] =	wrdreg $0x52800  }
0xb1: {  	[dreg:$0x5] =	wrdreg $0x9  }
0xb2: {  	_ =	task.clear_ibuf [dreg:s7], $0x6FFFF;
	_ =	strace $0x90000049  }
0xb3: {  	s29 =	simm.s32 $0x9;
	_ =	strace $0x8000004B  }
0xb4: {  	_ =	swait.ge [sflag:s29], $0x1  }
0xb5: {  	[sflag:s29] =	ssyncadd.s32 $0xFFFFFFFF  }
0xb6: {  	_ =	strace $0x9000004B  }
0xb7: {  	_ =	sfence  }
0xb8: {  	s30 =	sld [smem:$0x0];
	_ =	sdelay $0x2  }
0xb9: {  	s31 =	sshll.u32 s1, $0xD;
	s1 =	sshrl.u32 s1, $0x2  }
0xba: {  	s3 =	sand.u32 $0x4000, s31;
	s1 =	sadd.s32 s1, s30  }
0xbb: {  	s0 =	sor.u32 s3, s0;
	s1 =	sshll.u32 s1, $0x11  }
0xbc: {  	s0 =	sor.u32 s1, s0  }
0xbd: {  	s0 =	sadd.s32 $0x8F2B, s0  }
0xbe: {  	[sflag:s0] =	ssyncadd.remote.s32 $0x1  }
0xbf: {  	_ =	sfence.sel $0xFFFF  }
0xc0: {  	[dreg:$0x0] =	wrdreg $0xFFFFFFFF;
	(pc) =	sbr.abs _section_cstart, $3  }
0xc1: {  	[dreg:$0x1] =	wrdreg $0xFFFFFFFF  }
0xc2: {  	_ =	task.clear_ibuf [dreg:s7], $0x2FFFF;
	_ =	strace $0x9FFFFFFF  }
0xc3: {  	(tm) =	ssettm $0x7FFFFFFF  }
tec
execute0_lowered:
.L_overlay_start_1:
0x0: {  	(tag) =	ssettag $0x1  }
0x1: {  	s2 =	rddreg [dreg:$0x0]  }
0x2: {  	s0 =	rddreg [dreg:$0x1]  }
0x3: {  	s3 =	rddreg [dreg:$0x2]  }
0x4: {  	s5 =	stileid.u32;
	s1 =	srdreg.scid;
	s4 =	simm.s32 $0x0  }
0x5: {  	s29 =	simm.s32 $0xA0;
	s7 =	smul.u32 $0x14000, s5;
	s1 =	sand.u32 $0x1, s1  }
0x6: {  	[smem:$0x7FF] =	sst s4;
	s6 =	sadd.s32 $0xBA00, s0;
	s23 =	smul.u32 $0x2710, s5  }
0x7: {  	s26 =	sadd.s32 $0x1C00, s0;
	s17 =	sshll.u32 s5, $0x6;
	s8 =	smul.u32 $0x140000, s1  }
0x8: {  	_ =	strace $0x8000004A;
	s10 =	sshll.u32 s1, $0x4;
	s16 =	ssub.s32 $0x2, s1  }
0x9: {  	s22 =	sor.u32 $0x1C0D, s17;
	s1 =	smul.u32 $0x27100, s1;
	s9 =	sshrl.u32 s7, $0x4  }
0xa: {  	s10 =	sor.u32 s5, s10;
	s11 =	sshrl.u32 s16, $0x1;
	[dreg:$0xc] =	wrdreg s22  }
0xb: {  	s8 =	sadd.s32 s7, s8;
	s9 =	sadd.s32 s9, s0;
	s10 =	smul.u32 $0x2710, s10  }
0xc: {  	s7 =	sshrl.u32 s7, $0x1;
	s1 =	sadd.s32 s23, s1;
	s8 =	sshrl.u32 s8, $0x4  }
0xd: {  	s7 =	sadd.s32 s7, s3;
	s9 =	sadd.s32 $0x15800, s9;
	s17 =	sadd.s32 $0x1E0, s1  }
0xe: {  	s0 =	sadd.s32 s8, s0;
	[dreg:$0xa] =	wrdreg s7;
	s18 =	sshrl.u32 s10, $0x3  }
0xf: {  	s8 =	ssub.s32 s16, s11;
	[dreg:$0xb] =	wrdreg s9;
	s19 =	sadd.s32 s6, s18  }
0x10: {  	s11 =	sadd.s32 $0x230, s1;
	s20 =	sadd.s32 s26, s18;
	[dreg:$0xd] =	wrdreg s19  }
0x11: {  	s21 =	sadd.s32 $0xA, s18;
	s0 =	sadd.s32 $0x50A00, s0;
	[dreg:$0xe] =	wrdreg s20  }
0x12: {  	s9 =	simm.s32 $0xD;
	s24 =	sadd.s32 s6, s21;
	[dreg:$0x17] =	wrdreg s0  }
0x13: {  	s10 =	sadd.s32 $0x14, s18;
	s25 =	sadd.s32 s26, s21;
	[dreg:$0xf] =	wrdreg s24  }
0x14: {  	s31 =	sadd.s32 $0x1E, s18;
	s28 =	sadd.s32 s6, s10;
	[dreg:$0x10] =	wrdreg s25  }
0x15: {  	s7 =	sadd.s32 $0x4D8, s18;
	s30 =	sadd.s32 s26, s10;
	[dreg:$0x11] =	wrdreg s28  }
0x16: {  	s14 =	sshrl.u32 s11, $0x3;
	s10 =	sadd.s32 s6, s31;
	[dreg:$0x12] =	wrdreg s30  }
0x17: {  	s12 =	sadd.s32 s26, s31;
	s13 =	sadd.s32 s6, s7;
	[dreg:$0x13] =	wrdreg s10  }
0x18: {  	s15 =	sadd.s32 s26, s7;
	s16 =	sadd.s32 s14, s26;
	[dreg:$0x14] =	wrdreg s12  }
0x19: {  	s18 =	sadd.s32 s14, s6;
	s19 =	sshrl.u32 s17, $0x3;
	[dreg:$0x15] =	wrdreg s13  }
0x1a: {  	s21 =	sadd.s32 $0x190, s1;
	s31 =	sadd.s32 $0x140, s1;
	[dreg:$0x16] =	wrdreg s15  }
0x1b: {  	s0 =	simm.s32 $0x1;
	s7 =	simm.s32 $0x2;
	[dreg:$0x4] =	wrdreg s16  }
0x1c: {  	s17 =	simm.s32 $0x8;
	s1 =	simm.s32 $0x0;
	[dreg:$0x5] =	wrdreg s18  }
0x1d: {  	s20 =	sadd.s32 s19, s26;
	s23 =	sadd.s32 s19, s6;
	s24 =	sshrl.u32 s21, $0x3  }
0x1e: {  	s28 =	smax.u32 s8, $0x1;
	[dreg:$0x19] =	wrdreg s31;
	s10 =	simm.s32 $0x3  }
0x1f: {  	s12 =	simm.s32 $0x4;
	s15 =	simm.s32 $0x6;
	[dreg:$0x6] =	wrdreg s20  }
0x20: {  	s16 =	simm.s32 $0x7;
	s18 =	simm.s32 $0x9;
	[dreg:$0x7] =	wrdreg s23  }
0x21: {  	s19 =	simm.s32 $0xA;
	s25 =	sadd.s32 s24, s26;
	[dreg:$0x18] =	wrdreg s28  }
0x22: {  	s21 =	simm.s32 $0xC;
	s30 =	sadd.s32 s24, s6;
	[dreg:$0x8] =	wrdreg s25  }
0x23: {  	s20 =	simm.s32 $0xB;
	[dreg:$0x9] =	wrdreg s30;
	s25 =	simm.s32 $0x50  }
.LBB2_1:
0x24: {  	[dreg:$0x1a] =	wrdreg s1  }
0x25: {  	s5 =	rddreg [dreg:$0xa]  }
0x26: {  	s24 =	rddreg [dreg:$0xb];
	s23 =	sshrl.u32 s5, $0x3  }
0x27: {  	[dreg:$0x1b] =	wrdreg s23  }
0x28: {  	[spmem:s23], [sflag:s22] =	dma.local [hbm:s24], $0x1400  }
0x29: {  	_ =	swait.ge [sflag:s9], $0x1400  }
0x2a: {  	[sflag:s9] =	ssyncset.done $0x0  }
0x2b: {  	[sflag:s9] =	ssyncadd.s32 $0xFFFFEC00  }
0x2c: {  	[bflag:$0x0] =	sbarrier.arrive $0xFFFF  }
0x2d: {  	s28 =	rddreg [dreg:$0xd]  }
0x2e: {  	[tilespmem:s4], [sflag:$0x1] =	stream.linear.gather [hbm4b:s28+s4], $0x50, $0x38;
	[tilespmem:$0xF280] =	vst v63  }
0x2f: {  	s23 =	simm.s32 $0x140;
	s30 =	rddreg [dreg:$0xe]  }
0x30: {  	[tilespmem:s23], [sflag:$0x1] =	stream.linear.gather [hbm4b:s30+s4], $0x50, $0x38;
	[tilespmem:$0xF280] =	vst v63  }
0x31: {  	s31 =	rddreg [dreg:$0xf]  }
0x32: {  	[tilespmem:s25], [sflag:$0x2] =	stream.linear.gather [hbm4b:s31+s4], $0x50, $0x38;
	[tilespmem:$0xF280] =	vst v63  }
0x33: {  	s24 =	simm.s32 $0x190;
	s1 =	rddreg [dreg:$0x10]  }
0x34: {  	[tilespmem:s24], [sflag:$0x2] =	stream.linear.gather [hbm4b:s1+s4], $0x50, $0x38;
	[tilespmem:$0xF280] =	vst v63  }
0x35: {  	s8 =	rddreg [dreg:$0x11]  }
0x36: {  	[tilespmem:s29], [sflag:$0x3] =	stream.linear.gather [hbm4b:s8+s4], $0x50, $0x38;
	[tilespmem:$0xF280] =	vst v63  }
0x37: {  	s9 =	rddreg [dreg:$0x12];
	s28 =	simm.s32 $0x1E0  }
0x38: {  	[tilespmem:s28], [sflag:$0x3] =	stream.linear.gather [hbm4b:s9+s4], $0x50, $0x38;
	[tilespmem:$0xF280] =	vst v63  }
0x39: {  	s11 =	rddreg [dreg:$0x13];
	s1 =	simm.s32 $0xF0  }
0x3a: {  	[tilespmem:s1], [sflag:$0x4] =	stream.linear.gather [hbm4b:s11+s4], $0x50, $0x38;
	[tilespmem:$0xF280] =	vst v63  }
0x3b: {  	s13 =	rddreg [dreg:$0x14];
	s30 =	simm.s32 $0x230  }
0x3c: {  	[tilespmem:s30], [sflag:$0x4] =	stream.linear.gather [hbm4b:s13+s4], $0x50, $0x38;
	[tilespmem:$0xF280] =	vst v63  }
0x3d: {  	_ =	swait.ge [sflag:s0], $0x50  }
0x3e: {  	[sflag:s0] =	ssyncset.done $0x0  }
0x3f: {  	[sflag:s0] =	ssyncadd.s32 $0xFFFFFFB0  }
0x40: {  	_ =	swait.ge [sflag:s0], $0x50  }
0x41: {  	[sflag:s0] =	ssyncset.done $0x0  }
0x42: {  	s8 =	simm.s32 $0x280;
	[sflag:s0] =	ssyncadd.s32 $0xFFFFFFB0  }
0x43: {  	[tilespmem:s8], [sflag:$0x5] =	stream.indirect.gather [hbm4b:s2+s25], $0x40, s4, s25, $0xb8;
	[tilespmem:$0xF280] =	vst v63  }
0x44: {  	_ =	swait.ge [sflag:s7], $0x50  }
0x45: {  	[sflag:s7] =	ssyncset.done $0x0  }
0x46: {  	[sflag:s7] =	ssyncadd.s32 $0xFFFFFFB0  }
0x47: {  	_ =	swait.ge [sflag:s7], $0x50  }
0x48: {  	[sflag:s7] =	ssyncset.done $0x0  }
0x49: {  	s11 =	simm.s32 $0x1680;
	[sflag:s7] =	ssyncadd.s32 $0xFFFFFFB0  }
0x4a: {  	[tilespmem:s11], [sflag:$0x6] =	stream.indirect.gather [hbm4b:s2+s25], $0x40, s25, s25, $0xb8;
	[tilespmem:$0xF280] =	vst v63  }
0x4b: {  	_ =	swait.ge [sflag:s10], $0x50  }
0x4c: {  	[sflag:s10] =	ssyncset.done $0x0  }
0x4d: {  	[sflag:s10] =	ssyncadd.s32 $0xFFFFFFB0  }
0x4e: {  	_ =	swait.ge [sflag:s10], $0x50  }
0x4f: {  	[sflag:s10] =	ssyncset.done $0x0  }
0x50: {  	s13 =	simm.s32 $0x2A80;
	[sflag:s10] =	ssyncadd.s32 $0xFFFFFFB0  }
0x51: {  	[tilespmem:s13], [sflag:$0x7] =	stream.indirect.gather [hbm4b:s2+s25], $0x40, s29, s25, $0xb8;
	[tilespmem:$0xF280] =	vst v63  }
0x52: {  	_ =	swait.ge [sflag:s12], $0x50  }
0x53: {  	[sflag:s12] =	ssyncset.done $0x0  }
0x54: {  	[sflag:s12] =	ssyncadd.s32 $0xFFFFFFB0  }
0x55: {  	_ =	swait.ge [sflag:s12], $0x50  }
0x56: {  	[sflag:s12] =	ssyncset.done $0x0  }
0x57: {  	s14 =	simm.s32 $0x3E80;
	s22 =	simm.s32 $0x5;
	[sflag:s12] =	ssyncadd.s32 $0xFFFFFFB0  }
0x58: {  	[tilespmem:s14], [sflag:$0x8] =	stream.indirect.gather [hbm4b:s2+s25], $0x40, s1, s25, $0xb8;
	[tilespmem:$0xF280] =	vst v63  }
0x59: {  	_ =	swait.ge [sflag:s22], $0x1400  }
0x5a: {  	[sflag:s22] =	ssyncset.done $0x0  }
0x5b: {  	[sflag:s22] =	ssyncadd.s32 $0xFFFFEC00  }
0x5c: {  	[spmem:s3] =	stream.indirect.scatter.add.bf16 [tilespmem:s8], [sflag:$0x9], $0x40, s23, s25, $0xb8;
	[tilespmem:$0xF280] =	vst v63  }
0x5d: {  	_ =	swait.ge [sflag:s15], $0x1400  }
0x5e: {  	[sflag:s15] =	ssyncset.done $0x0  }
0x5f: {  	[sflag:s15] =	ssyncadd.s32 $0xFFFFEC00  }
0x60: {  	[spmem:s3] =	stream.indirect.scatter.add.bf16 [tilespmem:s11], [sflag:$0xA], $0x40, s24, s25, $0xb8;
	[tilespmem:$0xF280] =	vst v63  }
0x61: {  	_ =	swait.ge [sflag:s16], $0x1400  }
0x62: {  	[sflag:s16] =	ssyncset.done $0x0  }
0x63: {  	[sflag:s16] =	ssyncadd.s32 $0xFFFFEC00  }
0x64: {  	[spmem:s3] =	stream.indirect.scatter.add.bf16 [tilespmem:s13], [sflag:$0xB], $0x40, s28, s25, $0xb8;
	[tilespmem:$0xF280] =	vst v63  }
0x65: {  	_ =	swait.ge [sflag:s17], $0x1400  }
0x66: {  	[sflag:s17] =	ssyncset.done $0x0  }
0x67: {  	[sflag:s17] =	ssyncadd.s32 $0xFFFFEC00  }
0x68: {  	[spmem:s3] =	stream.indirect.scatter.add.bf16 [tilespmem:s14], [sflag:$0xC], $0x40, s30, s25, $0xb8;
	[tilespmem:$0xF280] =	vst v63  }
0x69: {  	_ =	swait.ge [sflag:s18], $0x1400  }
0x6a: {  	s5 =	rddreg [dreg:$0x19]  }
0x6b: {  	[sflag:s18] =	ssyncset.done $0x0;
	s31 =	sshrl.u32 s5, $0x3  }
0x6c: {  	[sflag:s18] =	ssyncadd.s32 $0xFFFFEC00;
	s14 =	sadd.s32 s6, s31  }
0x6d: {  	[tilespmem:s4], [sflag:$0x1] =	stream.linear.gather [hbm4b:s14+s4], $0x50, $0x38;
	[tilespmem:$0xF280] =	vst v63  }
0x6e: {  	s9 =	sadd.s32 s26, s31  }
0x6f: {  	[tilespmem:s23], [sflag:$0x1] =	stream.linear.gather [hbm4b:s9+s4], $0x50, $0x38;
	[tilespmem:$0xF280] =	vst v63  }
0x70: {  	_ =	swait.ge [sflag:s19], $0x1400  }
0x71: {  	s31 =	rddreg [dreg:$0x9];
	[sflag:s19] =	ssyncset.done $0x0  }
0x72: {  	s14 =	rddreg [dreg:$0x8];
	[sflag:s19] =	ssyncadd.s32 $0xFFFFEC00;
	s9 =	sadd.s32 $0x0, s31  }
0x73: {  	[tilespmem:s25], [sflag:$0x2] =	stream.linear.gather [hbm4b:s9+s4], $0x50, $0x38;
	[tilespmem:$0xF280] =	vst v63  }
0x74: {  	s23 =	sadd.s32 $0x0, s14  }
0x75: {  	[tilespmem:s24], [sflag:$0x2] =	stream.linear.gather [hbm4b:s23+s4], $0x50, $0x38;
	[tilespmem:$0xF280] =	vst v63  }
0x76: {  	_ =	swait.ge [sflag:s20], $0x1400  }
0x77: {  	s31 =	rddreg [dreg:$0x7];
	[sflag:s20] =	ssyncset.done $0x0  }
0x78: {  	s14 =	rddreg [dreg:$0x6];
	[sflag:s20] =	ssyncadd.s32 $0xFFFFEC00;
	s9 =	sadd.s32 $0x0, s31  }
0x79: {  	[tilespmem:s29], [sflag:$0x3] =	stream.linear.gather [hbm4b:s9+s4], $0x50, $0x38;
	[tilespmem:$0xF280] =	vst v63  }
0x7a: {  	s23 =	sadd.s32 $0x0, s14  }
0x7b: {  	[tilespmem:s28], [sflag:$0x3] =	stream.linear.gather [hbm4b:s23+s4], $0x50, $0x38;
	[tilespmem:$0xF280] =	vst v63  }
0x7c: {  	_ =	swait.ge [sflag:s21], $0x1400  }
0x7d: {  	s24 =	rddreg [dreg:$0x5];
	[sflag:s21] =	ssyncset.done $0x0  }
0x7e: {  	s28 =	rddreg [dreg:$0x4];
	[sflag:s21] =	ssyncadd.s32 $0xFFFFEC00;
	s9 =	sadd.s32 $0x0, s24  }
0x7f: {  	[tilespmem:s1], [sflag:$0x4] =	stream.linear.gather [hbm4b:s9+s4], $0x50, $0x38;
	[tilespmem:$0xF280] =	vst v63  }
0x80: {  	s31 =	sadd.s32 $0x0, s28  }
0x81: {  	[tilespmem:s30], [sflag:$0x4] =	stream.linear.gather [hbm4b:s31+s4], $0x50, $0x38;
	[tilespmem:$0xF280] =	vst v63  }
0x82: {  	_ =	swait.ge [sflag:s0], $0x50  }
0x83: {  	[sflag:s0] =	ssyncset.done $0x0  }
0x84: {  	[sflag:s0] =	ssyncadd.s32 $0xFFFFFFB0  }
0x85: {  	_ =	swait.ge [sflag:s0], $0x50  }
0x86: {  	[sflag:s0] =	ssyncset.done $0x0  }
0x87: {  	[sflag:s0] =	ssyncadd.s32 $0xFFFFFFB0  }
0x88: {  	[tilespmem:s8], [sflag:$0x5] =	stream.indirect.gather [hbm4b:s2+s25], $0x40, s4, s25, $0xb8;
	[tilespmem:$0xF280] =	vst v63  }
0x89: {  	_ =	swait.ge [sflag:s7], $0x50  }
0x8a: {  	[sflag:s7] =	ssyncset.done $0x0  }
0x8b: {  	[sflag:s7] =	ssyncadd.s32 $0xFFFFFFB0  }
0x8c: {  	_ =	swait.ge [sflag:s7], $0x50  }
0x8d: {  	[sflag:s7] =	ssyncset.done $0x0  }
0x8e: {  	[sflag:s7] =	ssyncadd.s32 $0xFFFFFFB0  }
0x8f: {  	[tilespmem:s11], [sflag:$0x6] =	stream.indirect.gather [hbm4b:s2+s25], $0x40, s25, s25, $0xb8;
	[tilespmem:$0xF280] =	vst v63  }
0x90: {  	_ =	swait.ge [sflag:s10], $0x50  }
0x91: {  	[sflag:s10] =	ssyncset.done $0x0  }
0x92: {  	[sflag:s10] =	ssyncadd.s32 $0xFFFFFFB0  }
0x93: {  	_ =	swait.ge [sflag:s10], $0x50  }
0x94: {  	[sflag:s10] =	ssyncset.done $0x0  }
0x95: {  	[sflag:s10] =	ssyncadd.s32 $0xFFFFFFB0  }
0x96: {  	[tilespmem:s13], [sflag:$0x7] =	stream.indirect.gather [hbm4b:s2+s25], $0x40, s29, s25, $0xb8;
	[tilespmem:$0xF280] =	vst v63  }
0x97: {  	_ =	swait.ge [sflag:s12], $0x50  }
0x98: {  	[sflag:s12] =	ssyncset.done $0x0  }
0x99: {  	[sflag:s12] =	ssyncadd.s32 $0xFFFFFFB0  }
0x9a: {  	_ =	swait.ge [sflag:s12], $0x50  }
0x9b: {  	[sflag:s12] =	ssyncset.done $0x0  }
0x9c: {  	s22 =	sadd.s32 $0x140, s5;
	s23 =	simm.s32 $0x28;
	[sflag:s12] =	ssyncadd.s32 $0xFFFFFFB0  }
.LBB2_2:
0x9d: {  	s1 =	simm.s32 $0xF0;
	s5 =	simm.s32 $0x3E80;
	s8 =	simm.s32 $0x5  }
0x9e: {  	[tilespmem:s5], [sflag:$0x8] =	stream.indirect.gather [hbm4b:s2+s25], $0x40, s1, s25, $0xb8;
	[tilespmem:$0xF280] =	vst v63  }
0x9f: {  	_ =	swait.ge [sflag:s8], $0x1400  }
0xa0: {  	[sflag:s8] =	ssyncset.done $0x0  }
0xa1: {  	s28 =	simm.s32 $0x140;
	s11 =	simm.s32 $0x280;
	[sflag:s8] =	ssyncadd.s32 $0xFFFFEC00  }
0xa2: {  	[spmem:s3] =	stream.indirect.scatter.add.bf16 [tilespmem:s11], [sflag:$0x9], $0x40, s28, s25, $0xb8;
	[tilespmem:$0xF280] =	vst v63  }
0xa3: {  	_ =	swait.ge [sflag:s15], $0x1400  }
0xa4: {  	[sflag:s15] =	ssyncset.done $0x0  }
0xa5: {  	s29 =	simm.s32 $0x190;
	s13 =	simm.s32 $0x1680;
	[sflag:s15] =	ssyncadd.s32 $0xFFFFEC00  }
0xa6: {  	[spmem:s3] =	stream.indirect.scatter.add.bf16 [tilespmem:s13], [sflag:$0xA], $0x40, s29, s25, $0xb8;
	[tilespmem:$0xF280] =	vst v63  }
0xa7: {  	_ =	swait.ge [sflag:s16], $0x1400  }
0xa8: {  	[sflag:s16] =	ssyncset.done $0x0  }
0xa9: {  	s31 =	simm.s32 $0x1E0;
	s14 =	simm.s32 $0x2A80;
	[sflag:s16] =	ssyncadd.s32 $0xFFFFEC00  }
0xaa: {  	[spmem:s3] =	stream.indirect.scatter.add.bf16 [tilespmem:s14], [sflag:$0xB], $0x40, s31, s25, $0xb8;
	[tilespmem:$0xF280] =	vst v63  }
0xab: {  	_ =	swait.ge [sflag:s17], $0x1400  }
0xac: {  	[sflag:s17] =	ssyncset.done $0x0  }
0xad: {  	s8 =	simm.s32 $0x230;
	[sflag:s17] =	ssyncadd.s32 $0xFFFFEC00  }
0xae: {  	[spmem:s3] =	stream.indirect.scatter.add.bf16 [tilespmem:s5], [sflag:$0xC], $0x40, s8, s25, $0xb8;
	[tilespmem:$0xF280] =	vst v63  }
0xaf: {  	_ =	swait.ge [sflag:s18], $0x1400  }
0xb0: {  	s5 =	sshrl.u32 s22, $0x3;
	[sflag:s18] =	ssyncset.done $0x0  }
0xb1: {  	s24 =	smov.u32 s6;
	s6 =	sadd.s32 s6, s5;
	[sflag:s18] =	ssyncadd.s32 $0xFFFFEC00  }
0xb2: {  	[tilespmem:s4], [sflag:$0x1] =	stream.linear.gather [hbm4b:s6+s4], $0x50, $0x38;
	[tilespmem:$0xF280] =	vst v63  }
0xb3: {  	s5 =	sadd.s32 s26, s5  }
0xb4: {  	[tilespmem:s28], [sflag:$0x1] =	stream.linear.gather [hbm4b:s5+s4], $0x50, $0x38;
	[tilespmem:$0xF280] =	vst v63  }
0xb5: {  	_ =	swait.ge [sflag:s19], $0x1400  }
0xb6: {  	s9 =	smov.u32 s23;
	s5 =	rddreg [dreg:$0x9];
	[sflag:s19] =	ssyncset.done $0x0  }
0xb7: {  	s6 =	rddreg [dreg:$0x8];
	[sflag:s19] =	ssyncadd.s32 $0xFFFFEC00;
	s5 =	sadd.s32 s9, s5  }
0xb8: {  	[tilespmem:s25], [sflag:$0x2] =	stream.linear.gather [hbm4b:s5+s4], $0x50, $0x38;
	[tilespmem:$0xF280] =	vst v63  }
0xb9: {  	s6 =	sadd.s32 s9, s6  }
0xba: {  	[tilespmem:s29], [sflag:$0x2] =	stream.linear.gather [hbm4b:s6+s4], $0x50, $0x38;
	[tilespmem:$0xF280] =	vst v63  }
0xbb: {  	_ =	swait.ge [sflag:s20], $0x1400  }
0xbc: {  	s29 =	simm.s32 $0xA0;
	s5 =	rddreg [dreg:$0x7];
	[sflag:s20] =	ssyncset.done $0x0  }
0xbd: {  	s6 =	rddreg [dreg:$0x6];
	[sflag:s20] =	ssyncadd.s32 $0xFFFFEC00;
	s5 =	sadd.s32 s9, s5  }
0xbe: {  	[tilespmem:s29], [sflag:$0x3] =	stream.linear.gather [hbm4b:s5+s4], $0x50, $0x38;
	[tilespmem:$0xF280] =	vst v63  }
0xbf: {  	s6 =	sadd.s32 s9, s6  }
0xc0: {  	[tilespmem:s31], [sflag:$0x3] =	stream.linear.gather [hbm4b:s6+s4], $0x50, $0x38;
	[tilespmem:$0xF280] =	vst v63  }
0xc1: {  	_ =	swait.ge [sflag:s21], $0x1400  }
0xc2: {  	s5 =	rddreg [dreg:$0x5];
	[sflag:s21] =	ssyncset.done $0x0  }
0xc3: {  	s6 =	rddreg [dreg:$0x4];
	[sflag:s21] =	ssyncadd.s32 $0xFFFFEC00;
	s5 =	sadd.s32 s9, s5  }
0xc4: {  	[tilespmem:s1], [sflag:$0x4] =	stream.linear.gather [hbm4b:s5+s4], $0x50, $0x38;
	[tilespmem:$0xF280] =	vst v63  }
0xc5: {  	s9 =	sadd.s32 s9, s6  }
0xc6: {  	[tilespmem:s8], [sflag:$0x4] =	stream.linear.gather [hbm4b:s9+s4], $0x50, $0x38;
	[tilespmem:$0xF280] =	vst v63  }
0xc7: {  	_ =	swait.ge [sflag:s0], $0x50  }
0xc8: {  	[sflag:s0] =	ssyncset.done $0x0  }
0xc9: {  	[sflag:s0] =	ssyncadd.s32 $0xFFFFFFB0  }
0xca: {  	_ =	swait.ge [sflag:s0], $0x50  }
0xcb: {  	[sflag:s0] =	ssyncset.done $0x0  }
0xcc: {  	[sflag:s0] =	ssyncadd.s32 $0xFFFFFFB0  }
0xcd: {  	[tilespmem:s11], [sflag:$0x5] =	stream.indirect.gather [hbm4b:s2+s25], $0x40, s4, s25, $0xb8;
	[tilespmem:$0xF280] =	vst v63  }
0xce: {  	_ =	swait.ge [sflag:s7], $0x50  }
0xcf: {  	[sflag:s7] =	ssyncset.done $0x0  }
0xd0: {  	[sflag:s7] =	ssyncadd.s32 $0xFFFFFFB0  }
0xd1: {  	_ =	swait.ge [sflag:s7], $0x50  }
0xd2: {  	[sflag:s7] =	ssyncset.done $0x0  }
0xd3: {  	[sflag:s7] =	ssyncadd.s32 $0xFFFFFFB0  }
0xd4: {  	[tilespmem:s13], [sflag:$0x6] =	stream.indirect.gather [hbm4b:s2+s25], $0x40, s25, s25, $0xb8;
	[tilespmem:$0xF280] =	vst v63  }
0xd5: {  	_ =	swait.ge [sflag:s10], $0x50  }
0xd6: {  	[sflag:s10] =	ssyncset.done $0x0  }
0xd7: {  	[sflag:s10] =	ssyncadd.s32 $0xFFFFFFB0  }
0xd8: {  	_ =	swait.ge [sflag:s10], $0x50  }
0xd9: {  	[sflag:s10] =	ssyncset.done $0x0  }
0xda: {  	[sflag:s10] =	ssyncadd.s32 $0xFFFFFFB0  }
0xdb: {  	[tilespmem:s14], [sflag:$0x7] =	stream.indirect.gather [hbm4b:s2+s25], $0x40, s29, s25, $0xb8;
	[tilespmem:$0xF280] =	vst v63  }
0xdc: {  	p0 =	sne.s32 s23, $0x488;
	_ =	swait.ge [sflag:s12], $0x50  }
.Ltmp0:
0xdd: {  	s23 =	sadd.s32 $0x28, s23;
	[sflag:s12] =	ssyncset.done $0x0;
	(pc) =	sbr.rel @p0 .LBB2_2-.Ltmp0, $4  }
0xde: {  	s30 =	simm.s32 $0x1E0;
	s22 =	sadd.s32 $0x140, s22;
	[sflag:s12] =	ssyncadd.s32 $0xFFFFFFB0  }
0xdf: {  	s28 =	simm.s32 $0x190;
	s31 =	simm.s32 $0xF0;
	_ =	swait.ge [sflag:s12], $0x50  }
0xe0: {  	s6 =	smov.u32 s24;
	s1 =	simm.s32 $0x230;
	[sflag:s12] =	ssyncset.done $0x0  }
0xe1: {  	s5 =	simm.s32 $0x1680;
	s11 =	simm.s32 $0x2A80;
	[sflag:s12] =	ssyncadd.s32 $0xFFFFFFB0  }
0xe2: {  	s13 =	simm.s32 $0x3E80;
	s14 =	simm.s32 $0x5  }
0xe3: {  	[tilespmem:s13], [sflag:$0x8] =	stream.indirect.gather [hbm4b:s2+s25], $0x40, s31, s25, $0xb8;
	[tilespmem:$0xF280] =	vst v63  }
0xe4: {  	_ =	swait.ge [sflag:s14], $0x1400  }
0xe5: {  	[sflag:s14] =	ssyncset.done $0x0  }
0xe6: {  	s9 =	simm.s32 $0x140;
	s8 =	simm.s32 $0x280;
	[sflag:s14] =	ssyncadd.s32 $0xFFFFEC00  }
0xe7: {  	[spmem:s3] =	stream.indirect.scatter.add.bf16 [tilespmem:s8], [sflag:$0x9], $0x40, s9, s25, $0xb8;
	[tilespmem:$0xF280] =	vst v63  }
0xe8: {  	_ =	swait.ge [sflag:s15], $0x1400  }
0xe9: {  	[sflag:s15] =	ssyncset.done $0x0  }
0xea: {  	[sflag:s15] =	ssyncadd.s32 $0xFFFFEC00  }
0xeb: {  	[spmem:s3] =	stream.indirect.scatter.add.bf16 [tilespmem:s5], [sflag:$0xA], $0x40, s28, s25, $0xb8;
	[tilespmem:$0xF280] =	vst v63  }
0xec: {  	_ =	swait.ge [sflag:s16], $0x1400  }
0xed: {  	[sflag:s16] =	ssyncset.done $0x0  }
0xee: {  	[sflag:s16] =	ssyncadd.s32 $0xFFFFEC00  }
0xef: {  	[spmem:s3] =	stream.indirect.scatter.add.bf16 [tilespmem:s11], [sflag:$0xB], $0x40, s30, s25, $0xb8;
	[tilespmem:$0xF280] =	vst v63  }
0xf0: {  	_ =	swait.ge [sflag:s17], $0x1400  }
0xf1: {  	[sflag:s17] =	ssyncset.done $0x0  }
0xf2: {  	[sflag:s17] =	ssyncadd.s32 $0xFFFFEC00  }
0xf3: {  	[spmem:s3] =	stream.indirect.scatter.add.bf16 [tilespmem:s13], [sflag:$0xC], $0x40, s1, s25, $0xb8;
	[tilespmem:$0xF280] =	vst v63  }
0xf4: {  	_ =	swait.ge [sflag:s18], $0x1400  }
0xf5: {  	[sflag:s18] =	ssyncset.done $0x0  }
0xf6: {  	s22 =	rddreg [dreg:$0x15];
	[sflag:s18] =	ssyncadd.s32 $0xFFFFEC00  }
0xf7: {  	[tilespmem:s4], [sflag:$0x1] =	stream.linear.gather [hbm4b:s22+s4], $0x50, $0x38;
	[tilespmem:$0xF280] =	vst v63  }
0xf8: {  	s23 =	rddreg [dreg:$0x16]  }
0xf9: {  	[tilespmem:s9], [sflag:$0x1] =	stream.linear.gather [hbm4b:s23+s4], $0x50, $0x38;
	[tilespmem:$0xF280] =	vst v63  }
0xfa: {  	_ =	swait.ge [sflag:s0], $0x50  }
0xfb: {  	[sflag:s0] =	ssyncset.done $0x0  }
0xfc: {  	[sflag:s0] =	ssyncadd.s32 $0xFFFFFFB0  }
0xfd: {  	_ =	swait.ge [sflag:s0], $0x50  }
0xfe: {  	[sflag:s0] =	ssyncset.done $0x0  }
0xff: {  	[sflag:s0] =	ssyncadd.s32 $0xFFFFFFB0  }
0x100: {  	[tilespmem:s8], [sflag:$0x5] =	stream.indirect.gather [hbm4b:s2+s25], $0x40, s4, s25, $0xb8;
	[tilespmem:$0xF280] =	vst v63  }
0x101: {  	_ =	swait.ge [sflag:s14], $0x1400  }
0x102: {  	[sflag:s14] =	ssyncset.done $0x0  }
0x103: {  	[sflag:s14] =	ssyncadd.s32 $0xFFFFEC00  }
0x104: {  	[spmem:s3] =	stream.indirect.scatter.add.bf16 [tilespmem:s8], [sflag:$0x9], $0x40, s9, s25, $0xb8;
	[tilespmem:$0xF280] =	vst v63  }
0x105: {  	_ =	swait.ge [sflag:s18], $0x1400  }
0x106: {  	[sflag:s18] =	ssyncset.done $0x0  }
0x107: {  	[sflag:s18] =	ssyncadd.s32 $0xFFFFEC00  }
0x108: {  	_ =	swait.ge [sflag:s19], $0x1400  }
0x109: {  	[sflag:s19] =	ssyncset.done $0x0  }
0x10a: {  	[sflag:s19] =	ssyncadd.s32 $0xFFFFEC00  }
0x10b: {  	_ =	swait.ge [sflag:s20], $0x1400  }
0x10c: {  	[sflag:s20] =	ssyncset.done $0x0  }
0x10d: {  	[sflag:s20] =	ssyncadd.s32 $0xFFFFEC00  }
0x10e: {  	_ =	swait.ge [sflag:s21], $0x1400  }
0x10f: {  	[sflag:s21] =	ssyncset.done $0x0  }
0x110: {  	[sflag:s21] =	ssyncadd.s32 $0xFFFFEC00  }
0x111: {  	[bflag:$0x0] =	sbarrier.arrive $0xFFFF  }
0x112: {  	s22 =	rddreg [dreg:$0xc]  }
0x113: {  	s24 =	rddreg [dreg:$0x17]  }
0x114: {  	s9 =	simm.s32 $0xD;
	s28 =	rddreg [dreg:$0x1b]  }
0x115: {  	[hbm:s24], [sflag:s22] =	dma.local [spmem:s28], $0x1400  }
0x116: {  	_ =	swait.ge [sflag:s9], $0x1400  }
0x117: {  	s30 =	rddreg [dreg:$0x1a]  }
0x118: {  	s31 =	rddreg [dreg:$0x18];
	s1 =	sadd.s32 $0x1, s30  }
0x119: {  	p0 =	sne.s32 s1, s31  }
.Ltmp1:
0x11a: {  	_ = 	snop;
	(pc) =	sbr.rel @p0 .LBB2_1-.Ltmp1, $3  }
0x11b: {  	_ =	sdelay $0x1  }
0x11c: {  	[sflag:s9] =	ssyncset.done $0x0  }
0x11d: {  	[sflag:s9] =	ssyncadd.s32 $0xFFFFEC00  }
0x11e: {  	_ =	sfence.sel $0x180000  }
0x11f: {  	[bflag:$0x0] =	sbarrier.arrive $0xFFFF  }
0x120: {  	_ =	strace $0x9000004A  }
0x121: {  	s0 =	stileid.u32;
	[bflag:$0x2] =	sbarrier.arrive $0xFFFF  }
0x122: {  	p0 =	sne.s32 s0, $0x0;
	s0 =	rddreg [dreg:$0x3]  }
0x123: {  	s0 =	sadd.s32 @!p0 $0x100000, s0  }
0x124: {  	[sflag:s0] =	ssyncadd.tile.s32 @!p0 $0x1;
	_ =	shalt  }
.Lfunc_end2:
_tile_overlayer_lowered:
.L_overlay_start_2:
0x125: {  	(tag) =	ssettag $0x2  }
0x126: {  	s0 =	rddreg [dreg:$0x0];
	s2 =	stileid.u32  }
0x127: {  	s1 =	rddreg [dreg:$0x1];
	p0 =	sne.s32 s2, $0x0  }
0x128: {  	s3 =	rddreg [dreg:$0x2];
	[bflag:$0x3] =	sbarrier.arrive $0xFFFF;
	s2 =	simm.s32 @!p0 $0x1C0D  }
0x129: {  	[timem:s3], [sflag:s2] =	dma.local @!p0 [hbm:s0], s1  }
0x12a: {  	s0 =	simm.s32 @!p0 $0xD  }
0x12b: {  	_ =	swait.ge @!p0 [sflag:s0], s1  }
0x12c: {  	s1 =	ssub.s32 @!p0 $0x0, s1;
	[sflag:s0] =	ssyncset.done @!p0 $0x0  }
0x12d: {  	[sflag:s0] =	ssyncadd.s32 @!p0 s1  }
0x12e: {  	[bflag:$0x3] =	sbarrier.arrive $0xFFFF  }
0x12f: {  	_ =	shalt  }

// kernel: kernel.15.cloned.1.call-start
scs
__scs_entry_jumppad:
0x0: {  	(pc) =	sbr.rel $0x88, $3  }
0x1: {  	(tag) =	ssettag $0x0;
	lr =	simm.s32 $0x1  }
0x2: {  	[smem:$0x3F99] =	sst lr;
	_ =	strace $0xD0000000  }
0x3: {  	_ = 	snop  }
0x4: {  	_ = 	snop  }
0x5: {  	_ = 	snop  }
0x6: {  	_ = 	snop  }
0x7: {  	_ = 	snop  }
__scs_overlays_trampoline_lowered:
0x8: {  	[smem:$0x3FA8] =	sst s0  }
0x9: {  	[smem:$0x3FA9] =	sst s1  }
0xa: {  	[smem:$0x3FAA] =	sst s2  }
0xb: {  	[smem:$0x3FAB] =	sst s3  }
0xc: {  	[smem:$0x3FAC] =	sst s4  }
0xd: {  	[smem:$0x3FAD] =	sst s5  }
0xe: {  	[smem:$0x3FAE] =	sst s6  }
0xf: {  	[smem:$0x3FAF] =	sst s7  }
0x10: {  	[smem:$0x3FB0] =	sst s8  }
0x11: {  	[smem:$0x3FB1] =	sst s9;
	s0 =	simm.s32 @!p0 $0x0  }
0x12: {  	s1 =	sld [smem:$0x3F97];
	s0 =	simm.s32 @p0 $0x1  }
0x13: {  	[smem:$0x3FB2] =	sst s0;
	s0 =	simm.s32 @!p1 $0x0  }
0x14: {  	s2 =	sld [smem:$0x3F96];
	s0 =	simm.s32 @p1 $0x1  }
0x15: {  	[smem:$0x3FB3] =	sst s0;
	s0 =	simm.s32 @!p2 $0x0  }
0x16: {  	s3 =	sld [smem:$0x3FDB];
	s0 =	simm.s32 @p2 $0x1  }
0x17: {  	s4 =	simm.s32 $0x1BF5;
	[smem:$0x3FB5] =	sst s0  }
0x18: {  	s0 =	sld [smem:$0x3F98];
	_ =	swait.ge [sflag:s4], $0x0  }
0x19: {  	s7 =	sld [smem:$0x3F99]  }
0x1a: {  	s8 =	sadd.s32 $0xFFFFE003, lr  }
0x1b: {  	s9 =	sadd.s32 $0xFFFFFEF7, lr;
	s5 =	simm.s32 $0xFFFFFFFF;
	p2 =	slt.u32 s8, $0xFFFFF086  }
0x1c: {  	p1 =	slt.u32 s9, $0xF7A;
	s5 =	simm.s32 @!p2 $0x0  }
0x1d: {  	s5 =	simm.s32 @p1 $0x1;
	p0 =	seq.s32 s7, s2  }
0x1e: {  	s7 =	smul.u32 @!p0 $0xF7A, s2;
	p2 =	seq.s32 @!p0 s5, $0x0  }
0x1f: {  	s9 =	smul.u32 $0xF7A, s1;
	s8 =	simm.s32 @!p0 $0x1BF5;
	p2 =	por !p2, p0  }
0x20: {  	[sflag:s8] =	ssyncset.s32 @!p0 $0xFFFFF086;
	s6 =	sadd.s32 @!p0 s3, s7;
	s7 =	simm.s32 @!p0 $0x108  }
0x21: {  	s3 =	sadd.s32 s3, s9;
	s6 =	sadd.s32 @!p0 $0x88, s6;
	s7 =	simm.s32 @p2 $0x1082  }
0x22: {  	[simem:s7], [sflag:s8] =	dma.local @!p0 [hbm:s6], $0xF7A  }
0x23: {  	s9 =	sor.u32 $0xD0000000, s2;
	s6 =	simm.s32 $0x108;
	_ =	swait.ge @!p0 [sflag:s8], $0x0  }
0x24: {  	s3 =	sadd.s32 $0x88, s3;
	s6 =	simm.s32 @!p1 $0x1082;
	[sflag:s4] =	ssyncset.s32 $0xFFFFF086  }
0x25: {  	[simem:s6], [sflag:s4] =	dma.local [hbm:s3], $0xF7A  }
0x26: {  	[smem:$0x3F99] =	sst s1;
	(tag) =	ssettag s2;
	_ =	strace s9  }
0x27: {  	s1 =	sld [smem:$0x3FA9]  }
0x28: {  	s2 =	sld [smem:$0x3FAA]  }
0x29: {  	s4 =	sld [smem:$0x3FAC]  }
0x2a: {  	p0 =	seq.s32 s5, $0x0;
	s5 =	sld [smem:$0x3FAD]  }
0x2b: {  	s6 =	sld [smem:$0x3FAE]  }
0x2c: {  	s7 =	sld [smem:$0x3FAF]  }
0x2d: {  	s3 =	simm.s32 $0x108;
	s8 =	sld [smem:$0x3FB0]  }
0x2e: {  	s3 =	simm.s32 @!p0 $0x1082;
	s9 =	sld [smem:$0x3FB1]  }
0x2f: {  	lr =	sadd.s32 s0, s3;
	s0 =	sld [smem:$0x3FA8]  }
0x30: {  	s3 =	sld [smem:$0x3FAB]  }
0x31: {  	[smem:$0x3FB4] =	sst s10  }
0x32: {  	s10 =	sld [smem:$0x3FB2];
	_ =	sdelay $0x3  }
0x33: {  	p0 =	seq.s32 s10, $0x1;
	s10 =	sld [smem:$0x3FB4];
	_ =	sdelay $0x3  }
0x34: {  	[smem:$0x3FB4] =	sst s10  }
0x35: {  	s10 =	sld [smem:$0x3FB3];
	_ =	sdelay $0x3  }
0x36: {  	p1 =	seq.s32 s10, $0x1;
	s10 =	sld [smem:$0x3FB4];
	_ =	sdelay $0x3  }
0x37: {  	[smem:$0x3FB4] =	sst s10  }
0x38: {  	s10 =	sld [smem:$0x3FB5]  }
0x39: {  	_ = 	snop;
	(pc) =	sbr.ind lr, $3  }
0x3a: {  	_ = 	snop  }
0x3b: {  	_ = 	snop  }
0x3c: {  	p2 =	seq.s32 s10, $0x1;
	s10 =	sld [smem:$0x3FB4]  }
0x3d: {  	_ =	shalt  }
0x3e: {  	_ =	shalt  }
0x3f: {  	_ =	shalt  }
0x40: {  	_ =	shalt  }
0x41: {  	_ =	shalt  }
0x42: {  	_ =	shalt  }
0x43: {  	_ =	shalt  }
0x44: {  	_ =	shalt  }
0x45: {  	_ =	shalt  }
0x46: {  	_ =	shalt  }
0x47: {  	_ =	shalt  }
0x48: {  	_ =	shalt  }
0x49: {  	_ =	shalt  }
0x4a: {  	_ =	shalt  }
0x4b: {  	_ =	shalt  }
0x4c: {  	_ =	shalt  }
0x4d: {  	_ =	shalt  }
0x4e: {  	_ =	shalt  }
0x4f: {  	_ =	shalt  }
0x50: {  	_ =	shalt  }
0x51: {  	_ =	shalt  }
0x52: {  	_ =	shalt  }
0x53: {  	_ =	shalt  }
0x54: {  	_ =	shalt  }
0x55: {  	_ =	shalt  }
0x56: {  	_ =	shalt  }
0x57: {  	_ =	shalt  }
0x58: {  	_ =	shalt  }
0x59: {  	_ =	shalt  }
0x5a: {  	_ =	shalt  }
0x5b: {  	_ =	shalt  }
0x5c: {  	_ =	shalt  }
0x5d: {  	_ =	shalt  }
0x5e: {  	_ =	shalt  }
0x5f: {  	_ =	shalt  }
0x60: {  	_ =	shalt  }
0x61: {  	_ =	shalt  }
0x62: {  	_ =	shalt  }
0x63: {  	_ =	shalt  }
0x64: {  	_ =	shalt  }
0x65: {  	_ =	shalt  }
0x66: {  	_ =	shalt  }
0x67: {  	_ =	shalt  }
0x68: {  	_ =	shalt  }
0x69: {  	_ =	shalt  }
0x6a: {  	_ =	shalt  }
0x6b: {  	_ =	shalt  }
0x6c: {  	_ =	shalt  }
0x6d: {  	_ =	shalt  }
0x6e: {  	_ =	shalt  }
0x6f: {  	_ =	shalt  }
0x70: {  	_ =	shalt  }
0x71: {  	_ =	shalt  }
0x72: {  	_ =	shalt  }
0x73: {  	_ =	shalt  }
0x74: {  	_ =	shalt  }
0x75: {  	_ =	shalt  }
0x76: {  	_ =	shalt  }
0x77: {  	_ =	shalt  }
0x78: {  	_ =	shalt  }
0x79: {  	_ =	shalt  }
0x7a: {  	_ =	shalt  }
0x7b: {  	_ =	shalt  }
0x7c: {  	_ =	shalt  }
0x7d: {  	_ =	shalt  }
0x7e: {  	_ =	shalt  }
0x7f: {  	_ =	shalt  }
0x80: {  	_ =	shalt  }
0x81: {  	_ =	shalt  }
0x82: {  	_ =	shalt  }
0x83: {  	_ =	shalt  }
0x84: {  	_ =	shalt  }
0x85: {  	_ =	shalt  }
0x86: {  	_ =	shalt  }
0x87: {  	_ =	shalt  }
.Lfunc_end0:
.L_simem_size_0:
called_computation.2_lowered:
.L_overlay_start_0:
0x88: {  	s2 =	sld [smem:$0x3FD9]  }
0x89: {  	s3 =	sld [smem:$0x3FFE];
	_ =	sdelay $0x1  }
0x8a: {  	s1 =	srdreg.scid  }
0x8b: {  	s0 =	sand.u32 $0x1, s1  }
0x8c: {  	s17 =	sshll.u32 s0, $0xA;
	s2 =	sadd.s32 s3, s2  }
0x8d: {  	s2 =	sadd.s32 s2, s17  }
0x8e: {  	[smem:$0x3FC0] =	sst s2  }
0x8f: {  	_ = 	snop  }
0x90: {  	s2 =	sld [smem:$0x3FD0];
	(tm) =	ssettm $0x1  }
0x91: {  	s18 =	sld [smem:$0x3FFB];
	_ =	sdelay $0x3  }
0x92: {  	_ =	strace s18  }
0x93: {  	s3 =	sld [smem:$0x3FFC];
	_ =	sdelay $0x3  }
0x94: {  	_ =	strace s3  }
0x95: {  	s3 =	sld [smem:$0x3FFD];
	_ =	sdelay $0x3  }
0x96: {  	_ =	strace s3  }
0x97: {  	_ =	strace $0x8FFFFFFF  }
0x98: {  	s19 =	sld [smem:$0x3FDB];
	_ =	sdelay $0x1  }
0x99: {  	s4 =	simm.s32 $_scs_section_size  }
0x9a: {  	s5 =	simm.s32 $_size__tile_overlayer_lowered;
	s6 =	simm.s32 $_tile_overlayer_lowered  }
0x9b: {  	s22 =	simm.s32 $0x1BFF;
	s21 =	sshll.u32 s6, $0x1;
	s3 =	sadd.s32 s4, s19  }
0x9c: {  	s7 =	simm.s32 $0x0;
	s20 =	sshll.u32 s5, $0x1;
	s5 =	sadd.s32 s21, s3  }
0x9d: {  	[timem:s7], [sflag:s22] =	dma.local [hbm:s5], s20  }
0x9e: {  	_ =	swait.ge [sflag:s22], s20  }
0x9f: {  	s4 =	ssub.s32 $0x0, s20;
	[sflag:s22] =	ssyncset.done $0x0  }
0xa0: {  	[sflag:s22] =	ssyncadd.s32 s4;
	_ =	sdelay $0x1  }
0xa1: {  	s23 =	simm.s32 $0x1B8B  }
0xa2: {  	_ =	swait.ge [sflag:s23], $0x1  }
0xa3: {  	[sflag:s23] =	ssyncset.done $0x0  }
0xa4: {  	s25 =	simm.s32 $0x1B8E;
	s24 =	sld [smem:$0x3FFE];
	[sflag:s23] =	ssyncadd.s32 $0xFFFFFFFF  }
0xa5: {  	s26 =	simm.s32 $execute0_lowered;
	[smem:$0x3FD2] =	sst s25  }
0xa6: {  	s5 =	sshll.u32 s26, $0x1;
	_ =	strace $0x8000004C;
	[dreg:$0x1] =	wrdreg $0xFFFFFFFF  }
0xa7: {  	s28 =	simm.s32 $_size_execute0_lowered;
	s3 =	sadd.s32 s3, s5;
	[dreg:$0x0] =	wrdreg $0x0  }
0xa8: {  	s5 =	sshll.u32 s28, $0x1;
	[dreg:$0x2] =	wrdreg s3  }
0xa9: {  	[dreg:$0x3] =	wrdreg s5  }
0xaa: {  	[dreg:$0x4] =	wrdreg $0xC0  }
0xab: {  	_ =	task [dreg:s7], $0x5FFFF  }
0xac: {  	[dreg:$0x1] =	wrdreg $0xFFFFFFFF  }
0xad: {  	[dreg:$0x0] =	wrdreg $0x60  }
0xae: {  	[dreg:$0x2] =	wrdreg s2  }
0xaf: {  	[dreg:$0x3] =	wrdreg s24  }
0xb0: {  	[dreg:$0x4] =	wrdreg $0x2A800  }
0xb1: {  	[dreg:$0x5] =	wrdreg $0x9  }
0xb2: {  	_ =	task.clear_ibuf [dreg:s7], $0x6FFFF;
	_ =	strace $0x9000004C  }
0xb3: {  	s29 =	simm.s32 $0x9;
	_ =	strace $0x8000004E  }
0xb4: {  	_ =	swait.ge [sflag:s29], $0x1  }
0xb5: {  	[sflag:s29] =	ssyncadd.s32 $0xFFFFFFFF  }
0xb6: {  	_ =	strace $0x9000004E  }
0xb7: {  	_ =	sfence  }
0xb8: {  	s30 =	sld [smem:$0x0];
	_ =	sdelay $0x2  }
0xb9: {  	s31 =	sshll.u32 s1, $0xD;
	s1 =	sshrl.u32 s1, $0x2  }
0xba: {  	s3 =	sand.u32 $0x4000, s31;
	s1 =	sadd.s32 s1, s30  }
0xbb: {  	s0 =	sor.u32 s3, s0;
	s1 =	sshll.u32 s1, $0x11  }
0xbc: {  	s0 =	sor.u32 s1, s0  }
0xbd: {  	s0 =	sadd.s32 $0x8F2B, s0  }
0xbe: {  	[sflag:s0] =	ssyncadd.remote.s32 $0x1  }
0xbf: {  	_ =	sfence.sel $0xFFFF  }
0xc0: {  	[dreg:$0x0] =	wrdreg $0xFFFFFFFF;
	(pc) =	sbr.abs _section_cstart, $3  }
0xc1: {  	[dreg:$0x1] =	wrdreg $0xFFFFFFFF  }
0xc2: {  	_ =	task.clear_ibuf [dreg:s7], $0x2FFFF;
	_ =	strace $0x9FFFFFFF  }
0xc3: {  	(tm) =	ssettm $0x7FFFFFFF  }
tec
execute0_lowered:
.L_overlay_start_1:
0x0: {  	(tag) =	ssettag $0x1  }
0x1: {  	s2 =	rddreg [dreg:$0x0]  }
0x2: {  	s0 =	rddreg [dreg:$0x1]  }
0x3: {  	s3 =	rddreg [dreg:$0x2]  }
0x4: {  	s5 =	stileid.u32;
	s1 =	srdreg.scid;
	s4 =	simm.s32 $0x0  }
0x5: {  	s29 =	simm.s32 $0xA0;
	s7 =	smul.u32 $0xA000, s5;
	s1 =	sand.u32 $0x1, s1  }
0x6: {  	[smem:$0x7FF] =	sst s4;
	s6 =	sadd.s32 $0xBA00, s0;
	s23 =	smul.u32 $0x2710, s5  }
0x7: {  	s26 =	sadd.s32 $0x1C00, s0;
	s17 =	sshll.u32 s5, $0x6;
	s8 =	smul.u32 $0xA0000, s1  }
0x8: {  	_ =	strace $0x8000004D;
	s10 =	sshll.u32 s1, $0x4;
	s16 =	ssub.s32 $0x2, s1  }
0x9: {  	s22 =	sor.u32 $0x1C0D, s17;
	s1 =	smul.u32 $0x27100, s1;
	s9 =	sshrl.u32 s7, $0x4  }
0xa: {  	s10 =	sor.u32 s5, s10;
	s11 =	sshrl.u32 s16, $0x1;
	[dreg:$0xc] =	wrdreg s22  }
0xb: {  	s8 =	sadd.s32 s7, s8;
	s9 =	sadd.s32 s9, s0;
	s10 =	smul.u32 $0x2710, s10  }
0xc: {  	s7 =	sshrl.u32 s7, $0x1;
	s1 =	sadd.s32 s23, s1;
	s8 =	sshrl.u32 s8, $0x4  }
0xd: {  	s7 =	sadd.s32 s7, s3;
	s9 =	sadd.s32 $0x78A00, s9;
	s17 =	sadd.s32 $0x1E0, s1  }
0xe: {  	s0 =	sadd.s32 s8, s0;
	[dreg:$0xa] =	wrdreg s7;
	s18 =	sshrl.u32 s10, $0x3  }
0xf: {  	s8 =	ssub.s32 s16, s11;
	[dreg:$0xb] =	wrdreg s9;
	s19 =	sadd.s32 s6, s18  }
0x10: {  	s11 =	sadd.s32 $0x230, s1;
	s20 =	sadd.s32 s26, s18;
	[dreg:$0xd] =	wrdreg s19  }
0x11: {  	s21 =	sadd.s32 $0xA, s18;
	s0 =	sadd.s32 $0x15800, s0;
	[dreg:$0xe] =	wrdreg s20  }
0x12: {  	s9 =	simm.s32 $0xD;
	s24 =	sadd.s32 s6, s21;
	[dreg:$0x17] =	wrdreg s0  }
0x13: {  	s10 =	sadd.s32 $0x14, s18;
	s25 =	sadd.s32 s26, s21;
	[dreg:$0xf] =	wrdreg s24  }
0x14: {  	s31 =	sadd.s32 $0x1E, s18;
	s28 =	sadd.s32 s6, s10;
	[dreg:$0x10] =	wrdreg s25  }
0x15: {  	s7 =	sadd.s32 $0x4D8, s18;
	s30 =	sadd.s32 s26, s10;
	[dreg:$0x11] =	wrdreg s28  }
0x16: {  	s14 =	sshrl.u32 s11, $0x3;
	s10 =	sadd.s32 s6, s31;
	[dreg:$0x12] =	wrdreg s30  }
0x17: {  	s12 =	sadd.s32 s26, s31;
	s13 =	sadd.s32 s6, s7;
	[dreg:$0x13] =	wrdreg s10  }
0x18: {  	s15 =	sadd.s32 s26, s7;
	s16 =	sadd.s32 s14, s26;
	[dreg:$0x14] =	wrdreg s12  }
0x19: {  	s18 =	sadd.s32 s14, s6;
	s19 =	sshrl.u32 s17, $0x3;
	[dreg:$0x15] =	wrdreg s13  }
0x1a: {  	s21 =	sadd.s32 $0x190, s1;
	s31 =	sadd.s32 $0x140, s1;
	[dreg:$0x16] =	wrdreg s15  }
0x1b: {  	s0 =	simm.s32 $0x1;
	s7 =	simm.s32 $0x2;
	[dreg:$0x4] =	wrdreg s16  }
0x1c: {  	s17 =	simm.s32 $0x8;
	s1 =	simm.s32 $0x0;
	[dreg:$0x5] =	wrdreg s18  }
0x1d: {  	s20 =	sadd.s32 s19, s26;
	s23 =	sadd.s32 s19, s6;
	s24 =	sshrl.u32 s21, $0x3  }
0x1e: {  	s28 =	smax.u32 s8, $0x1;
	[dreg:$0x19] =	wrdreg s31;
	s10 =	simm.s32 $0x3  }
0x1f: {  	s12 =	simm.s32 $0x4;
	s15 =	simm.s32 $0x6;
	[dreg:$0x6] =	wrdreg s20  }
0x20: {  	s16 =	simm.s32 $0x7;
	s18 =	simm.s32 $0x9;
	[dreg:$0x7] =	wrdreg s23  }
0x21: {  	s19 =	simm.s32 $0xA;
	s25 =	sadd.s32 s24, s26;
	[dreg:$0x18] =	wrdreg s28  }
0x22: {  	s21 =	simm.s32 $0xC;
	s30 =	sadd.s32 s24, s6;
	[dreg:$0x8] =	wrdreg s25  }
0x23: {  	s20 =	simm.s32 $0xB;
	[dreg:$0x9] =	wrdreg s30;
	s25 =	simm.s32 $0x50  }
.LBB2_1:
0x24: {  	[dreg:$0x1a] =	wrdreg s1  }
0x25: {  	s5 =	rddreg [dreg:$0xa]  }
0x26: {  	s24 =	rddreg [dreg:$0xb];
	s23 =	sshrl.u32 s5, $0x3  }
0x27: {  	[dreg:$0x1b] =	wrdreg s23  }
0x28: {  	[spmem:s23], [sflag:s22] =	dma.local [hbm:s24], $0xA00  }
0x29: {  	_ =	swait.ge [sflag:s9], $0xA00  }
0x2a: {  	[sflag:s9] =	ssyncset.done $0x0  }
0x2b: {  	[sflag:s9] =	ssyncadd.s32 $0xFFFFF600  }
0x2c: {  	[bflag:$0x0] =	sbarrier.arrive $0xFFFF  }
0x2d: {  	s28 =	rddreg [dreg:$0xd]  }
0x2e: {  	[tilespmem:s4], [sflag:$0x1] =	stream.linear.gather [hbm4b:s28+s4], $0x50, $0x38;
	[tilespmem:$0x7A80] =	vst v63  }
0x2f: {  	s23 =	simm.s32 $0x140;
	s30 =	rddreg [dreg:$0xe]  }
0x30: {  	[tilespmem:s23], [sflag:$0x1] =	stream.linear.gather [hbm4b:s30+s4], $0x50, $0x38;
	[tilespmem:$0x7A80] =	vst v63  }
0x31: {  	s31 =	rddreg [dreg:$0xf]  }
0x32: {  	[tilespmem:s25], [sflag:$0x2] =	stream.linear.gather [hbm4b:s31+s4], $0x50, $0x38;
	[tilespmem:$0x7A80] =	vst v63  }
0x33: {  	s24 =	simm.s32 $0x190;
	s1 =	rddreg [dreg:$0x10]  }
0x34: {  	[tilespmem:s24], [sflag:$0x2] =	stream.linear.gather [hbm4b:s1+s4], $0x50, $0x38;
	[tilespmem:$0x7A80] =	vst v63  }
0x35: {  	s8 =	rddreg [dreg:$0x11]  }
0x36: {  	[tilespmem:s29], [sflag:$0x3] =	stream.linear.gather [hbm4b:s8+s4], $0x50, $0x38;
	[tilespmem:$0x7A80] =	vst v63  }
0x37: {  	s9 =	rddreg [dreg:$0x12];
	s28 =	simm.s32 $0x1E0  }
0x38: {  	[tilespmem:s28], [sflag:$0x3] =	stream.linear.gather [hbm4b:s9+s4], $0x50, $0x38;
	[tilespmem:$0x7A80] =	vst v63  }
0x39: {  	s11 =	rddreg [dreg:$0x13];
	s1 =	simm.s32 $0xF0  }
0x3a: {  	[tilespmem:s1], [sflag:$0x4] =	stream.linear.gather [hbm4b:s11+s4], $0x50, $0x38;
	[tilespmem:$0x7A80] =	vst v63  }
0x3b: {  	s13 =	rddreg [dreg:$0x14];
	s30 =	simm.s32 $0x230  }
0x3c: {  	[tilespmem:s30], [sflag:$0x4] =	stream.linear.gather [hbm4b:s13+s4], $0x50, $0x38;
	[tilespmem:$0x7A80] =	vst v63  }
0x3d: {  	_ =	swait.ge [sflag:s0], $0x50  }
0x3e: {  	[sflag:s0] =	ssyncset.done $0x0  }
0x3f: {  	[sflag:s0] =	ssyncadd.s32 $0xFFFFFFB0  }
0x40: {  	_ =	swait.ge [sflag:s0], $0x50  }
0x41: {  	[sflag:s0] =	ssyncset.done $0x0  }
0x42: {  	s8 =	simm.s32 $0x280;
	[sflag:s0] =	ssyncadd.s32 $0xFFFFFFB0  }
0x43: {  	[tilespmem:s8], [sflag:$0x5] =	stream.indirect.gather [hbm4b:s2+s25], $0x20, s4, s25, $0xb8;
	[tilespmem:$0x7A80] =	vst v63  }
0x44: {  	_ =	swait.ge [sflag:s7], $0x50  }
0x45: {  	[sflag:s7] =	ssyncset.done $0x0  }
0x46: {  	[sflag:s7] =	ssyncadd.s32 $0xFFFFFFB0  }
0x47: {  	_ =	swait.ge [sflag:s7], $0x50  }
0x48: {  	[sflag:s7] =	ssyncset.done $0x0  }
0x49: {  	s11 =	simm.s32 $0xC80;
	[sflag:s7] =	ssyncadd.s32 $0xFFFFFFB0  }
0x4a: {  	[tilespmem:s11], [sflag:$0x6] =	stream.indirect.gather [hbm4b:s2+s25], $0x20, s25, s25, $0xb8;
	[tilespmem:$0x7A80] =	vst v63  }
0x4b: {  	_ =	swait.ge [sflag:s10], $0x50  }
0x4c: {  	[sflag:s10] =	ssyncset.done $0x0  }
0x4d: {  	[sflag:s10] =	ssyncadd.s32 $0xFFFFFFB0  }
0x4e: {  	_ =	swait.ge [sflag:s10], $0x50  }
0x4f: {  	[sflag:s10] =	ssyncset.done $0x0  }
0x50: {  	s13 =	simm.s32 $0x1680;
	[sflag:s10] =	ssyncadd.s32 $0xFFFFFFB0  }
0x51: {  	[tilespmem:s13], [sflag:$0x7] =	stream.indirect.gather [hbm4b:s2+s25], $0x20, s29, s25, $0xb8;
	[tilespmem:$0x7A80] =	vst v63  }
0x52: {  	_ =	swait.ge [sflag:s12], $0x50  }
0x53: {  	[sflag:s12] =	ssyncset.done $0x0  }
0x54: {  	[sflag:s12] =	ssyncadd.s32 $0xFFFFFFB0  }
0x55: {  	_ =	swait.ge [sflag:s12], $0x50  }
0x56: {  	[sflag:s12] =	ssyncset.done $0x0  }
0x57: {  	s14 =	simm.s32 $0x2080;
	s22 =	simm.s32 $0x5;
	[sflag:s12] =	ssyncadd.s32 $0xFFFFFFB0  }
0x58: {  	[tilespmem:s14], [sflag:$0x8] =	stream.indirect.gather [hbm4b:s2+s25], $0x20, s1, s25, $0xb8;
	[tilespmem:$0x7A80] =	vst v63  }
0x59: {  	_ =	swait.ge [sflag:s22], $0xA00  }
0x5a: {  	[sflag:s22] =	ssyncset.done $0x0  }
0x5b: {  	[sflag:s22] =	ssyncadd.s32 $0xFFFFF600  }
0x5c: {  	[spmem:s3] =	stream.indirect.scatter.add.bf16 [tilespmem:s8], [sflag:$0x9], $0x20, s23, s25, $0xb8;
	[tilespmem:$0x7A80] =	vst v63  }
0x5d: {  	_ =	swait.ge [sflag:s15], $0xA00  }
0x5e: {  	[sflag:s15] =	ssyncset.done $0x0  }
0x5f: {  	[sflag:s15] =	ssyncadd.s32 $0xFFFFF600  }
0x60: {  	[spmem:s3] =	stream.indirect.scatter.add.bf16 [tilespmem:s11], [sflag:$0xA], $0x20, s24, s25, $0xb8;
	[tilespmem:$0x7A80] =	vst v63  }
0x61: {  	_ =	swait.ge [sflag:s16], $0xA00  }
0x62: {  	[sflag:s16] =	ssyncset.done $0x0  }
0x63: {  	[sflag:s16] =	ssyncadd.s32 $0xFFFFF600  }
0x64: {  	[spmem:s3] =	stream.indirect.scatter.add.bf16 [tilespmem:s13], [sflag:$0xB], $0x20, s28, s25, $0xb8;
	[tilespmem:$0x7A80] =	vst v63  }
0x65: {  	_ =	swait.ge [sflag:s17], $0xA00  }
0x66: {  	[sflag:s17] =	ssyncset.done $0x0  }
0x67: {  	[sflag:s17] =	ssyncadd.s32 $0xFFFFF600  }
0x68: {  	[spmem:s3] =	stream.indirect.scatter.add.bf16 [tilespmem:s14], [sflag:$0xC], $0x20, s30, s25, $0xb8;
	[tilespmem:$0x7A80] =	vst v63  }
0x69: {  	_ =	swait.ge [sflag:s18], $0xA00  }
0x6a: {  	s5 =	rddreg [dreg:$0x19]  }
0x6b: {  	[sflag:s18] =	ssyncset.done $0x0;
	s31 =	sshrl.u32 s5, $0x3  }
0x6c: {  	[sflag:s18] =	ssyncadd.s32 $0xFFFFF600;
	s14 =	sadd.s32 s6, s31  }
0x6d: {  	[tilespmem:s4], [sflag:$0x1] =	stream.linear.gather [hbm4b:s14+s4], $0x50, $0x38;
	[tilespmem:$0x7A80] =	vst v63  }
0x6e: {  	s9 =	sadd.s32 s26, s31  }
0x6f: {  	[tilespmem:s23], [sflag:$0x1] =	stream.linear.gather [hbm4b:s9+s4], $0x50, $0x38;
	[tilespmem:$0x7A80] =	vst v63  }
0x70: {  	_ =	swait.ge [sflag:s19], $0xA00  }
0x71: {  	s31 =	rddreg [dreg:$0x9];
	[sflag:s19] =	ssyncset.done $0x0  }
0x72: {  	s14 =	rddreg [dreg:$0x8];
	[sflag:s19] =	ssyncadd.s32 $0xFFFFF600;
	s9 =	sadd.s32 $0x0, s31  }
0x73: {  	[tilespmem:s25], [sflag:$0x2] =	stream.linear.gather [hbm4b:s9+s4], $0x50, $0x38;
	[tilespmem:$0x7A80] =	vst v63  }
0x74: {  	s23 =	sadd.s32 $0x0, s14  }
0x75: {  	[tilespmem:s24], [sflag:$0x2] =	stream.linear.gather [hbm4b:s23+s4], $0x50, $0x38;
	[tilespmem:$0x7A80] =	vst v63  }
0x76: {  	_ =	swait.ge [sflag:s20], $0xA00  }
0x77: {  	s31 =	rddreg [dreg:$0x7];
	[sflag:s20] =	ssyncset.done $0x0  }
0x78: {  	s14 =	rddreg [dreg:$0x6];
	[sflag:s20] =	ssyncadd.s32 $0xFFFFF600;
	s9 =	sadd.s32 $0x0, s31  }
0x79: {  	[tilespmem:s29], [sflag:$0x3] =	stream.linear.gather [hbm4b:s9+s4], $0x50, $0x38;
	[tilespmem:$0x7A80] =	vst v63  }
0x7a: {  	s23 =	sadd.s32 $0x0, s14  }
0x7b: {  	[tilespmem:s28], [sflag:$0x3] =	stream.linear.gather [hbm4b:s23+s4], $0x50, $0x38;
	[tilespmem:$0x7A80] =	vst v63  }
0x7c: {  	_ =	swait.ge [sflag:s21], $0xA00  }
0x7d: {  	s24 =	rddreg [dreg:$0x5];
	[sflag:s21] =	ssyncset.done $0x0  }
0x7e: {  	s28 =	rddreg [dreg:$0x4];
	[sflag:s21] =	ssyncadd.s32 $0xFFFFF600;
	s9 =	sadd.s32 $0x0, s24  }
0x7f: {  	[tilespmem:s1], [sflag:$0x4] =	stream.linear.gather [hbm4b:s9+s4], $0x50, $0x38;
	[tilespmem:$0x7A80] =	vst v63  }
0x80: {  	s31 =	sadd.s32 $0x0, s28  }
0x81: {  	[tilespmem:s30], [sflag:$0x4] =	stream.linear.gather [hbm4b:s31+s4], $0x50, $0x38;
	[tilespmem:$0x7A80] =	vst v63  }
0x82: {  	_ =	swait.ge [sflag:s0], $0x50  }
0x83: {  	[sflag:s0] =	ssyncset.done $0x0  }
0x84: {  	[sflag:s0] =	ssyncadd.s32 $0xFFFFFFB0  }
0x85: {  	_ =	swait.ge [sflag:s0], $0x50  }
0x86: {  	[sflag:s0] =	ssyncset.done $0x0  }
0x87: {  	[sflag:s0] =	ssyncadd.s32 $0xFFFFFFB0  }
0x88: {  	[tilespmem:s8], [sflag:$0x5] =	stream.indirect.gather [hbm4b:s2+s25], $0x20, s4, s25, $0xb8;
	[tilespmem:$0x7A80] =	vst v63  }
0x89: {  	_ =	swait.ge [sflag:s7], $0x50  }
0x8a: {  	[sflag:s7] =	ssyncset.done $0x0  }
0x8b: {  	[sflag:s7] =	ssyncadd.s32 $0xFFFFFFB0  }
0x8c: {  	_ =	swait.ge [sflag:s7], $0x50  }
0x8d: {  	[sflag:s7] =	ssyncset.done $0x0  }
0x8e: {  	[sflag:s7] =	ssyncadd.s32 $0xFFFFFFB0  }
0x8f: {  	[tilespmem:s11], [sflag:$0x6] =	stream.indirect.gather [hbm4b:s2+s25], $0x20, s25, s25, $0xb8;
	[tilespmem:$0x7A80] =	vst v63  }
0x90: {  	_ =	swait.ge [sflag:s10], $0x50  }
0x91: {  	[sflag:s10] =	ssyncset.done $0x0  }
0x92: {  	[sflag:s10] =	ssyncadd.s32 $0xFFFFFFB0  }
0x93: {  	_ =	swait.ge [sflag:s10], $0x50  }
0x94: {  	[sflag:s10] =	ssyncset.done $0x0  }
0x95: {  	[sflag:s10] =	ssyncadd.s32 $0xFFFFFFB0  }
0x96: {  	[tilespmem:s13], [sflag:$0x7] =	stream.indirect.gather [hbm4b:s2+s25], $0x20, s29, s25, $0xb8;
	[tilespmem:$0x7A80] =	vst v63  }
0x97: {  	_ =	swait.ge [sflag:s12], $0x50  }
0x98: {  	[sflag:s12] =	ssyncset.done $0x0  }
0x99: {  	[sflag:s12] =	ssyncadd.s32 $0xFFFFFFB0  }
0x9a: {  	_ =	swait.ge [sflag:s12], $0x50  }
0x9b: {  	[sflag:s12] =	ssyncset.done $0x0  }
0x9c: {  	s22 =	sadd.s32 $0x140, s5;
	s23 =	simm.s32 $0x28;
	[sflag:s12] =	ssyncadd.s32 $0xFFFFFFB0  }
.LBB2_2:
0x9d: {  	s1 =	simm.s32 $0xF0;
	s5 =	simm.s32 $0x2080;
	s8 =	simm.s32 $0x5  }
0x9e: {  	[tilespmem:s5], [sflag:$0x8] =	stream.indirect.gather [hbm4b:s2+s25], $0x20, s1, s25, $0xb8;
	[tilespmem:$0x7A80] =	vst v63  }
0x9f: {  	_ =	swait.ge [sflag:s8], $0xA00  }
0xa0: {  	[sflag:s8] =	ssyncset.done $0x0  }
0xa1: {  	s28 =	simm.s32 $0x140;
	s11 =	simm.s32 $0x280;
	[sflag:s8] =	ssyncadd.s32 $0xFFFFF600  }
0xa2: {  	[spmem:s3] =	stream.indirect.scatter.add.bf16 [tilespmem:s11], [sflag:$0x9], $0x20, s28, s25, $0xb8;
	[tilespmem:$0x7A80] =	vst v63  }
0xa3: {  	_ =	swait.ge [sflag:s15], $0xA00  }
0xa4: {  	[sflag:s15] =	ssyncset.done $0x0  }
0xa5: {  	s29 =	simm.s32 $0x190;
	s13 =	simm.s32 $0xC80;
	[sflag:s15] =	ssyncadd.s32 $0xFFFFF600  }
0xa6: {  	[spmem:s3] =	stream.indirect.scatter.add.bf16 [tilespmem:s13], [sflag:$0xA], $0x20, s29, s25, $0xb8;
	[tilespmem:$0x7A80] =	vst v63  }
0xa7: {  	_ =	swait.ge [sflag:s16], $0xA00  }
0xa8: {  	[sflag:s16] =	ssyncset.done $0x0  }
0xa9: {  	s31 =	simm.s32 $0x1E0;
	s14 =	simm.s32 $0x1680;
	[sflag:s16] =	ssyncadd.s32 $0xFFFFF600  }
0xaa: {  	[spmem:s3] =	stream.indirect.scatter.add.bf16 [tilespmem:s14], [sflag:$0xB], $0x20, s31, s25, $0xb8;
	[tilespmem:$0x7A80] =	vst v63  }
0xab: {  	_ =	swait.ge [sflag:s17], $0xA00  }
0xac: {  	[sflag:s17] =	ssyncset.done $0x0  }
0xad: {  	s8 =	simm.s32 $0x230;
	[sflag:s17] =	ssyncadd.s32 $0xFFFFF600  }
0xae: {  	[spmem:s3] =	stream.indirect.scatter.add.bf16 [tilespmem:s5], [sflag:$0xC], $0x20, s8, s25, $0xb8;
	[tilespmem:$0x7A80] =	vst v63  }
0xaf: {  	_ =	swait.ge [sflag:s18], $0xA00  }
0xb0: {  	s5 =	sshrl.u32 s22, $0x3;
	[sflag:s18] =	ssyncset.done $0x0  }
0xb1: {  	s24 =	smov.u32 s6;
	s6 =	sadd.s32 s6, s5;
	[sflag:s18] =	ssyncadd.s32 $0xFFFFF600  }
0xb2: {  	[tilespmem:s4], [sflag:$0x1] =	stream.linear.gather [hbm4b:s6+s4], $0x50, $0x38;
	[tilespmem:$0x7A80] =	vst v63  }
0xb3: {  	s5 =	sadd.s32 s26, s5  }
0xb4: {  	[tilespmem:s28], [sflag:$0x1] =	stream.linear.gather [hbm4b:s5+s4], $0x50, $0x38;
	[tilespmem:$0x7A80] =	vst v63  }
0xb5: {  	_ =	swait.ge [sflag:s19], $0xA00  }
0xb6: {  	s9 =	smov.u32 s23;
	s5 =	rddreg [dreg:$0x9];
	[sflag:s19] =	ssyncset.done $0x0  }
0xb7: {  	s6 =	rddreg [dreg:$0x8];
	[sflag:s19] =	ssyncadd.s32 $0xFFFFF600;
	s5 =	sadd.s32 s9, s5  }
0xb8: {  	[tilespmem:s25], [sflag:$0x2] =	stream.linear.gather [hbm4b:s5+s4], $0x50, $0x38;
	[tilespmem:$0x7A80] =	vst v63  }
0xb9: {  	s6 =	sadd.s32 s9, s6  }
0xba: {  	[tilespmem:s29], [sflag:$0x2] =	stream.linear.gather [hbm4b:s6+s4], $0x50, $0x38;
	[tilespmem:$0x7A80] =	vst v63  }
0xbb: {  	_ =	swait.ge [sflag:s20], $0xA00  }
0xbc: {  	s29 =	simm.s32 $0xA0;
	s5 =	rddreg [dreg:$0x7];
	[sflag:s20] =	ssyncset.done $0x0  }
0xbd: {  	s6 =	rddreg [dreg:$0x6];
	[sflag:s20] =	ssyncadd.s32 $0xFFFFF600;
	s5 =	sadd.s32 s9, s5  }
0xbe: {  	[tilespmem:s29], [sflag:$0x3] =	stream.linear.gather [hbm4b:s5+s4], $0x50, $0x38;
	[tilespmem:$0x7A80] =	vst v63  }
0xbf: {  	s6 =	sadd.s32 s9, s6  }
0xc0: {  	[tilespmem:s31], [sflag:$0x3] =	stream.linear.gather [hbm4b:s6+s4], $0x50, $0x38;
	[tilespmem:$0x7A80] =	vst v63  }
0xc1: {  	_ =	swait.ge [sflag:s21], $0xA00  }
0xc2: {  	s5 =	rddreg [dreg:$0x5];
	[sflag:s21] =	ssyncset.done $0x0  }
0xc3: {  	s6 =	rddreg [dreg:$0x4];
	[sflag:s21] =	ssyncadd.s32 $0xFFFFF600;
	s5 =	sadd.s32 s9, s5  }
0xc4: {  	[tilespmem:s1], [sflag:$0x4] =	stream.linear.gather [hbm4b:s5+s4], $0x50, $0x38;
	[tilespmem:$0x7A80] =	vst v63  }
0xc5: {  	s9 =	sadd.s32 s9, s6  }
0xc6: {  	[tilespmem:s8], [sflag:$0x4] =	stream.linear.gather [hbm4b:s9+s4], $0x50, $0x38;
	[tilespmem:$0x7A80] =	vst v63  }
0xc7: {  	_ =	swait.ge [sflag:s0], $0x50  }
0xc8: {  	[sflag:s0] =	ssyncset.done $0x0  }
0xc9: {  	[sflag:s0] =	ssyncadd.s32 $0xFFFFFFB0  }
0xca: {  	_ =	swait.ge [sflag:s0], $0x50  }
0xcb: {  	[sflag:s0] =	ssyncset.done $0x0  }
0xcc: {  	[sflag:s0] =	ssyncadd.s32 $0xFFFFFFB0  }
0xcd: {  	[tilespmem:s11], [sflag:$0x5] =	stream.indirect.gather [hbm4b:s2+s25], $0x20, s4, s25, $0xb8;
	[tilespmem:$0x7A80] =	vst v63  }
0xce: {  	_ =	swait.ge [sflag:s7], $0x50  }
0xcf: {  	[sflag:s7] =	ssyncset.done $0x0  }
0xd0: {  	[sflag:s7] =	ssyncadd.s32 $0xFFFFFFB0  }
0xd1: {  	_ =	swait.ge [sflag:s7], $0x50  }
0xd2: {  	[sflag:s7] =	ssyncset.done $0x0  }
0xd3: {  	[sflag:s7] =	ssyncadd.s32 $0xFFFFFFB0  }
0xd4: {  	[tilespmem:s13], [sflag:$0x6] =	stream.indirect.gather [hbm4b:s2+s25], $0x20, s25, s25, $0xb8;
	[tilespmem:$0x7A80] =	vst v63  }
0xd5: {  	_ =	swait.ge [sflag:s10], $0x50  }
0xd6: {  	[sflag:s10] =	ssyncset.done $0x0  }
0xd7: {  	[sflag:s10] =	ssyncadd.s32 $0xFFFFFFB0  }
0xd8: {  	_ =	swait.ge [sflag:s10], $0x50  }
0xd9: {  	[sflag:s10] =	ssyncset.done $0x0  }
0xda: {  	[sflag:s10] =	ssyncadd.s32 $0xFFFFFFB0  }
0xdb: {  	[tilespmem:s14], [sflag:$0x7] =	stream.indirect.gather [hbm4b:s2+s25], $0x20, s29, s25, $0xb8;
	[tilespmem:$0x7A80] =	vst v63  }
0xdc: {  	p0 =	sne.s32 s23, $0x488;
	_ =	swait.ge [sflag:s12], $0x50  }
.Ltmp0:
0xdd: {  	s23 =	sadd.s32 $0x28, s23;
	[sflag:s12] =	ssyncset.done $0x0;
	(pc) =	sbr.rel @p0 .LBB2_2-.Ltmp0, $4  }
0xde: {  	s30 =	simm.s32 $0x1E0;
	s22 =	sadd.s32 $0x140, s22;
	[sflag:s12] =	ssyncadd.s32 $0xFFFFFFB0  }
0xdf: {  	s28 =	simm.s32 $0x190;
	s31 =	simm.s32 $0xF0;
	_ =	swait.ge [sflag:s12], $0x50  }
0xe0: {  	s6 =	smov.u32 s24;
	s1 =	simm.s32 $0x230;
	[sflag:s12] =	ssyncset.done $0x0  }
0xe1: {  	s5 =	simm.s32 $0xC80;
	s11 =	simm.s32 $0x1680;
	[sflag:s12] =	ssyncadd.s32 $0xFFFFFFB0  }
0xe2: {  	s13 =	simm.s32 $0x2080;
	s14 =	simm.s32 $0x5  }
0xe3: {  	[tilespmem:s13], [sflag:$0x8] =	stream.indirect.gather [hbm4b:s2+s25], $0x20, s31, s25, $0xb8;
	[tilespmem:$0x7A80] =	vst v63  }
0xe4: {  	_ =	swait.ge [sflag:s14], $0xA00  }
0xe5: {  	[sflag:s14] =	ssyncset.done $0x0  }
0xe6: {  	s9 =	simm.s32 $0x140;
	s8 =	simm.s32 $0x280;
	[sflag:s14] =	ssyncadd.s32 $0xFFFFF600  }
0xe7: {  	[spmem:s3] =	stream.indirect.scatter.add.bf16 [tilespmem:s8], [sflag:$0x9], $0x20, s9, s25, $0xb8;
	[tilespmem:$0x7A80] =	vst v63  }
0xe8: {  	_ =	swait.ge [sflag:s15], $0xA00  }
0xe9: {  	[sflag:s15] =	ssyncset.done $0x0  }
0xea: {  	[sflag:s15] =	ssyncadd.s32 $0xFFFFF600  }
0xeb: {  	[spmem:s3] =	stream.indirect.scatter.add.bf16 [tilespmem:s5], [sflag:$0xA], $0x20, s28, s25, $0xb8;
	[tilespmem:$0x7A80] =	vst v63  }
0xec: {  	_ =	swait.ge [sflag:s16], $0xA00  }
0xed: {  	[sflag:s16] =	ssyncset.done $0x0  }
0xee: {  	[sflag:s16] =	ssyncadd.s32 $0xFFFFF600  }
0xef: {  	[spmem:s3] =	stream.indirect.scatter.add.bf16 [tilespmem:s11], [sflag:$0xB], $0x20, s30, s25, $0xb8;
	[tilespmem:$0x7A80] =	vst v63  }
0xf0: {  	_ =	swait.ge [sflag:s17], $0xA00  }
0xf1: {  	[sflag:s17] =	ssyncset.done $0x0  }
0xf2: {  	[sflag:s17] =	ssyncadd.s32 $0xFFFFF600  }
0xf3: {  	[spmem:s3] =	stream.indirect.scatter.add.bf16 [tilespmem:s13], [sflag:$0xC], $0x20, s1, s25, $0xb8;
	[tilespmem:$0x7A80] =	vst v63  }
0xf4: {  	_ =	swait.ge [sflag:s18], $0xA00  }
0xf5: {  	[sflag:s18] =	ssyncset.done $0x0  }
0xf6: {  	s22 =	rddreg [dreg:$0x15];
	[sflag:s18] =	ssyncadd.s32 $0xFFFFF600  }
0xf7: {  	[tilespmem:s4], [sflag:$0x1] =	stream.linear.gather [hbm4b:s22+s4], $0x50, $0x38;
	[tilespmem:$0x7A80] =	vst v63  }
0xf8: {  	s23 =	rddreg [dreg:$0x16]  }
0xf9: {  	[tilespmem:s9], [sflag:$0x1] =	stream.linear.gather [hbm4b:s23+s4], $0x50, $0x38;
	[tilespmem:$0x7A80] =	vst v63  }
0xfa: {  	_ =	swait.ge [sflag:s0], $0x50  }
0xfb: {  	[sflag:s0] =	ssyncset.done $0x0  }
0xfc: {  	[sflag:s0] =	ssyncadd.s32 $0xFFFFFFB0  }
0xfd: {  	_ =	swait.ge [sflag:s0], $0x50  }
0xfe: {  	[sflag:s0] =	ssyncset.done $0x0  }
0xff: {  	[sflag:s0] =	ssyncadd.s32 $0xFFFFFFB0  }
0x100: {  	[tilespmem:s8], [sflag:$0x5] =	stream.indirect.gather [hbm4b:s2+s25], $0x20, s4, s25, $0xb8;
	[tilespmem:$0x7A80] =	vst v63  }
0x101: {  	_ =	swait.ge [sflag:s14], $0xA00  }
0x102: {  	[sflag:s14] =	ssyncset.done $0x0  }
0x103: {  	[sflag:s14] =	ssyncadd.s32 $0xFFFFF600  }
0x104: {  	[spmem:s3] =	stream.indirect.scatter.add.bf16 [tilespmem:s8], [sflag:$0x9], $0x20, s9, s25, $0xb8;
	[tilespmem:$0x7A80] =	vst v63  }
0x105: {  	_ =	swait.ge [sflag:s18], $0xA00  }
0x106: {  	[sflag:s18] =	ssyncset.done $0x0  }
0x107: {  	[sflag:s18] =	ssyncadd.s32 $0xFFFFF600  }
0x108: {  	_ =	swait.ge [sflag:s19], $0xA00  }
0x109: {  	[sflag:s19] =	ssyncset.done $0x0  }
0x10a: {  	[sflag:s19] =	ssyncadd.s32 $0xFFFFF600  }
0x10b: {  	_ =	swait.ge [sflag:s20], $0xA00  }
0x10c: {  	[sflag:s20] =	ssyncset.done $0x0  }
0x10d: {  	[sflag:s20] =	ssyncadd.s32 $0xFFFFF600  }
0x10e: {  	_ =	swait.ge [sflag:s21], $0xA00  }
0x10f: {  	[sflag:s21] =	ssyncset.done $0x0  }
0x110: {  	[sflag:s21] =	ssyncadd.s32 $0xFFFFF600  }
0x111: {  	[bflag:$0x0] =	sbarrier.arrive $0xFFFF  }
0x112: {  	s22 =	rddreg [dreg:$0xc]  }
0x113: {  	s24 =	rddreg [dreg:$0x17]  }
0x114: {  	s9 =	simm.s32 $0xD;
	s28 =	rddreg [dreg:$0x1b]  }
0x115: {  	[hbm:s24], [sflag:s22] =	dma.local [spmem:s28], $0xA00  }
0x116: {  	_ =	swait.ge [sflag:s9], $0xA00  }
0x117: {  	s30 =	rddreg [dreg:$0x1a]  }
0x118: {  	s31 =	rddreg [dreg:$0x18];
	s1 =	sadd.s32 $0x1, s30  }
0x119: {  	p0 =	sne.s32 s1, s31  }
.Ltmp1:
0x11a: {  	_ = 	snop;
	(pc) =	sbr.rel @p0 .LBB2_1-.Ltmp1, $3  }
0x11b: {  	_ =	sdelay $0x1  }
0x11c: {  	[sflag:s9] =	ssyncset.done $0x0  }
0x11d: {  	[sflag:s9] =	ssyncadd.s32 $0xFFFFF600  }
0x11e: {  	_ =	sfence.sel $0x180000  }
0x11f: {  	[bflag:$0x0] =	sbarrier.arrive $0xFFFF  }
0x120: {  	_ =	strace $0x9000004D  }
0x121: {  	s0 =	stileid.u32;
	[bflag:$0x2] =	sbarrier.arrive $0xFFFF  }
0x122: {  	p0 =	sne.s32 s0, $0x0;
	s0 =	rddreg [dreg:$0x3]  }
0x123: {  	s0 =	sadd.s32 @!p0 $0x100000, s0  }
0x124: {  	[sflag:s0] =	ssyncadd.tile.s32 @!p0 $0x1;
	_ =	shalt  }
.Lfunc_end2:
_tile_overlayer_lowered:
.L_overlay_start_2:
0x125: {  	(tag) =	ssettag $0x2  }
0x126: {  	s0 =	rddreg [dreg:$0x0];
	s2 =	stileid.u32  }
0x127: {  	s1 =	rddreg [dreg:$0x1];
	p0 =	sne.s32 s2, $0x0  }
0x128: {  	s3 =	rddreg [dreg:$0x2];
	[bflag:$0x3] =	sbarrier.arrive $0xFFFF;
	s2 =	simm.s32 @!p0 $0x1C0D  }
0x129: {  	[timem:s3], [sflag:s2] =	dma.local @!p0 [hbm:s0], s1  }
0x12a: {  	s0 =	simm.s32 @!p0 $0xD  }
0x12b: {  	_ =	swait.ge @!p0 [sflag:s0], s1  }
0x12c: {  	s1 =	ssub.s32 @!p0 $0x0, s1;
	[sflag:s0] =	ssyncset.done @!p0 $0x0  }
0x12d: {  	[sflag:s0] =	ssyncadd.s32 @!p0 s1  }
0x12e: {  	[bflag:$0x3] =	sbarrier.arrive $0xFFFF  }
0x12f: {  	_ =	shalt  }

// kernel: kernel.9.cloned.1.call-start
scs
__scs_entry_jumppad:
0x0: {  	(pc) =	sbr.rel $0x88, $3  }
0x1: {  	(tag) =	ssettag $0x0;
	lr =	simm.s32 $0x1  }
0x2: {  	[smem:$0x3F99] =	sst lr;
	_ =	strace $0xD0000000  }
0x3: {  	_ = 	snop  }
0x4: {  	_ = 	snop  }
0x5: {  	_ = 	snop  }
0x6: {  	_ = 	snop  }
0x7: {  	_ = 	snop  }
__scs_overlays_trampoline_lowered:
0x8: {  	[smem:$0x3FA8] =	sst s0  }
0x9: {  	[smem:$0x3FA9] =	sst s1  }
0xa: {  	[smem:$0x3FAA] =	sst s2  }
0xb: {  	[smem:$0x3FAB] =	sst s3  }
0xc: {  	[smem:$0x3FAC] =	sst s4  }
0xd: {  	[smem:$0x3FAD] =	sst s5  }
0xe: {  	[smem:$0x3FAE] =	sst s6  }
0xf: {  	[smem:$0x3FAF] =	sst s7  }
0x10: {  	[smem:$0x3FB0] =	sst s8  }
0x11: {  	[smem:$0x3FB1] =	sst s9;
	s0 =	simm.s32 @!p0 $0x0  }
0x12: {  	s1 =	sld [smem:$0x3F97];
	s0 =	simm.s32 @p0 $0x1  }
0x13: {  	[smem:$0x3FB2] =	sst s0;
	s0 =	simm.s32 @!p1 $0x0  }
0x14: {  	s2 =	sld [smem:$0x3F96];
	s0 =	simm.s32 @p1 $0x1  }
0x15: {  	[smem:$0x3FB3] =	sst s0;
	s0 =	simm.s32 @!p2 $0x0  }
0x16: {  	s3 =	sld [smem:$0x3FDB];
	s0 =	simm.s32 @p2 $0x1  }
0x17: {  	s4 =	simm.s32 $0x1BF5;
	[smem:$0x3FB5] =	sst s0  }
0x18: {  	s0 =	sld [smem:$0x3F98];
	_ =	swait.ge [sflag:s4], $0x0  }
0x19: {  	s7 =	sld [smem:$0x3F99]  }
0x1a: {  	s8 =	sadd.s32 $0xFFFFE003, lr  }
0x1b: {  	s9 =	sadd.s32 $0xFFFFFEF7, lr;
	s5 =	simm.s32 $0xFFFFFFFF;
	p2 =	slt.u32 s8, $0xFFFFF086  }
0x1c: {  	p1 =	slt.u32 s9, $0xF7A;
	s5 =	simm.s32 @!p2 $0x0  }
0x1d: {  	s5 =	simm.s32 @p1 $0x1;
	p0 =	seq.s32 s7, s2  }
0x1e: {  	s7 =	smul.u32 @!p0 $0xF7A, s2;
	p2 =	seq.s32 @!p0 s5, $0x0  }
0x1f: {  	s9 =	smul.u32 $0xF7A, s1;
	s8 =	simm.s32 @!p0 $0x1BF5;
	p2 =	por !p2, p0  }
0x20: {  	[sflag:s8] =	ssyncset.s32 @!p0 $0xFFFFF086;
	s6 =	sadd.s32 @!p0 s3, s7;
	s7 =	simm.s32 @!p0 $0x108  }
0x21: {  	s3 =	sadd.s32 s3, s9;
	s6 =	sadd.s32 @!p0 $0x88, s6;
	s7 =	simm.s32 @p2 $0x1082  }
0x22: {  	[simem:s7], [sflag:s8] =	dma.local @!p0 [hbm:s6], $0xF7A  }
0x23: {  	s9 =	sor.u32 $0xD0000000, s2;
	s6 =	simm.s32 $0x108;
	_ =	swait.ge @!p0 [sflag:s8], $0x0  }
0x24: {  	s3 =	sadd.s32 $0x88, s3;
	s6 =	simm.s32 @!p1 $0x1082;
	[sflag:s4] =	ssyncset.s32 $0xFFFFF086  }
0x25: {  	[simem:s6], [sflag:s4] =	dma.local [hbm:s3], $0xF7A  }
0x26: {  	[smem:$0x3F99] =	sst s1;
	(tag) =	ssettag s2;
	_ =	strace s9  }
0x27: {  	s1 =	sld [smem:$0x3FA9]  }
0x28: {  	s2 =	sld [smem:$0x3FAA]  }
0x29: {  	s4 =	sld [smem:$0x3FAC]  }
0x2a: {  	p0 =	seq.s32 s5, $0x0;
	s5 =	sld [smem:$0x3FAD]  }
0x2b: {  	s6 =	sld [smem:$0x3FAE]  }
0x2c: {  	s7 =	sld [smem:$0x3FAF]  }
0x2d: {  	s3 =	simm.s32 $0x108;
	s8 =	sld [smem:$0x3FB0]  }
0x2e: {  	s3 =	simm.s32 @!p0 $0x1082;
	s9 =	sld [smem:$0x3FB1]  }
0x2f: {  	lr =	sadd.s32 s0, s3;
	s0 =	sld [smem:$0x3FA8]  }
0x30: {  	s3 =	sld [smem:$0x3FAB]  }
0x31: {  	[smem:$0x3FB4] =	sst s10  }
0x32: {  	s10 =	sld [smem:$0x3FB2];
	_ =	sdelay $0x3  }
0x33: {  	p0 =	seq.s32 s10, $0x1;
	s10 =	sld [smem:$0x3FB4];
	_ =	sdelay $0x3  }
0x34: {  	[smem:$0x3FB4] =	sst s10  }
0x35: {  	s10 =	sld [smem:$0x3FB3];
	_ =	sdelay $0x3  }
0x36: {  	p1 =	seq.s32 s10, $0x1;
	s10 =	sld [smem:$0x3FB4];
	_ =	sdelay $0x3  }
0x37: {  	[smem:$0x3FB4] =	sst s10  }
0x38: {  	s10 =	sld [smem:$0x3FB5]  }
0x39: {  	_ = 	snop;
	(pc) =	sbr.ind lr, $3  }
0x3a: {  	_ = 	snop  }
0x3b: {  	_ = 	snop  }
0x3c: {  	p2 =	seq.s32 s10, $0x1;
	s10 =	sld [smem:$0x3FB4]  }
0x3d: {  	_ =	shalt  }
0x3e: {  	_ =	shalt  }
0x3f: {  	_ =	shalt  }
0x40: {  	_ =	shalt  }
0x41: {  	_ =	shalt  }
0x42: {  	_ =	shalt  }
0x43: {  	_ =	shalt  }
0x44: {  	_ =	shalt  }
0x45: {  	_ =	shalt  }
0x46: {  	_ =	shalt  }
0x47: {  	_ =	shalt  }
0x48: {  	_ =	shalt  }
0x49: {  	_ =	shalt  }
0x4a: {  	_ =	shalt  }
0x4b: {  	_ =	shalt  }
0x4c: {  	_ =	shalt  }
0x4d: {  	_ =	shalt  }
0x4e: {  	_ =	shalt  }
0x4f: {  	_ =	shalt  }
0x50: {  	_ =	shalt  }
0x51: {  	_ =	shalt  }
0x52: {  	_ =	shalt  }
0x53: {  	_ =	shalt  }
0x54: {  	_ =	shalt  }
0x55: {  	_ =	shalt  }
0x56: {  	_ =	shalt  }
0x57: {  	_ =	shalt  }
0x58: {  	_ =	shalt  }
0x59: {  	_ =	shalt  }
0x5a: {  	_ =	shalt  }
0x5b: {  	_ =	shalt  }
0x5c: {  	_ =	shalt  }
0x5d: {  	_ =	shalt  }
0x5e: {  	_ =	shalt  }
0x5f: {  	_ =	shalt  }
0x60: {  	_ =	shalt  }
0x61: {  	_ =	shalt  }
0x62: {  	_ =	shalt  }
0x63: {  	_ =	shalt  }
0x64: {  	_ =	shalt  }
0x65: {  	_ =	shalt  }
0x66: {  	_ =	shalt  }
0x67: {  	_ =	shalt  }
0x68: {  	_ =	shalt  }
0x69: {  	_ =	shalt  }
0x6a: {  	_ =	shalt  }
0x6b: {  	_ =	shalt  }
0x6c: {  	_ =	shalt  }
0x6d: {  	_ =	shalt  }
0x6e: {  	_ =	shalt  }
0x6f: {  	_ =	shalt  }
0x70: {  	_ =	shalt  }
0x71: {  	_ =	shalt  }
0x72: {  	_ =	shalt  }
0x73: {  	_ =	shalt  }
0x74: {  	_ =	shalt  }
0x75: {  	_ =	shalt  }
0x76: {  	_ =	shalt  }
0x77: {  	_ =	shalt  }
0x78: {  	_ =	shalt  }
0x79: {  	_ =	shalt  }
0x7a: {  	_ =	shalt  }
0x7b: {  	_ =	shalt  }
0x7c: {  	_ =	shalt  }
0x7d: {  	_ =	shalt  }
0x7e: {  	_ =	shalt  }
0x7f: {  	_ =	shalt  }
0x80: {  	_ =	shalt  }
0x81: {  	_ =	shalt  }
0x82: {  	_ =	shalt  }
0x83: {  	_ =	shalt  }
0x84: {  	_ =	shalt  }
0x85: {  	_ =	shalt  }
0x86: {  	_ =	shalt  }
0x87: {  	_ =	shalt  }
.Lfunc_end0:
.L_simem_size_0:
called_computation_lowered:
.L_overlay_start_0:
0x88: {  	s2 =	sld [smem:$0x3FD9]  }
0x89: {  	s3 =	sld [smem:$0x3FFE];
	_ =	sdelay $0x1  }
0x8a: {  	s1 =	srdreg.scid  }
0x8b: {  	s0 =	sand.u32 $0x1, s1  }
0x8c: {  	s17 =	sshll.u32 s0, $0xA;
	s2 =	sadd.s32 s3, s2  }
0x8d: {  	s2 =	sadd.s32 s2, s17  }
0x8e: {  	[smem:$0x3FC0] =	sst s2  }
0x8f: {  	_ = 	snop  }
0x90: {  	s2 =	sld [smem:$0x3FD0];
	(tm) =	ssettm $0x1  }
0x91: {  	s18 =	sld [smem:$0x3FFB];
	_ =	sdelay $0x3  }
0x92: {  	_ =	strace s18  }
0x93: {  	s3 =	sld [smem:$0x3FFC];
	_ =	sdelay $0x3  }
0x94: {  	_ =	strace s3  }
0x95: {  	s3 =	sld [smem:$0x3FFD];
	_ =	sdelay $0x3  }
0x96: {  	_ =	strace s3  }
0x97: {  	_ =	strace $0x8FFFFFFF  }
0x98: {  	s19 =	sld [smem:$0x3FDB];
	_ =	sdelay $0x1  }
0x99: {  	s4 =	simm.s32 $_scs_section_size  }
0x9a: {  	s5 =	simm.s32 $_size__tile_overlayer_lowered;
	s6 =	simm.s32 $_tile_overlayer_lowered  }
0x9b: {  	s22 =	simm.s32 $0x1BFF;
	s21 =	sshll.u32 s6, $0x1;
	s3 =	sadd.s32 s4, s19  }
0x9c: {  	s7 =	simm.s32 $0x0;
	s20 =	sshll.u32 s5, $0x1;
	s5 =	sadd.s32 s21, s3  }
0x9d: {  	[timem:s7], [sflag:s22] =	dma.local [hbm:s5], s20  }
0x9e: {  	_ =	swait.ge [sflag:s22], s20  }
0x9f: {  	s4 =	ssub.s32 $0x0, s20;
	[sflag:s22] =	ssyncset.done $0x0  }
0xa0: {  	[sflag:s22] =	ssyncadd.s32 s4;
	_ =	sdelay $0x1  }
0xa1: {  	s23 =	simm.s32 $0x1B8B  }
0xa2: {  	_ =	swait.ge [sflag:s23], $0x1  }
0xa3: {  	[sflag:s23] =	ssyncset.done $0x0  }
0xa4: {  	s25 =	simm.s32 $0x1B8E;
	s24 =	sld [smem:$0x3FFE];
	[sflag:s23] =	ssyncadd.s32 $0xFFFFFFFF  }
0xa5: {  	s26 =	simm.s32 $execute0_lowered;
	[smem:$0x3FD2] =	sst s25  }
0xa6: {  	s5 =	sshll.u32 s26, $0x1;
	_ =	strace $0x80000046;
	[dreg:$0x1] =	wrdreg $0xFFFFFFFF  }
0xa7: {  	s28 =	simm.s32 $_size_execute0_lowered;
	s3 =	sadd.s32 s3, s5;
	[dreg:$0x0] =	wrdreg $0x0  }
0xa8: {  	s5 =	sshll.u32 s28, $0x1;
	[dreg:$0x2] =	wrdreg s3  }
0xa9: {  	[dreg:$0x3] =	wrdreg s5  }
0xaa: {  	[dreg:$0x4] =	wrdreg $0xC0  }
0xab: {  	_ =	task [dreg:s7], $0x5FFFF  }
0xac: {  	[dreg:$0x1] =	wrdreg $0xFFFFFFFF  }
0xad: {  	[dreg:$0x0] =	wrdreg $0x60  }
0xae: {  	[dreg:$0x2] =	wrdreg s24  }
0xaf: {  	[dreg:$0x3] =	wrdreg s2  }
0xb0: {  	[dreg:$0x4] =	wrdreg $0x5000  }
0xb1: {  	[dreg:$0x5] =	wrdreg $0x7800  }
0xb2: {  	[dreg:$0x6] =	wrdreg $0x9  }
0xb3: {  	_ =	task.clear_ibuf [dreg:s7], $0x7FFFF;
	_ =	strace $0x90000046  }
0xb4: {  	s29 =	simm.s32 $0x9;
	_ =	strace $0x80000048  }
0xb5: {  	_ =	swait.ge [sflag:s29], $0x1  }
0xb6: {  	[sflag:s29] =	ssyncadd.s32 $0xFFFFFFFF  }
0xb7: {  	_ =	strace $0x90000048  }
0xb8: {  	_ =	sfence  }
0xb9: {  	s30 =	sld [smem:$0x0];
	_ =	sdelay $0x2  }
0xba: {  	s31 =	sshll.u32 s1, $0xD;
	s1 =	sshrl.u32 s1, $0x2  }
0xbb: {  	s3 =	sand.u32 $0x4000, s31;
	s1 =	sadd.s32 s1, s30  }
0xbc: {  	s0 =	sor.u32 s3, s0;
	s1 =	sshll.u32 s1, $0x11  }
0xbd: {  	s0 =	sor.u32 s1, s0  }
0xbe: {  	s0 =	sadd.s32 $0x8F2B, s0  }
0xbf: {  	[sflag:s0] =	ssyncadd.remote.s32 $0x1  }
0xc0: {  	_ =	sfence.sel $0xFFFF  }
0xc1: {  	[dreg:$0x0] =	wrdreg $0xFFFFFFFF;
	(pc) =	sbr.abs _section_cstart, $3  }
0xc2: {  	[dreg:$0x1] =	wrdreg $0xFFFFFFFF  }
0xc3: {  	_ =	task.clear_ibuf [dreg:s7], $0x2FFFF;
	_ =	strace $0x9FFFFFFF  }
0xc4: {  	(tm) =	ssettm $0x7FFFFFFF  }
0xc5: {  	_ =	shalt  }
tec
execute0_lowered:
.L_overlay_start_1:
0x0: {  	(tag) =	ssettag $0x1  }
0x1: {  	s0 =	rddreg [dreg:$0x0]  }
0x2: {  	s6 =	rddreg [dreg:$0x1]  }
0x3: {  	s1 =	rddreg [dreg:$0x2]  }
0x4: {  	s2 =	rddreg [dreg:$0x3];
	s3 =	simm.s32 $0x0;
	s4 =	srdreg.scid  }
0x5: {  	s8 =	stileid.u32;
	s28 =	simm.s32 $0x200;
	s29 =	simm.s32 $0x2  }
0x6: {  	s30 =	simm.s32 $0x3;
	s31 =	simm.s32 $0x4;
	[smem:$0x7FF] =	sst s3  }
0x7: {  	s7 =	sand.u32 $0x1, s4;
	s4 =	sadd.s32 $0xBA00, s0;
	s11 =	smul.u32 $0x280, s8  }
0x8: {  	s5 =	sadd.s32 $0x1C00, s0;
	s12 =	smul.u32 $0x2710, s8;
	p0 =	sne.s32 s8, $0x0  }
0x9: {  	_ =	strace $0x80000047;
	s14 =	sshll.u32 s7, $0x4;
	s9 =	ssub.s32 $0x2, s7  }
0xa: {  	s7 =	smul.u32 $0x27100, s7;
	s10 =	sor.u32 s8, s14;
	s18 =	sshrl.u32 s9, $0x1  }
0xb: {  	s19 =	sadd.s32 s11, s1;
	s20 =	sadd.s32 s11, s2;
	s14 =	sadd.s32 s6, s14  }
0xc: {  	s10 =	smul.u32 $0x2710, s10;
	s0 =	ssub.s32 s9, s18;
	[dreg:$0x5] =	wrdreg s19  }
0xd: {  	[dreg:$0x6] =	wrdreg s20;
	s7 =	sadd.s32 s12, s7;
	s20 =	simm.s32 $0x280  }
0xe: {  	s16 =	sadd.s32 $0xF0, s7;
	s19 =	sadd.s32 $0xA0, s7;
	s21 =	sshrl.u32 s10, $0x3  }
0xf: {  	s26 =	sshrl.u32 s16, $0x3;
	s16 =	smax.u32 s0, $0x1;
	s0 =	simm.s32 $0x0  }
0x10: {  	s22 =	sadd.s32 s4, s21;
	s23 =	sadd.s32 s5, s21;
	s13 =	sadd.s32 $0xA, s21  }
0x11: {  	s15 =	sadd.s32 $0x4D8, s21;
	s17 =	sadd.s32 s26, s5;
	s18 =	sadd.s32 s26, s4  }
0x12: {  	s21 =	simm.s32 $0x5;
	s26 =	simm.s32 $0x50;
	[dreg:$0x7] =	wrdreg s22  }
0x13: {  	[dreg:$0x8] =	wrdreg s23;
	s24 =	sadd.s32 s4, s13;
	s25 =	sadd.s32 s5, s13  }
0x14: {  	s12 =	sadd.s32 s4, s15;
	s13 =	sadd.s32 s5, s15;
	s15 =	sadd.s32 $0xA00, s14  }
0x15: {  	s22 =	simm.s32 $0x100;
	s23 =	simm.s32 $0x80;
	[dreg:$0x9] =	wrdreg s24  }
0x16: {  	v0 =	vimm.f32 $1.000000000e+00;
	v1 =	vimm.f32 $0.0e+00;
	[dreg:$0xa] =	wrdreg s25;
	s24 =	simm.s32 $0x180;
	s25 =	simm.s32 $0x1  }
.LBB2_1:
0x17: {  	[tilespmem:$0x200] =	vst v0  }
0x18: {  	[tilespmem:$0x210] =	vst v0  }
0x19: {  	[tilespmem:$0x220] =	vst v0  }
0x1a: {  	[tilespmem:$0x230] =	vst v0  }
0x1b: {  	[tilespmem:$0x240] =	vst v0  }
0x1c: {  	[tilespmem:$0x280] =	vst v1  }
0x1d: {  	[tilespmem:$0x290] =	vst v1  }
0x1e: {  	[tilespmem:$0x2A0] =	vst v1  }
0x1f: {  	[tilespmem:$0x2B0] =	vst v1  }
0x20: {  	[tilespmem:$0x2C0] =	vst v1  }
0x21: {  	[tilespmem:$0x2D0] =	vst v1  }
0x22: {  	[tilespmem:$0x2E0] =	vst v1  }
0x23: {  	[tilespmem:$0x2F0] =	vst v1  }
0x24: {  	[tilespmem:$0x300] =	vst v1  }
0x25: {  	[tilespmem:$0x310] =	vst v1  }
0x26: {  	[tilespmem:$0x320] =	vst v1  }
0x27: {  	[tilespmem:$0x330] =	vst v1  }
0x28: {  	[tilespmem:$0x340] =	vst v1  }
0x29: {  	[tilespmem:$0x350] =	vst v1  }
0x2a: {  	[tilespmem:$0x360] =	vst v1  }
0x2b: {  	[tilespmem:$0x370] =	vst v1  }
0x2c: {  	[tilespmem:$0x380] =	vst v1  }
0x2d: {  	[tilespmem:$0x390] =	vst v1  }
0x2e: {  	[tilespmem:$0x3A0] =	vst v1  }
0x2f: {  	[tilespmem:$0x3B0] =	vst v1  }
0x30: {  	[tilespmem:$0x3C0] =	vst v1  }
0x31: {  	[tilespmem:$0x3D0] =	vst v1  }
0x32: {  	[tilespmem:$0x3E0] =	vst v1  }
0x33: {  	[tilespmem:$0x3F0] =	vst v1  }
0x34: {  	[tilespmem:$0x400] =	vst v1  }
0x35: {  	[tilespmem:$0x410] =	vst v1  }
0x36: {  	[tilespmem:$0x420] =	vst v1  }
0x37: {  	[tilespmem:$0x430] =	vst v1  }
0x38: {  	[tilespmem:$0x440] =	vst v1  }
0x39: {  	[tilespmem:$0x450] =	vst v1  }
0x3a: {  	[tilespmem:$0x460] =	vst v1  }
0x3b: {  	[tilespmem:$0x470] =	vst v1  }
0x3c: {  	[tilespmem:$0x480] =	vst v1  }
0x3d: {  	[tilespmem:$0x490] =	vst v1  }
0x3e: {  	[tilespmem:$0x4A0] =	vst v1  }
0x3f: {  	[tilespmem:$0x4B0] =	vst v1  }
0x40: {  	[tilespmem:$0x4C0] =	vst v1  }
0x41: {  	[tilespmem:$0x4D0] =	vst v1  }
0x42: {  	[tilespmem:$0x4E0] =	vst v1  }
0x43: {  	[tilespmem:$0x4F0] =	vst v1;
	s6 =	rddreg [dreg:$0x5]  }
0x44: {  	[spmem:s6] =	stream.linear.scatter [tilespmem:s20], [sflag:$0x5], $0x280, $0x38;
	[tilespmem:$0xA00] =	vst v63  }
0x45: {  	_ =	swait.ge [sflag:s21], $0x280  }
0x46: {  	[sflag:s21] =	ssyncset.done $0x0  }
0x47: {  	s10 =	rddreg [dreg:$0x6];
	[sflag:s21] =	ssyncadd.s32 $0xFFFFFD80  }
0x48: {  	[spmem:s10] =	stream.linear.scatter [tilespmem:s20], [sflag:$0x5], $0x280, $0x38;
	[tilespmem:$0xA00] =	vst v63  }
0x49: {  	_ =	swait.ge [sflag:s21], $0x280  }
0x4a: {  	[sflag:s21] =	ssyncset.done $0x0  }
0x4b: {  	[sflag:s21] =	ssyncadd.s32 $0xFFFFFD80  }
0x4c: {  	[bflag:$0x0] =	sbarrier.arrive $0xFFFF  }
0x4d: {  	s11 =	rddreg [dreg:$0x7]  }
0x4e: {  	[tilespmem:s3], [sflag:$0x1] =	stream.linear.gather [hbm4b:s11+s3], $0x50, $0x38;
	[tilespmem:$0xA00] =	vst v63  }
0x4f: {  	s7 =	rddreg [dreg:$0x8]  }
0x50: {  	[tilespmem:s22], [sflag:$0x1] =	stream.linear.gather [hbm4b:s7+s3], $0x50, $0x38;
	[tilespmem:$0xA00] =	vst v63  }
0x51: {  	s8 =	rddreg [dreg:$0x9]  }
0x52: {  	[tilespmem:s23], [sflag:$0x2] =	stream.linear.gather [hbm4b:s8+s3], $0x50, $0x38;
	[tilespmem:$0xA00] =	vst v63  }
0x53: {  	s9 =	rddreg [dreg:$0xa]  }
0x54: {  	[tilespmem:s24], [sflag:$0x2] =	stream.linear.gather [hbm4b:s9+s3], $0x50, $0x38;
	[tilespmem:$0xA00] =	vst v63  }
0x55: {  	_ =	swait.ge [sflag:s25], $0x50  }
0x56: {  	[sflag:s25] =	ssyncset.done $0x0  }
0x57: {  	[sflag:s25] =	ssyncadd.s32 $0xFFFFFFB0  }
0x58: {  	_ =	swait.ge [sflag:s25], $0x50  }
0x59: {  	[sflag:s25] =	ssyncset.done $0x0  }
0x5a: {  	[sflag:s25] =	ssyncadd.s32 $0xFFFFFFB0  }
0x5b: {  	[spmem:s1] =	stream.indirect.scatter.add.f32 [tilespmem:s28], [sflag:$0x3], $0x1, s3, s26, $0xb8;
	[tilespmem:$0xA00] =	vst v63  }
0x5c: {  	_ = 	snop  }
0x5d: {  	[spmem:s2] =	stream.indirect.scatter.add.f32 [tilespmem:s28], [sflag:$0x3], $0x1, s22, s26, $0xb8;
	[tilespmem:$0xA00] =	vst v63  }
0x5e: {  	_ =	swait.ge [sflag:s29], $0x50  }
0x5f: {  	[sflag:s29] =	ssyncset.done $0x0  }
0x60: {  	[sflag:s29] =	ssyncadd.s32 $0xFFFFFFB0  }
0x61: {  	_ =	swait.ge [sflag:s29], $0x50  }
0x62: {  	[sflag:s29] =	ssyncset.done $0x0  }
0x63: {  	[sflag:s29] =	ssyncadd.s32 $0xFFFFFFB0  }
0x64: {  	[spmem:s1] =	stream.indirect.scatter.add.f32 [tilespmem:s28], [sflag:$0x4], $0x1, s23, s26, $0xb8;
	[tilespmem:$0xA00] =	vst v63  }
0x65: {  	_ = 	snop  }
0x66: {  	[spmem:s2] =	stream.indirect.scatter.add.f32 [tilespmem:s28], [sflag:$0x4], $0x1, s24, s26, $0xb8;
	[tilespmem:$0xA00] =	vst v63  }
0x67: {  	_ =	swait.ge [sflag:s30], $0x50  }
0x68: {  	[sflag:s30] =	ssyncset.done $0x0  }
0x69: {  	[sflag:s30] =	ssyncadd.s32 $0xFFFFFFB0  }
0x6a: {  	_ =	swait.ge [sflag:s30], $0x50  }
0x6b: {  	s10 =	sshrl.u32 s19, $0x3;
	[sflag:s30] =	ssyncset.done $0x0  }
0x6c: {  	s7 =	sadd.s32 s4, s10;
	[sflag:s30] =	ssyncadd.s32 $0xFFFFFFB0  }
0x6d: {  	[tilespmem:s3], [sflag:$0x1] =	stream.linear.gather [hbm4b:s7+s3], $0x50, $0x38;
	[tilespmem:$0xA00] =	vst v63  }
0x6e: {  	s6 =	sadd.s32 s5, s10  }
0x6f: {  	[tilespmem:s22], [sflag:$0x1] =	stream.linear.gather [hbm4b:s6+s3], $0x50, $0x38;
	[tilespmem:$0xA00] =	vst v63  }
0x70: {  	_ =	swait.ge [sflag:s31], $0x50  }
0x71: {  	[sflag:s31] =	ssyncset.done $0x0  }
0x72: {  	[sflag:s31] =	ssyncadd.s32 $0xFFFFFFB0  }
0x73: {  	_ =	swait.ge [sflag:s31], $0x50  }
0x74: {  	s11 =	sadd.s32 $0x0, s18;
	s8 =	sadd.s32 $0x0, s17;
	[sflag:s31] =	ssyncset.done $0x0  }
0x75: {  	s7 =	sadd.s32 $0xA0, s19;
	s6 =	simm.s32 $0x14;
	[sflag:s31] =	ssyncadd.s32 $0xFFFFFFB0  }
0x76: {  	[tilespmem:s23], [sflag:$0x2] =	stream.linear.gather [hbm4b:s11+s3], $0x50, $0x38;
	[tilespmem:$0xA00] =	vst v63  }
.LBB2_2:
0x77: {  	[tilespmem:s24], [sflag:$0x2] =	stream.linear.gather [hbm4b:s8+s3], $0x50, $0x38;
	[tilespmem:$0xA00] =	vst v63  }
0x78: {  	s8 =	smov.u32 s6  }
0x79: {  	p1 =	sne.s32 s6, $0x4B0;
	s6 =	sadd.s32 $0x14, s6;
	_ =	swait.ge [sflag:s25], $0x50  }
0x7a: {  	[sflag:s25] =	ssyncset.done $0x0  }
0x7b: {  	[sflag:s25] =	ssyncadd.s32 $0xFFFFFFB0  }
0x7c: {  	_ =	swait.ge [sflag:s25], $0x50  }
0x7d: {  	[sflag:s25] =	ssyncset.done $0x0  }
0x7e: {  	[sflag:s25] =	ssyncadd.s32 $0xFFFFFFB0  }
0x7f: {  	[spmem:s1] =	stream.indirect.scatter.add.f32 [tilespmem:s28], [sflag:$0x3], $0x1, s3, s26, $0xb8;
	[tilespmem:$0xA00] =	vst v63  }
0x80: {  	_ = 	snop  }
0x81: {  	[spmem:s2] =	stream.indirect.scatter.add.f32 [tilespmem:s28], [sflag:$0x3], $0x1, s22, s26, $0xb8;
	[tilespmem:$0xA00] =	vst v63  }
0x82: {  	_ =	swait.ge [sflag:s29], $0x50  }
0x83: {  	[sflag:s29] =	ssyncset.done $0x0  }
0x84: {  	[sflag:s29] =	ssyncadd.s32 $0xFFFFFFB0  }
0x85: {  	_ =	swait.ge [sflag:s29], $0x50  }
0x86: {  	[sflag:s29] =	ssyncset.done $0x0  }
0x87: {  	[sflag:s29] =	ssyncadd.s32 $0xFFFFFFB0  }
0x88: {  	[spmem:s1] =	stream.indirect.scatter.add.f32 [tilespmem:s28], [sflag:$0x4], $0x1, s23, s26, $0xb8;
	[tilespmem:$0xA00] =	vst v63  }
0x89: {  	_ = 	snop  }
0x8a: {  	[spmem:s2] =	stream.indirect.scatter.add.f32 [tilespmem:s28], [sflag:$0x4], $0x1, s24, s26, $0xb8;
	[tilespmem:$0xA00] =	vst v63  }
0x8b: {  	_ =	swait.ge [sflag:s30], $0x50  }
0x8c: {  	[sflag:s30] =	ssyncset.done $0x0  }
0x8d: {  	[sflag:s30] =	ssyncadd.s32 $0xFFFFFFB0  }
0x8e: {  	_ =	swait.ge [sflag:s30], $0x50  }
0x8f: {  	s9 =	sshrl.u32 s7, $0x3;
	[sflag:s30] =	ssyncset.done $0x0  }
0x90: {  	s10 =	sadd.s32 s4, s9;
	[sflag:s30] =	ssyncadd.s32 $0xFFFFFFB0  }
0x91: {  	[tilespmem:s3], [sflag:$0x1] =	stream.linear.gather [hbm4b:s10+s3], $0x50, $0x38;
	[tilespmem:$0xA00] =	vst v63  }
0x92: {  	s9 =	sadd.s32 s5, s9  }
0x93: {  	[tilespmem:s22], [sflag:$0x1] =	stream.linear.gather [hbm4b:s9+s3], $0x50, $0x38;
	[tilespmem:$0xA00] =	vst v63  }
0x94: {  	_ =	swait.ge [sflag:s31], $0x50  }
0x95: {  	[sflag:s31] =	ssyncset.done $0x0  }
0x96: {  	[sflag:s31] =	ssyncadd.s32 $0xFFFFFFB0  }
.Ltmp0:
0x97: {  	_ =	swait.ge [sflag:s31], $0x50;
	(pc) =	sbr.rel @p1 .LBB2_2-.Ltmp0, $4  }
0x98: {  	[sflag:s31] =	ssyncset.done $0x0  }
0x99: {  	s9 =	sadd.s32 s8, s18;
	[sflag:s31] =	ssyncadd.s32 $0xFFFFFFB0  }
0x9a: {  	[tilespmem:s23], [sflag:$0x2] =	stream.linear.gather [hbm4b:s9+s3], $0x50, $0x38;
	[tilespmem:$0xA00] =	vst v63  }
0x9b: {  	s7 =	sadd.s32 $0xA0, s7;
	s8 =	sadd.s32 s8, s17  }
0x9c: {  	[tilespmem:s24], [sflag:$0x2] =	stream.linear.gather [hbm4b:s8+s3], $0x50, $0x38;
	[tilespmem:$0xA00] =	vst v63  }
0x9d: {  	_ =	swait.ge [sflag:s25], $0x50  }
0x9e: {  	[sflag:s25] =	ssyncset.done $0x0  }
0x9f: {  	[sflag:s25] =	ssyncadd.s32 $0xFFFFFFB0  }
0xa0: {  	_ =	swait.ge [sflag:s25], $0x50  }
0xa1: {  	[sflag:s25] =	ssyncset.done $0x0  }
0xa2: {  	[sflag:s25] =	ssyncadd.s32 $0xFFFFFFB0  }
0xa3: {  	[spmem:s1] =	stream.indirect.scatter.add.f32 [tilespmem:s28], [sflag:$0x3], $0x1, s3, s26, $0xb8;
	[tilespmem:$0xA00] =	vst v63  }
0xa4: {  	_ = 	snop  }
0xa5: {  	[spmem:s2] =	stream.indirect.scatter.add.f32 [tilespmem:s28], [sflag:$0x3], $0x1, s22, s26, $0xb8;
	[tilespmem:$0xA00] =	vst v63  }
0xa6: {  	_ =	swait.ge [sflag:s29], $0x50  }
0xa7: {  	[sflag:s29] =	ssyncset.done $0x0  }
0xa8: {  	[sflag:s29] =	ssyncadd.s32 $0xFFFFFFB0  }
0xa9: {  	_ =	swait.ge [sflag:s29], $0x50  }
0xaa: {  	[sflag:s29] =	ssyncset.done $0x0  }
0xab: {  	[sflag:s29] =	ssyncadd.s32 $0xFFFFFFB0  }
0xac: {  	[spmem:s1] =	stream.indirect.scatter.add.f32 [tilespmem:s28], [sflag:$0x4], $0x1, s23, s26, $0xb8;
	[tilespmem:$0xA00] =	vst v63  }
0xad: {  	_ = 	snop  }
0xae: {  	[spmem:s2] =	stream.indirect.scatter.add.f32 [tilespmem:s28], [sflag:$0x4], $0x1, s24, s26, $0xb8;
	[tilespmem:$0xA00] =	vst v63  }
0xaf: {  	_ =	swait.ge [sflag:s30], $0x50  }
0xb0: {  	[sflag:s30] =	ssyncset.done $0x0  }
0xb1: {  	[sflag:s30] =	ssyncadd.s32 $0xFFFFFFB0  }
0xb2: {  	_ =	swait.ge [sflag:s30], $0x50  }
0xb3: {  	[sflag:s30] =	ssyncset.done $0x0  }
0xb4: {  	[sflag:s30] =	ssyncadd.s32 $0xFFFFFFB0  }
0xb5: {  	[tilespmem:s3], [sflag:$0x1] =	stream.linear.gather [hbm4b:s12+s3], $0x50, $0x38;
	[tilespmem:$0xA00] =	vst v63  }
0xb6: {  	_ = 	snop  }
0xb7: {  	[tilespmem:s22], [sflag:$0x1] =	stream.linear.gather [hbm4b:s13+s3], $0x50, $0x38;
	[tilespmem:$0xA00] =	vst v63  }
0xb8: {  	_ =	swait.ge [sflag:s25], $0x50  }
0xb9: {  	[sflag:s25] =	ssyncset.done $0x0  }
0xba: {  	[sflag:s25] =	ssyncadd.s32 $0xFFFFFFB0  }
0xbb: {  	_ =	swait.ge [sflag:s25], $0x50  }
0xbc: {  	[sflag:s25] =	ssyncset.done $0x0  }
0xbd: {  	[sflag:s25] =	ssyncadd.s32 $0xFFFFFFB0  }
0xbe: {  	[spmem:s1] =	stream.indirect.scatter.add.f32 [tilespmem:s28], [sflag:$0x3], $0x1, s3, s26, $0xb8;
	[tilespmem:$0xA00] =	vst v63  }
0xbf: {  	_ = 	snop  }
0xc0: {  	[spmem:s2] =	stream.indirect.scatter.add.f32 [tilespmem:s28], [sflag:$0x3], $0x1, s22, s26, $0xb8;
	[tilespmem:$0xA00] =	vst v63  }
0xc1: {  	_ =	swait.ge [sflag:s30], $0x50  }
0xc2: {  	[sflag:s30] =	ssyncset.done $0x0  }
0xc3: {  	[sflag:s30] =	ssyncadd.s32 $0xFFFFFFB0  }
0xc4: {  	_ =	swait.ge [sflag:s30], $0x50  }
0xc5: {  	[sflag:s30] =	ssyncset.done $0x0  }
0xc6: {  	[sflag:s30] =	ssyncadd.s32 $0xFFFFFFB0  }
0xc7: {  	_ =	swait.ge [sflag:s31], $0x50  }
0xc8: {  	[sflag:s31] =	ssyncset.done $0x0  }
0xc9: {  	[sflag:s31] =	ssyncadd.s32 $0xFFFFFFB0  }
0xca: {  	_ =	swait.ge [sflag:s31], $0x50  }
0xcb: {  	s6 =	sshrl.u32 @!p0 s1, $0x3;
	[sflag:s31] =	ssyncset.done $0x0  }
0xcc: {  	s7 =	simm.s32 @!p0 $0x1;
	s8 =	simm.s32 @!p0 $0x20;
	[sflag:s31] =	ssyncadd.s32 $0xFFFFFFB0  }
0xcd: {  	s9 =	simm.s32 @!p0 $0x10;
	s10 =	simm.s32 @!p0 $0x1C05;
	[bflag:$0x0] =	sbarrier.arrive $0xFFFF  }
0xce: {  	[hbm:s14@s8], [sflag:s10] =	dma.strided @!p0 [spmem:s6@s9], $0x500, s7, $0x10   }
0xcf: {  	s6 =	simm.s32 @!p0 $0x5  }
0xd0: {  	s0 =	sadd.s32 $0x1, s0;
	_ =	swait.ge @!p0 [sflag:s6], $0x500  }
0xd1: {  	p1 =	sne.s32 s0, s16;
	[sflag:s6] =	ssyncset.done @!p0 $0x0  }
.Ltmp1:
0xd2: {  	s11 =	sshrl.u32 @!p0 s2, $0x3;
	[sflag:s6] =	ssyncadd.s32 @!p0 $0xFFFFFB00;
	(pc) =	sbr.rel @p1 .LBB2_1-.Ltmp1, $4  }
0xd3: {  	[hbm:s15@s8], [sflag:s10] =	dma.strided @!p0 [spmem:s11@s9], $0x500, s7, $0x10   }
0xd4: {  	_ =	swait.ge @!p0 [sflag:s6], $0x500  }
0xd5: {  	[sflag:s6] =	ssyncset.done @!p0 $0x0  }
0xd6: {  	[sflag:s6] =	ssyncadd.s32 @!p0 $0xFFFFFB00  }
0xd7: {  	_ =	sfence.sel $0x180000  }
0xd8: {  	[bflag:$0x0] =	sbarrier.arrive $0xFFFF  }
0xd9: {  	_ =	strace $0x90000047  }
0xda: {  	[bflag:$0x2] =	sbarrier.arrive $0xFFFF  }
0xdb: {  	s0 =	rddreg [dreg:$0x4]  }
0xdc: {  	s0 =	sadd.s32 @!p0 $0x100000, s0  }
0xdd: {  	[sflag:s0] =	ssyncadd.tile.s32 @!p0 $0x1;
	_ =	shalt  }
.Lfunc_end2:
_tile_overlayer_lowered:
.L_overlay_start_2:
0xde: {  	(tag) =	ssettag $0x2  }
0xdf: {  	s0 =	rddreg [dreg:$0x0];
	s2 =	stileid.u32  }
0xe0: {  	s1 =	rddreg [dreg:$0x1];
	p0 =	sne.s32 s2, $0x0  }
0xe1: {  	s3 =	rddreg [dreg:$0x2];
	[bflag:$0x3] =	sbarrier.arrive $0xFFFF;
	s2 =	simm.s32 @!p0 $0x1C05  }
0xe2: {  	[timem:s3], [sflag:s2] =	dma.local @!p0 [hbm:s0], s1  }
0xe3: {  	s0 =	simm.s32 @!p0 $0x5  }
0xe4: {  	_ =	swait.ge @!p0 [sflag:s0], s1  }
0xe5: {  	s1 =	ssub.s32 @!p0 $0x0, s1;
	[sflag:s0] =	ssyncset.done @!p0 $0x0  }
0xe6: {  	[sflag:s0] =	ssyncadd.s32 @!p0 s1  }
0xe7: {  	[bflag:$0x3] =	sbarrier.arrive $0xFFFF  }
0xe8: {  	_ =	shalt  }

</sc_bundles>
